<compile_context>
chip_gen: v7x
topology: tpu7x:2x2x1
jax: 0.10.2.dev20260603
libtpu: 0.0.44.dev20260713+nightly
codegen_flags: <defaults>
</compile_context>

<pallas_src>
import functools

import jax
import jax.numpy as jnp
from jax import lax
from jax.experimental import pallas as pl
from jax.experimental.pallas import tpu as pltpu
from jax.experimental.pallas import tpu_sc as plsc

N = 10000
E = 320000
IN_DIM = 16
HID = 128
HH = HID // 2

NC = 2
NS = 16

CHUNK = 128
EPT = E // NS
NCH = EPT // CHUNK
TAIL = EPT - NCH * CHUNK
ACC_R = 10112
RPT = ACC_R // NS
NBUF = 4
G = 3


RC = 2000


def _sc_aggregate(h_split, edges):
    mesh = plsc.VectorSubcoreMesh(core_axis_name="c", subcore_axis_name="s")

    @functools.partial(
        pl.kernel,
        out_type=(
            jax.ShapeDtypeStruct((NC, N, HH), jnp.float32),
            jax.ShapeDtypeStruct((N // RC, NS, RC), jnp.float32),
        ),
        mesh=mesh,
        scratch_types=(
            pltpu.VMEM((EPT,), jnp.int32),
            pltpu.VMEM((EPT,), jnp.int32),
            pltpu.VMEM((NBUF, CHUNK, HH), jnp.float32),
            pltpu.VMEM((ACC_R,), jnp.float32),
            pltpu.VMEM_SHARED((ACC_R, HH), jnp.float32),
            pltpu.SemaphoreType.DMA,
            pltpu.SemaphoreType.DMA,
        ),
        compiler_params=pltpu.CompilerParams(needs_layout_passes=False,
                                             use_tc_tiling_on_sc=False),
    )
    def agg(h_hbm, edges_hbm, msum_out, deg_out,
            srcv, dstv, rows, degl, acc, gsem, ssem):
        cid = lax.axis_index("c")
        sid = lax.axis_index("s")

        eb = sid * EPT
        pltpu.sync_copy(edges_hbm.at[0, pl.ds(eb, EPT)], srcv)
        pltpu.sync_copy(edges_hbm.at[1, pl.ds(eb, EPT)], dstv)

        def zero_rows(i, _):
            r = i // (HH // 16)
            c = i % (HH // 16)
            rows[0, r, pl.ds(c * 16, 16)] = jnp.zeros((16,), jnp.float32)
            return 0
        lax.fori_loop(0, CHUNK * (HH // 16), zero_rows, 0)

        zb = sid * RPT
        off = 0
        while off < RPT:
            sz = min(CHUNK, RPT - off)
            pltpu.sync_copy(rows.at[0, pl.ds(0, sz)],
                            acc.at[pl.ds(zb + off, sz)])
            off += sz
        plsc.subcore_barrier()

        ones16 = jnp.ones((16,), jnp.float32)
        h_c = h_hbm.at[cid]

        def g_fire(j):
            jm = lax.rem(j, NCH)
            pltpu.async_copy(h_c.at[srcv.at[pl.ds(jm * CHUNK, CHUNK)]],
                             rows.at[lax.rem(j, NBUF)], gsem)

        def g_wait(j):
            jm = lax.rem(j, NCH)
            pltpu.make_async_copy(h_c.at[srcv.at[pl.ds(jm * CHUNK, CHUNK)]],
                                  rows.at[lax.rem(j, NBUF)], gsem).wait()

        def s_fire(j):
            jm = lax.rem(j, NCH)
            pltpu.async_copy(rows.at[lax.rem(j, NBUF)],
                             acc.at[dstv.at[pl.ds(jm * CHUNK, CHUNK)]],
                             ssem, add=True)

        def s_wait(j):
            jm = lax.rem(j, NCH)
            pltpu.make_async_copy(rows.at[lax.rem(j, NBUF)],
                                  acc.at[dstv.at[pl.ds(jm * CHUNK, CHUNK)]],
                                  ssem).wait()

        for j in range(G):
            g_fire(j)

        def zero_deg(i, _):
            degl[pl.ds(i * 16, 16)] = jnp.zeros((16,), jnp.float32)
            return 0
        lax.fori_loop(0, ACC_R // 16, zero_deg, 0)

        def chunk_body(j, _):
            g_wait(j)

            @pl.when(j >= NBUF - G)
            def _():
                s_wait(j - (NBUF - G))

            @pl.when(j + G < NCH)
            def _():
                g_fire(j + G)

            s_fire(j)

            def deg_body(i, _):
                d16 = dstv[pl.ds(j * CHUNK + i * 16, 16)]
                plsc.addupdate_scatter(degl, [d16], ones16)
                return 0
            lax.fori_loop(0, CHUNK // 16, deg_body, 0)
            return 0

        lax.fori_loop(0, NCH, chunk_body, 0)
        for j in range(NCH - (NBUF - G), NCH):
            s_wait(j)

        tb = NCH * CHUNK
        pltpu.async_copy(h_c.at[srcv.at[pl.ds(tb, TAIL)]],
                         rows.at[0, pl.ds(0, TAIL)], gsem)
        pltpu.make_async_copy(h_c.at[srcv.at[pl.ds(tb, TAIL)]],
                              rows.at[0, pl.ds(0, TAIL)], gsem).wait()
        pltpu.async_copy(rows.at[0, pl.ds(0, TAIL)],
                         acc.at[dstv.at[pl.ds(tb, TAIL)]], ssem, add=True)
        pltpu.make_async_copy(rows.at[0, pl.ds(0, TAIL)],
                              acc.at[dstv.at[pl.ds(tb, TAIL)]], ssem).wait()

        def tail_deg(i, _):
            d16 = dstv[pl.ds(tb + i * 16, 16)]
            plsc.addupdate_scatter(degl, [d16], ones16)
            return 0
        lax.fori_loop(0, TAIL // 16, tail_deg, 0)
        plsc.subcore_barrier()

        ob = sid * 624
        pltpu.sync_copy(acc.at[pl.ds(ob, 624)],
                        msum_out.at[cid, pl.ds(ob, 624)])

        @pl.when(sid == NS - 1)
        def _():
            pltpu.sync_copy(acc.at[pl.ds(16 * 624, N - 16 * 624)],
                            msum_out.at[cid, pl.ds(16 * 624, N - 16 * 624)])

        @pl.when(cid == 0)
        def _():
            for k in range(N // RC):
                pltpu.sync_copy(degl.at[pl.ds(k * RC, RC)],
                                deg_out.at[k, sid])

    return agg(h_split, edges)


def _tc_init(features, W_init, b_init):
    R = 2000

    def body(x_ref, w_ref, b_ref, o_ref, oc_ref):
        y = jnp.dot(x_ref[...], w_ref[...], preferred_element_type=jnp.float32)
        y = jnp.maximum(y + b_ref[...], 0.0)
        o_ref[...] = y
        oc_ref[0] = y[:, :HH]
        oc_ref[1] = y[:, HH:]

    return pl.pallas_call(
        body,
        grid=(N // R,),
        in_specs=[
            pl.BlockSpec((R, IN_DIM), lambda i: (i, 0)),
            pl.BlockSpec((IN_DIM, HID), lambda i: (0, 0)),
            pl.BlockSpec((1, HID), lambda i: (0, 0)),
        ],
        out_specs=[
            pl.BlockSpec((R, HID), lambda i: (i, 0)),
            pl.BlockSpec((NC, R, HH), lambda i: (0, i, 0)),
        ],
        out_shape=[
            jax.ShapeDtypeStruct((N, HID), jnp.float32),
            jax.ShapeDtypeStruct((NC, N, HH), jnp.float32),
        ],
    )(features, W_init, b_init.reshape(1, HID))


def _tc_combine(h, msum, deg_t, W_self, b_self, W_neigh, b_neigh, act,
                split_out):
    R = RC

    def body(h_ref, m_ref, d_ref, ws_ref, wn_ref, bs_ref, bn_ref, *outs):
        h_blk = h_ref[...]
        msum_blk = jnp.concatenate([m_ref[0], m_ref[1]], axis=1)
        deg = jnp.sum(d_ref[0], axis=0)
        h_neigh = msum_blk / jnp.clip(deg, 1.0)[:, None]
        out = (jnp.dot(h_blk, ws_ref[...], preferred_element_type=jnp.float32)
               + jnp.dot(h_neigh, wn_ref[...],
                         preferred_element_type=jnp.float32)
               + bs_ref[...] + bn_ref[...])
        if act:
            out = jnp.maximum(out, 0.0)
        outs[0][...] = out
        if split_out:
            outs[1][0] = out[:, :HH]
            outs[1][1] = out[:, HH:]

    out_specs = [pl.BlockSpec((R, HID), lambda i: (i, 0))]
    out_shape = [jax.ShapeDtypeStruct((N, HID), jnp.float32)]
    if split_out:
        out_specs.append(pl.BlockSpec((NC, R, HH), lambda i: (0, i, 0)))
        out_shape.append(jax.ShapeDtypeStruct((NC, N, HH), jnp.float32))

    return pl.pallas_call(
        body,
        grid=(N // R,),
        in_specs=[
            pl.BlockSpec((R, HID), lambda i: (i, 0)),
            pl.BlockSpec((NC, R, HH), lambda i: (0, i, 0)),
            pl.BlockSpec((1, NS, R), lambda i: (i, 0, 0)),
            pl.BlockSpec((HID, HID), lambda i: (0, 0)),
            pl.BlockSpec((HID, HID), lambda i: (0, 0)),
            pl.BlockSpec((1, HID), lambda i: (0, 0)),
            pl.BlockSpec((1, HID), lambda i: (0, 0)),
        ],
        out_specs=out_specs,
        out_shape=out_shape,
    )(h, msum, deg_t, W_self, W_neigh,
      b_self.reshape(1, HID), b_neigh.reshape(1, HID))


def kernel(features, edge_index0, edge_index1, W_init, b_init,
           W_self, b_self, W_neigh, b_neigh):
    e0 = edge_index0.astype(jnp.int32)
    e1 = edge_index1.astype(jnp.int32)

    h, hc = _tc_init(features, W_init, b_init)
    msum, deg_p = _sc_aggregate(hc, e0)
    h, hc = _tc_combine(h, msum, deg_p, W_self, b_self,
                        W_neigh, b_neigh, act=True, split_out=True)
    msum, deg_p = _sc_aggregate(hc, e1)
    (h,) = _tc_combine(h, msum, deg_p, W_self, b_self,
                       W_neigh, b_neigh, act=False, split_out=False)
    return h

# --- scband reference (transcript-rebuilt; emitter-appended) ---
"""Pipeline reference for scband-abgnn-11708080849339 (READ-ONLY COPY).

The authoritative reference and input builder live on the scoring server;
editing this copy changes nothing except your own understanding.
"""

import jax, jax.numpy as jnp
import numpy as np

N_NODES = 10000
E_EDGES = 320000
IN_DIM = 16
HID = 128


def setup_inputs(seed: int = 0) -> dict:
    key = jax.random.key(seed)
    ks = jax.random.split(key, 10)
    features = jax.random.normal(ks[0], (N_NODES, IN_DIM), dtype=jnp.float32)
    edge_index0 = jax.random.randint(ks[1], (2, E_EDGES), 0, N_NODES, dtype=jnp.int64)
    edge_index1 = jax.random.randint(ks[2], (2, E_EDGES), 0, N_NODES, dtype=jnp.int64)
    # learned parameters
    W_init = jax.random.normal(ks[3], (IN_DIM, HID), dtype=jnp.float32) * (1.0 / np.sqrt(IN_DIM))
    b_init = jnp.zeros((HID,), dtype=jnp.float32)
    W_self = jax.random.normal(ks[4], (HID, HID), dtype=jnp.float32) * (1.0 / np.sqrt(HID))
    b_self = jnp.zeros((HID,), dtype=jnp.float32)
    W_neigh = jax.random.normal(ks[5], (HID, HID), dtype=jnp.float32) * (1.0 / np.sqrt(HID))
    b_neigh = jnp.zeros((HID,), dtype=jnp.float32)
    return {
        "features": features,
        "edge_index0": edge_index0,
        "edge_index1": edge_index1,
        "W_init": W_init,
        "b_init": b_init,
        "W_self": W_self,
        "b_self": b_self,
        "W_neigh": W_neigh,
        "b_neigh": b_neigh,
    }


def _sage_conv(act_flag, edge_index, h, W_self, b_self, W_neigh, b_neigh):
    # SAGEConv(aggregator_type='mean', combine_type='sum', include=False)
    src = edge_index[0]
    dst = edge_index[1]
    n = h.shape[0]
    msg = jnp.take(h, src, axis=0)                       # gather  [E, HID]
    msum = jax.ops.segment_sum(msg, dst, num_segments=n)  # scatter-add [N, HID]
    deg = jax.ops.segment_sum(jnp.ones((edge_index.shape[1],), h.dtype), dst, num_segments=n)
    h_neigh = msum / jnp.clip(deg, 1.0)[:, None]           # mean aggregation
    rst = (h @ W_self + b_self) + (h_neigh @ W_neigh + b_neigh)  # combine_type='sum'
    if act_flag:
        rst = jax.nn.relu(rst)
    return rst


def reference(features, edge_index0, edge_index1, W_init, b_init, W_self, b_self, W_neigh, b_neigh):
    # h = activation(fc_init(features))
    h = jax.nn.relu(features @ W_init + b_init)
    depth = 2
    blocks = [edge_index0, edge_index1]
    for i in range(depth):
        # dropout is identity in eval mode
        act_flag = i != depth - 1
        h = _sage_conv(act_flag, blocks[i], h, W_self, b_self, W_neigh, b_neigh)
    # h.squeeze(1) is a no-op for [N, 128]
    return h

if __name__ == "__main__":
    import jax
    _d = setup_inputs()
    print(jax.jit(kernel)(*tuple(_d.values())))

</pallas_src>

<mosaic_0001>
#map = affine_map<(d0, d1) -> (0, 0, 0)>
#map1 = affine_map<(d0, d1) -> (0, 0)>
module attributes {stable_mosaic.version = 14 : i64} {
  func.func @agg(%arg0: i32, %arg1: i32, %arg2: memref<2x10000x64xf32, #tpu.memory_space<hbm>>, %arg3: memref<2x320000xi32, #tpu.memory_space<hbm>>, %arg4: memref<2x10000x64xf32, #tpu.memory_space<hbm>>, %arg5: memref<5x16x2000xf32, #tpu.memory_space<hbm>>, %arg6: memref<20000xi32, #tpu.memory_space<vmem>>, %arg7: memref<20000xi32, #tpu.memory_space<vmem>>, %arg8: memref<4x128x64xf32, #tpu.memory_space<vmem>>, %arg9: memref<10112xf32, #tpu.memory_space<vmem>>, %arg10: memref<10112x64xf32, #tpu.memory_space<vmem_shared>>, %arg11: memref<!tpu.dma_semaphore, #tpu.memory_space<semaphore_mem>>, %arg12: memref<!tpu.dma_semaphore, #tpu.memory_space<semaphore_mem>>) attributes {dimension_semantics = [#tpu.dimension_semantics<core_parallel>, #tpu.dimension_semantics<subcore_parallel>], iteration_bounds = array<i64: 2, 16>, scalar_prefetch = 0 : i64, scratch_operands = 7 : i64, tpu.core_type = #tpu.core_type<sc_vector_subcore>, window_params = [{transform_indices = #map}, {transform_indices = #map1}, {transform_indices = #map}, {transform_indices = #map}]} {
    %mul3A = arith.constant 20000 : i32
    %mul3A_0 = arith.muli %arg1, %mul3A : i32
    %run_scoped3A = arith.constant 0 : i32
    "tpu.region"() ({
      %run_scoped3A_177 = tpu.sem_alloc : memref<!tpu.dma_semaphore, #tpu.memory_space<semaphore_mem>>
      %dma_start3A_178 = tpu.memref_slice %arg3[%run_scoped3A, %mul3A_0] : memref<2x320000xi32, #tpu.memory_space<hbm>> -> memref<1x20000xi32, #tpu.memory_space<hbm>>
      %dma_start3A_179 = tpu.memref_squeeze %dma_start3A_178 : memref<1x20000xi32, #tpu.memory_space<hbm>> -> memref<20000xi32, #tpu.memory_space<hbm>>
      %dma_start3A_180 = tpu.memref_slice %arg3[%run_scoped3A, %mul3A_0] : memref<2x320000xi32, #tpu.memory_space<hbm>> -> memref<1x20000xi32, #tpu.memory_space<hbm>>
      %dma_start3A_181 = tpu.memref_squeeze %dma_start3A_180 : memref<1x20000xi32, #tpu.memory_space<hbm>> -> memref<20000xi32, #tpu.memory_space<hbm>>
      tpu.enqueue_dma source(%dma_start3A_181 : memref<20000xi32, #tpu.memory_space<hbm>>) target(%arg6 : memref<20000xi32, #tpu.memory_space<vmem>>) target_semaphore(%run_scoped3A_177 : memref<!tpu.dma_semaphore, #tpu.memory_space<semaphore_mem>>)
      %dma_wait3A_182 = tpu.memref_slice %arg3[%run_scoped3A, %mul3A_0] : memref<2x320000xi32, #tpu.memory_space<hbm>> -> memref<1x20000xi32, #tpu.memory_space<hbm>>
      %dma_wait3A_183 = tpu.memref_squeeze %dma_wait3A_182 : memref<1x20000xi32, #tpu.memory_space<hbm>> -> memref<20000xi32, #tpu.memory_space<hbm>>
      %dma_wait3A_184 = tpu.memref_slice %arg3[%run_scoped3A, %mul3A_0] : memref<2x320000xi32, #tpu.memory_space<hbm>> -> memref<1x20000xi32, #tpu.memory_space<hbm>>
      %dma_wait3A_185 = tpu.memref_squeeze %dma_wait3A_184 : memref<1x20000xi32, #tpu.memory_space<hbm>> -> memref<20000xi32, #tpu.memory_space<hbm>>
      tpu.wait_dma2 semaphore(%run_scoped3A_177 : memref<!tpu.dma_semaphore, #tpu.memory_space<semaphore_mem>>) src(%dma_wait3A_185 : memref<20000xi32, #tpu.memory_space<hbm>>) dst(%arg6 : memref<20000xi32, #tpu.memory_space<vmem>>)
      tpu.yield
    }) : () -> ()
    %run_scoped3A_1 = arith.constant 1 : i32
    "tpu.region"() ({
      %run_scoped3A_177 = tpu.sem_alloc : memref<!tpu.dma_semaphore, #tpu.memory_space<semaphore_mem>>
      %dma_start3A_178 = tpu.memref_slice %arg3[%run_scoped3A_1, %mul3A_0] : memref<2x320000xi32, #tpu.memory_space<hbm>> -> memref<1x20000xi32, #tpu.memory_space<hbm>>
      %dma_start3A_179 = tpu.memref_squeeze %dma_start3A_178 : memref<1x20000xi32, #tpu.memory_space<hbm>> -> memref<20000xi32, #tpu.memory_space<hbm>>
      %dma_start3A_180 = tpu.memref_slice %arg3[%run_scoped3A_1, %mul3A_0] : memref<2x320000xi32, #tpu.memory_space<hbm>> -> memref<1x20000xi32, #tpu.memory_space<hbm>>
      %dma_start3A_181 = tpu.memref_squeeze %dma_start3A_180 : memref<1x20000xi32, #tpu.memory_space<hbm>> -> memref<20000xi32, #tpu.memory_space<hbm>>
      tpu.enqueue_dma source(%dma_start3A_181 : memref<20000xi32, #tpu.memory_space<hbm>>) target(%arg7 : memref<20000xi32, #tpu.memory_space<vmem>>) target_semaphore(%run_scoped3A_177 : memref<!tpu.dma_semaphore, #tpu.memory_space<semaphore_mem>>)
      %dma_wait3A_182 = tpu.memref_slice %arg3[%run_scoped3A_1, %mul3A_0] : memref<2x320000xi32, #tpu.memory_space<hbm>> -> memref<1x20000xi32, #tpu.memory_space<hbm>>
      %dma_wait3A_183 = tpu.memref_squeeze %dma_wait3A_182 : memref<1x20000xi32, #tpu.memory_space<hbm>> -> memref<20000xi32, #tpu.memory_space<hbm>>
      %dma_wait3A_184 = tpu.memref_slice %arg3[%run_scoped3A_1, %mul3A_0] : memref<2x320000xi32, #tpu.memory_space<hbm>> -> memref<1x20000xi32, #tpu.memory_space<hbm>>
      %dma_wait3A_185 = tpu.memref_squeeze %dma_wait3A_184 : memref<1x20000xi32, #tpu.memory_space<hbm>> -> memref<20000xi32, #tpu.memory_space<hbm>>
      tpu.wait_dma2 semaphore(%run_scoped3A_177 : memref<!tpu.dma_semaphore, #tpu.memory_space<semaphore_mem>>) src(%dma_wait3A_185 : memref<20000xi32, #tpu.memory_space<hbm>>) dst(%arg7 : memref<20000xi32, #tpu.memory_space<vmem>>)
      tpu.yield
    }) : () -> ()
    %scan3A = arith.constant 0 : i32
    %scan3A_2 = arith.constant 0 : i32
    %scan3A_3 = arith.constant 512 : i32
    %scan3A_4 = arith.addi %scan3A_2, %scan3A_3 : i32
    %scan3A_5 = arith.constant 1 : i32
    %scan3A_6 = scf.for %scan3A_177 = %scan3A_2 to %scan3A_4 step %scan3A_5 iter_args(%scan3A_178 = %scan3A) -> (i32)  : i32 {
      %jit3A = arith.constant 4 : i32
      %div3A = arith.divsi %scan3A_177, %jit3A : i32
      %sign3A = arith.constant 0 : i32
      %sign3A_179 = arith.cmpi sgt, %scan3A_177, %sign3A : i32
      %sign3A_180 = arith.extui %sign3A_179 : i1 to i32
      %sign3A_181 = arith.constant 0 : i32
      %sign3A_182 = arith.cmpi slt, %scan3A_177, %sign3A_181 : i32
      %sign3A_183 = arith.extui %sign3A_182 : i1 to i32
      %sign3A_184 = arith.subi %sign3A_180, %sign3A_183 : i32
      %sign3A_185 = arith.constant 0 : i32
      %sign3A_186 = arith.cmpi sgt, %jit3A, %sign3A_185 : i32
      %sign3A_187 = arith.extui %sign3A_186 : i1 to i32
      %sign3A_188 = arith.constant 0 : i32
      %sign3A_189 = arith.cmpi slt, %jit3A, %sign3A_188 : i32
      %sign3A_190 = arith.extui %sign3A_189 : i1 to i32
      %sign3A_191 = arith.subi %sign3A_187, %sign3A_190 : i32
      %ne3A = arith.cmpi ne, %sign3A_184, %sign3A_191 : i32
      %rem3A_192 = arith.remsi %scan3A_177, %jit3A : i32
      %ne3A_193 = arith.constant 0 : i32
      %ne3A_194 = arith.cmpi ne, %rem3A_192, %ne3A_193 : i32
      %and3A = arith.andi %ne3A, %ne3A_194 : i1
      %sub3A = arith.constant 1 : i32
      %sub3A_195 = arith.subi %div3A, %sub3A : i32
      %select_n3A = arith.select %and3A, %sub3A_195, %div3A : i32
      %jit3A_196 = arith.constant 4 : i32
      %eq3A_197 = arith.constant 0 : i32
      %eq3A_198 = arith.cmpi eq, %jit3A_196, %eq3A_197 : i32
      %jit3A_199 = arith.constant 1 : i32
      %select_n3A_200 = arith.select %eq3A_198, %jit3A_199, %jit3A_196 : i32
      %rem3A_201 = arith.remsi %scan3A_177, %select_n3A_200 : i32
      %ne3A_202 = arith.constant 0 : i32
      %ne3A_203 = arith.cmpi ne, %rem3A_201, %ne3A_202 : i32
      %lt3A = arith.constant 0 : i32
      %lt3A_204 = arith.cmpi slt, %rem3A_201, %lt3A : i32
      %lt3A_205 = arith.constant 0 : i32
      %lt3A_206 = arith.cmpi slt, %select_n3A_200, %lt3A_205 : i32
      %ne3A_207 = arith.xori %lt3A_204, %lt3A_206 : i1
      %and3A_208 = arith.andi %ne3A_207, %ne3A_203 : i1
      %add3A_209 = arith.addi %rem3A_201, %select_n3A_200 : i32
      %select_n3A_210 = arith.select %and3A_208, %add3A_209, %rem3A_201 : i32
      %broadcast_in_dim3A_211 = arith.constant 0.000000e+00 : f32
      %broadcast_in_dim3A_212 = vector.broadcast %broadcast_in_dim3A_211 : f32 to vector<16xf32>
      %mul3A_213 = arith.constant 16 : i32
      %mul3A_214 = arith.muli %select_n3A_210, %mul3A_213 : i32
      %swap3A = arith.constant 0 : i32
      %swap3A_215 = arith.index_cast %swap3A : i32 to index
      %swap3A_216 = arith.index_cast %select_n3A : i32 to index
      %swap3A_217 = arith.index_cast %mul3A_214 : i32 to index
      %swap3A_218 = tpu.vector_load %arg8[%swap3A_215, %swap3A_216, %swap3A_217] {strides = array<i32>} : memref<4x128x64xf32, #tpu.memory_space<vmem>>, vector<16xf32>,
      tpu.vector_store %arg8[%swap3A_215, %swap3A_216, %swap3A_217], %broadcast_in_dim3A_212 {strides = array<i32>} : memref<4x128x64xf32, #tpu.memory_space<vmem>>, vector<16xf32>,
      %scan3A_219 = arith.constant 0 : i32
      scf.yield %scan3A_219 : i32
    }
    %scan3A_7 = arith.constant 512 : i32
    %mul3A_8 = arith.constant 632 : i32
    %mul3A_9 = arith.muli %arg1, %mul3A_8 : i32
    %add3A = arith.constant 0 : i32
    %add3A_10 = arith.addi %mul3A_9, %add3A : i32
    %run_scoped3A_11 = arith.constant 0 : i32
    "tpu.region"() ({
      %run_scoped3A_177 = tpu.sem_alloc : memref<!tpu.dma_semaphore, #tpu.memory_space<semaphore_mem>>
      %dma_start3A_178 = arith.constant 0 : i32
      %dma_start3A_179 = arith.constant 0 : i32
      %dma_start3A_180 = tpu.memref_slice %arg8[%run_scoped3A_11, %dma_start3A_178, %dma_start3A_179] : memref<4x128x64xf32, #tpu.memory_space<vmem>> -> memref<1x128x64xf32, #tpu.memory_space<vmem>>
      %dma_start3A_181 = tpu.memref_squeeze %dma_start3A_180 : memref<1x128x64xf32, #tpu.memory_space<vmem>> -> memref<128x64xf32, #tpu.memory_space<vmem>>
      %dma_start3A_182 = arith.constant 0 : i32
      %dma_start3A_183 = tpu.memref_slice %arg10[%add3A_10, %dma_start3A_182] : memref<10112x64xf32, #tpu.memory_space<vmem_shared>> -> memref<128x64xf32, #tpu.memory_space<vmem_shared>>
      %dma_start3A_184 = arith.constant 0 : i32
      %dma_start3A_185 = tpu.memref_slice %arg10[%add3A_10, %dma_start3A_184] : memref<10112x64xf32, #tpu.memory_space<vmem_shared>> -> memref<128x64xf32, #tpu.memory_space<vmem_shared>>
      %dma_start3A_186 = arith.constant 0 : i32
      %dma_start3A_187 = arith.constant 0 : i32
      %dma_start3A_188 = tpu.memref_slice %arg8[%run_scoped3A_11, %dma_start3A_186, %dma_start3A_187] : memref<4x128x64xf32, #tpu.memory_space<vmem>> -> memref<1x128x64xf32, #tpu.memory_space<vmem>>
      %dma_start3A_189 = tpu.memref_squeeze %dma_start3A_188 : memref<1x128x64xf32, #tpu.memory_space<vmem>> -> memref<128x64xf32, #tpu.memory_space<vmem>>
      tpu.enqueue_dma source(%dma_start3A_189 : memref<128x64xf32, #tpu.memory_space<vmem>>) target(%dma_start3A_185 : memref<128x64xf32, #tpu.memory_space<vmem_shared>>) target_semaphore(%run_scoped3A_177 : memref<!tpu.dma_semaphore, #tpu.memory_space<semaphore_mem>>)
      %dma_wait3A_190 = arith.constant 0 : i32
      %dma_wait3A_191 = arith.constant 0 : i32
      %dma_wait3A_192 = tpu.memref_slice %arg8[%run_scoped3A_11, %dma_wait3A_190, %dma_wait3A_191] : memref<4x128x64xf32, #tpu.memory_space<vmem>> -> memref<1x128x64xf32, #tpu.memory_space<vmem>>
      %dma_wait3A_193 = tpu.memref_squeeze %dma_wait3A_192 : memref<1x128x64xf32, #tpu.memory_space<vmem>> -> memref<128x64xf32, #tpu.memory_space<vmem>>
      %dma_wait3A_194 = arith.constant 0 : i32
      %dma_wait3A_195 = tpu.memref_slice %arg10[%add3A_10, %dma_wait3A_194] : memref<10112x64xf32, #tpu.memory_space<vmem_shared>> -> memref<128x64xf32, #tpu.memory_space<vmem_shared>>
      %dma_wait3A_196 = arith.constant 0 : i32
      %dma_wait3A_197 = tpu.memref_slice %arg10[%add3A_10, %dma_wait3A_196] : memref<10112x64xf32, #tpu.memory_space<vmem_shared>> -> memref<128x64xf32, #tpu.memory_space<vmem_shared>>
      %dma_wait3A_198 = arith.constant 0 : i32
      %dma_wait3A_199 = arith.constant 0 : i32
      %dma_wait3A_200 = tpu.memref_slice %arg8[%run_scoped3A_11, %dma_wait3A_198, %dma_wait3A_199] : memref<4x128x64xf32, #tpu.memory_space<vmem>> -> memref<1x128x64xf32, #tpu.memory_space<vmem>>
      %dma_wait3A_201 = tpu.memref_squeeze %dma_wait3A_200 : memref<1x128x64xf32, #tpu.memory_space<vmem>> -> memref<128x64xf32, #tpu.memory_space<vmem>>
      tpu.wait_dma2 semaphore(%run_scoped3A_177 : memref<!tpu.dma_semaphore, #tpu.memory_space<semaphore_mem>>) src(%dma_wait3A_201 : memref<128x64xf32, #tpu.memory_space<vmem>>) dst(%dma_wait3A_197 : memref<128x64xf32, #tpu.memory_space<vmem_shared>>)
      tpu.yield
    }) : () -> ()
    %add3A_12 = arith.constant 128 : i32
    %add3A_13 = arith.addi %mul3A_9, %add3A_12 : i32
    %run_scoped3A_14 = arith.constant 0 : i32
    "tpu.region"() ({
      %run_scoped3A_177 = tpu.sem_alloc : memref<!tpu.dma_semaphore, #tpu.memory_space<semaphore_mem>>
      %dma_start3A_178 = arith.constant 0 : i32
      %dma_start3A_179 = arith.constant 0 : i32
      %dma_start3A_180 = tpu.memref_slice %arg8[%run_scoped3A_14, %dma_start3A_178, %dma_start3A_179] : memref<4x128x64xf32, #tpu.memory_space<vmem>> -> memref<1x128x64xf32, #tpu.memory_space<vmem>>
      %dma_start3A_181 = tpu.memref_squeeze %dma_start3A_180 : memref<1x128x64xf32, #tpu.memory_space<vmem>> -> memref<128x64xf32, #tpu.memory_space<vmem>>
      %dma_start3A_182 = arith.constant 0 : i32
      %dma_start3A_183 = tpu.memref_slice %arg10[%add3A_13, %dma_start3A_182] : memref<10112x64xf32, #tpu.memory_space<vmem_shared>> -> memref<128x64xf32, #tpu.memory_space<vmem_shared>>
      %dma_start3A_184 = arith.constant 0 : i32
      %dma_start3A_185 = tpu.memref_slice %arg10[%add3A_13, %dma_start3A_184] : memref<10112x64xf32, #tpu.memory_space<vmem_shared>> -> memref<128x64xf32, #tpu.memory_space<vmem_shared>>
      %dma_start3A_186 = arith.constant 0 : i32
      %dma_start3A_187 = arith.constant 0 : i32
      %dma_start3A_188 = tpu.memref_slice %arg8[%run_scoped3A_14, %dma_start3A_186, %dma_start3A_187] : memref<4x128x64xf32, #tpu.memory_space<vmem>> -> memref<1x128x64xf32, #tpu.memory_space<vmem>>
      %dma_start3A_189 = tpu.memref_squeeze %dma_start3A_188 : memref<1x128x64xf32, #tpu.memory_space<vmem>> -> memref<128x64xf32, #tpu.memory_space<vmem>>
      tpu.enqueue_dma source(%dma_start3A_189 : memref<128x64xf32, #tpu.memory_space<vmem>>) target(%dma_start3A_185 : memref<128x64xf32, #tpu.memory_space<vmem_shared>>) target_semaphore(%run_scoped3A_177 : memref<!tpu.dma_semaphore, #tpu.memory_space<semaphore_mem>>)
      %dma_wait3A_190 = arith.constant 0 : i32
      %dma_wait3A_191 = arith.constant 0 : i32
      %dma_wait3A_192 = tpu.memref_slice %arg8[%run_scoped3A_14, %dma_wait3A_190, %dma_wait3A_191] : memref<4x128x64xf32, #tpu.memory_space<vmem>> -> memref<1x128x64xf32, #tpu.memory_space<vmem>>
      %dma_wait3A_193 = tpu.memref_squeeze %dma_wait3A_192 : memref<1x128x64xf32, #tpu.memory_space<vmem>> -> memref<128x64xf32, #tpu.memory_space<vmem>>
      %dma_wait3A_194 = arith.constant 0 : i32
      %dma_wait3A_195 = tpu.memref_slice %arg10[%add3A_13, %dma_wait3A_194] : memref<10112x64xf32, #tpu.memory_space<vmem_shared>> -> memref<128x64xf32, #tpu.memory_space<vmem_shared>>
      %dma_wait3A_196 = arith.constant 0 : i32
      %dma_wait3A_197 = tpu.memref_slice %arg10[%add3A_13, %dma_wait3A_196] : memref<10112x64xf32, #tpu.memory_space<vmem_shared>> -> memref<128x64xf32, #tpu.memory_space<vmem_shared>>
      %dma_wait3A_198 = arith.constant 0 : i32
      %dma_wait3A_199 = arith.constant 0 : i32
      %dma_wait3A_200 = tpu.memref_slice %arg8[%run_scoped3A_14, %dma_wait3A_198, %dma_wait3A_199] : memref<4x128x64xf32, #tpu.memory_space<vmem>> -> memref<1x128x64xf32, #tpu.memory_space<vmem>>
      %dma_wait3A_201 = tpu.memref_squeeze %dma_wait3A_200 : memref<1x128x64xf32, #tpu.memory_space<vmem>> -> memref<128x64xf32, #tpu.memory_space<vmem>>
      tpu.wait_dma2 semaphore(%run_scoped3A_177 : memref<!tpu.dma_semaphore, #tpu.memory_space<semaphore_mem>>) src(%dma_wait3A_201 : memref<128x64xf32, #tpu.memory_space<vmem>>) dst(%dma_wait3A_197 : memref<128x64xf32, #tpu.memory_space<vmem_shared>>)
      tpu.yield
    }) : () -> ()
    %add3A_15 = arith.constant 256 : i32
    %add3A_16 = arith.addi %mul3A_9, %add3A_15 : i32
    %run_scoped3A_17 = arith.constant 0 : i32
    "tpu.region"() ({
      %run_scoped3A_177 = tpu.sem_alloc : memref<!tpu.dma_semaphore, #tpu.memory_space<semaphore_mem>>
      %dma_start3A_178 = arith.constant 0 : i32
      %dma_start3A_179 = arith.constant 0 : i32
      %dma_start3A_180 = tpu.memref_slice %arg8[%run_scoped3A_17, %dma_start3A_178, %dma_start3A_179] : memref<4x128x64xf32, #tpu.memory_space<vmem>> -> memref<1x128x64xf32, #tpu.memory_space<vmem>>
      %dma_start3A_181 = tpu.memref_squeeze %dma_start3A_180 : memref<1x128x64xf32, #tpu.memory_space<vmem>> -> memref<128x64xf32, #tpu.memory_space<vmem>>
      %dma_start3A_182 = arith.constant 0 : i32
      %dma_start3A_183 = tpu.memref_slice %arg10[%add3A_16, %dma_start3A_182] : memref<10112x64xf32, #tpu.memory_space<vmem_shared>> -> memref<128x64xf32, #tpu.memory_space<vmem_shared>>
      %dma_start3A_184 = arith.constant 0 : i32
      %dma_start3A_185 = tpu.memref_slice %arg10[%add3A_16, %dma_start3A_184] : memref<10112x64xf32, #tpu.memory_space<vmem_shared>> -> memref<128x64xf32, #tpu.memory_space<vmem_shared>>
      %dma_start3A_186 = arith.constant 0 : i32
      %dma_start3A_187 = arith.constant 0 : i32
      %dma_start3A_188 = tpu.memref_slice %arg8[%run_scoped3A_17, %dma_start3A_186, %dma_start3A_187] : memref<4x128x64xf32, #tpu.memory_space<vmem>> -> memref<1x128x64xf32, #tpu.memory_space<vmem>>
      %dma_start3A_189 = tpu.memref_squeeze %dma_start3A_188 : memref<1x128x64xf32, #tpu.memory_space<vmem>> -> memref<128x64xf32, #tpu.memory_space<vmem>>
      tpu.enqueue_dma source(%dma_start3A_189 : memref<128x64xf32, #tpu.memory_space<vmem>>) target(%dma_start3A_185 : memref<128x64xf32, #tpu.memory_space<vmem_shared>>) target_semaphore(%run_scoped3A_177 : memref<!tpu.dma_semaphore, #tpu.memory_space<semaphore_mem>>)
      %dma_wait3A_190 = arith.constant 0 : i32
      %dma_wait3A_191 = arith.constant 0 : i32
      %dma_wait3A_192 = tpu.memref_slice %arg8[%run_scoped3A_17, %dma_wait3A_190, %dma_wait3A_191] : memref<4x128x64xf32, #tpu.memory_space<vmem>> -> memref<1x128x64xf32, #tpu.memory_space<vmem>>
      %dma_wait3A_193 = tpu.memref_squeeze %dma_wait3A_192 : memref<1x128x64xf32, #tpu.memory_space<vmem>> -> memref<128x64xf32, #tpu.memory_space<vmem>>
      %dma_wait3A_194 = arith.constant 0 : i32
      %dma_wait3A_195 = tpu.memref_slice %arg10[%add3A_16, %dma_wait3A_194] : memref<10112x64xf32, #tpu.memory_space<vmem_shared>> -> memref<128x64xf32, #tpu.memory_space<vmem_shared>>
      %dma_wait3A_196 = arith.constant 0 : i32
      %dma_wait3A_197 = tpu.memref_slice %arg10[%add3A_16, %dma_wait3A_196] : memref<10112x64xf32, #tpu.memory_space<vmem_shared>> -> memref<128x64xf32, #tpu.memory_space<vmem_shared>>
      %dma_wait3A_198 = arith.constant 0 : i32
      %dma_wait3A_199 = arith.constant 0 : i32
      %dma_wait3A_200 = tpu.memref_slice %arg8[%run_scoped3A_17, %dma_wait3A_198, %dma_wait3A_199] : memref<4x128x64xf32, #tpu.memory_space<vmem>> -> memref<1x128x64xf32, #tpu.memory_space<vmem>>
      %dma_wait3A_201 = tpu.memref_squeeze %dma_wait3A_200 : memref<1x128x64xf32, #tpu.memory_space<vmem>> -> memref<128x64xf32, #tpu.memory_space<vmem>>
      tpu.wait_dma2 semaphore(%run_scoped3A_177 : memref<!tpu.dma_semaphore, #tpu.memory_space<semaphore_mem>>) src(%dma_wait3A_201 : memref<128x64xf32, #tpu.memory_space<vmem>>) dst(%dma_wait3A_197 : memref<128x64xf32, #tpu.memory_space<vmem_shared>>)
      tpu.yield
    }) : () -> ()
    %add3A_18 = arith.constant 384 : i32
    %add3A_19 = arith.addi %mul3A_9, %add3A_18 : i32
    %run_scoped3A_20 = arith.constant 0 : i32
    "tpu.region"() ({
      %run_scoped3A_177 = tpu.sem_alloc : memref<!tpu.dma_semaphore, #tpu.memory_space<semaphore_mem>>
      %dma_start3A_178 = arith.constant 0 : i32
      %dma_start3A_179 = arith.constant 0 : i32
      %dma_start3A_180 = tpu.memref_slice %arg8[%run_scoped3A_20, %dma_start3A_178, %dma_start3A_179] : memref<4x128x64xf32, #tpu.memory_space<vmem>> -> memref<1x128x64xf32, #tpu.memory_space<vmem>>
      %dma_start3A_181 = tpu.memref_squeeze %dma_start3A_180 : memref<1x128x64xf32, #tpu.memory_space<vmem>> -> memref<128x64xf32, #tpu.memory_space<vmem>>
      %dma_start3A_182 = arith.constant 0 : i32
      %dma_start3A_183 = tpu.memref_slice %arg10[%add3A_19, %dma_start3A_182] : memref<10112x64xf32, #tpu.memory_space<vmem_shared>> -> memref<128x64xf32, #tpu.memory_space<vmem_shared>>
      %dma_start3A_184 = arith.constant 0 : i32
      %dma_start3A_185 = tpu.memref_slice %arg10[%add3A_19, %dma_start3A_184] : memref<10112x64xf32, #tpu.memory_space<vmem_shared>> -> memref<128x64xf32, #tpu.memory_space<vmem_shared>>
      %dma_start3A_186 = arith.constant 0 : i32
      %dma_start3A_187 = arith.constant 0 : i32
      %dma_start3A_188 = tpu.memref_slice %arg8[%run_scoped3A_20, %dma_start3A_186, %dma_start3A_187] : memref<4x128x64xf32, #tpu.memory_space<vmem>> -> memref<1x128x64xf32, #tpu.memory_space<vmem>>
      %dma_start3A_189 = tpu.memref_squeeze %dma_start3A_188 : memref<1x128x64xf32, #tpu.memory_space<vmem>> -> memref<128x64xf32, #tpu.memory_space<vmem>>
      tpu.enqueue_dma source(%dma_start3A_189 : memref<128x64xf32, #tpu.memory_space<vmem>>) target(%dma_start3A_185 : memref<128x64xf32, #tpu.memory_space<vmem_shared>>) target_semaphore(%run_scoped3A_177 : memref<!tpu.dma_semaphore, #tpu.memory_space<semaphore_mem>>)
      %dma_wait3A_190 = arith.constant 0 : i32
      %dma_wait3A_191 = arith.constant 0 : i32
      %dma_wait3A_192 = tpu.memref_slice %arg8[%run_scoped3A_20, %dma_wait3A_190, %dma_wait3A_191] : memref<4x128x64xf32, #tpu.memory_space<vmem>> -> memref<1x128x64xf32, #tpu.memory_space<vmem>>
      %dma_wait3A_193 = tpu.memref_squeeze %dma_wait3A_192 : memref<1x128x64xf32, #tpu.memory_space<vmem>> -> memref<128x64xf32, #tpu.memory_space<vmem>>
      %dma_wait3A_194 = arith.constant 0 : i32
      %dma_wait3A_195 = tpu.memref_slice %arg10[%add3A_19, %dma_wait3A_194] : memref<10112x64xf32, #tpu.memory_space<vmem_shared>> -> memref<128x64xf32, #tpu.memory_space<vmem_shared>>
      %dma_wait3A_196 = arith.constant 0 : i32
      %dma_wait3A_197 = tpu.memref_slice %arg10[%add3A_19, %dma_wait3A_196] : memref<10112x64xf32, #tpu.memory_space<vmem_shared>> -> memref<128x64xf32, #tpu.memory_space<vmem_shared>>
      %dma_wait3A_198 = arith.constant 0 : i32
      %dma_wait3A_199 = arith.constant 0 : i32
      %dma_wait3A_200 = tpu.memref_slice %arg8[%run_scoped3A_20, %dma_wait3A_198, %dma_wait3A_199] : memref<4x128x64xf32, #tpu.memory_space<vmem>> -> memref<1x128x64xf32, #tpu.memory_space<vmem>>
      %dma_wait3A_201 = tpu.memref_squeeze %dma_wait3A_200 : memref<1x128x64xf32, #tpu.memory_space<vmem>> -> memref<128x64xf32, #tpu.memory_space<vmem>>
      tpu.wait_dma2 semaphore(%run_scoped3A_177 : memref<!tpu.dma_semaphore, #tpu.memory_space<semaphore_mem>>) src(%dma_wait3A_201 : memref<128x64xf32, #tpu.memory_space<vmem>>) dst(%dma_wait3A_197 : memref<128x64xf32, #tpu.memory_space<vmem_shared>>)
      tpu.yield
    }) : () -> ()
    %add3A_21 = arith.constant 512 : i32
    %add3A_22 = arith.addi %mul3A_9, %add3A_21 : i32
    %run_scoped3A_23 = arith.constant 0 : i32
    "tpu.region"() ({
      %run_scoped3A_177 = tpu.sem_alloc : memref<!tpu.dma_semaphore, #tpu.memory_space<semaphore_mem>>
      %dma_start3A_178 = arith.constant 0 : i32
      %dma_start3A_179 = arith.constant 0 : i32
      %dma_start3A_180 = tpu.memref_slice %arg8[%run_scoped3A_23, %dma_start3A_178, %dma_start3A_179] : memref<4x128x64xf32, #tpu.memory_space<vmem>> -> memref<1x120x64xf32, #tpu.memory_space<vmem>>
      %dma_start3A_181 = tpu.memref_squeeze %dma_start3A_180 : memref<1x120x64xf32, #tpu.memory_space<vmem>> -> memref<120x64xf32, #tpu.memory_space<vmem>>
      %dma_start3A_182 = arith.constant 0 : i32
      %dma_start3A_183 = tpu.memref_slice %arg10[%add3A_22, %dma_start3A_182] : memref<10112x64xf32, #tpu.memory_space<vmem_shared>> -> memref<120x64xf32, #tpu.memory_space<vmem_shared>>
      %dma_start3A_184 = arith.constant 0 : i32
      %dma_start3A_185 = tpu.memref_slice %arg10[%add3A_22, %dma_start3A_184] : memref<10112x64xf32, #tpu.memory_space<vmem_shared>> -> memref<120x64xf32, #tpu.memory_space<vmem_shared>>
      %dma_start3A_186 = arith.constant 0 : i32
      %dma_start3A_187 = arith.constant 0 : i32
      %dma_start3A_188 = tpu.memref_slice %arg8[%run_scoped3A_23, %dma_start3A_186, %dma_start3A_187] : memref<4x128x64xf32, #tpu.memory_space<vmem>> -> memref<1x120x64xf32, #tpu.memory_space<vmem>>
      %dma_start3A_189 = tpu.memref_squeeze %dma_start3A_188 : memref<1x120x64xf32, #tpu.memory_space<vmem>> -> memref<120x64xf32, #tpu.memory_space<vmem>>
      tpu.enqueue_dma source(%dma_start3A_189 : memref<120x64xf32, #tpu.memory_space<vmem>>) target(%dma_start3A_185 : memref<120x64xf32, #tpu.memory_space<vmem_shared>>) target_semaphore(%run_scoped3A_177 : memref<!tpu.dma_semaphore, #tpu.memory_space<semaphore_mem>>)
      %dma_wait3A_190 = arith.constant 0 : i32
      %dma_wait3A_191 = arith.constant 0 : i32
      %dma_wait3A_192 = tpu.memref_slice %arg8[%run_scoped3A_23, %dma_wait3A_190, %dma_wait3A_191] : memref<4x128x64xf32, #tpu.memory_space<vmem>> -> memref<1x120x64xf32, #tpu.memory_space<vmem>>
      %dma_wait3A_193 = tpu.memref_squeeze %dma_wait3A_192 : memref<1x120x64xf32, #tpu.memory_space<vmem>> -> memref<120x64xf32, #tpu.memory_space<vmem>>
      %dma_wait3A_194 = arith.constant 0 : i32
      %dma_wait3A_195 = tpu.memref_slice %arg10[%add3A_22, %dma_wait3A_194] : memref<10112x64xf32, #tpu.memory_space<vmem_shared>> -> memref<120x64xf32, #tpu.memory_space<vmem_shared>>
      %dma_wait3A_196 = arith.constant 0 : i32
      %dma_wait3A_197 = tpu.memref_slice %arg10[%add3A_22, %dma_wait3A_196] : memref<10112x64xf32, #tpu.memory_space<vmem_shared>> -> memref<120x64xf32, #tpu.memory_space<vmem_shared>>
      %dma_wait3A_198 = arith.constant 0 : i32
      %dma_wait3A_199 = arith.constant 0 : i32
      %dma_wait3A_200 = tpu.memref_slice %arg8[%run_scoped3A_23, %dma_wait3A_198, %dma_wait3A_199] : memref<4x128x64xf32, #tpu.memory_space<vmem>> -> memref<1x120x64xf32, #tpu.memory_space<vmem>>
      %dma_wait3A_201 = tpu.memref_squeeze %dma_wait3A_200 : memref<1x120x64xf32, #tpu.memory_space<vmem>> -> memref<120x64xf32, #tpu.memory_space<vmem>>
      tpu.wait_dma2 semaphore(%run_scoped3A_177 : memref<!tpu.dma_semaphore, #tpu.memory_space<semaphore_mem>>) src(%dma_wait3A_201 : memref<120x64xf32, #tpu.memory_space<vmem>>) dst(%dma_wait3A_197 : memref<120x64xf32, #tpu.memory_space<vmem_shared>>)
      tpu.yield
    }) : () -> ()
    %barrier3A = arith.constant 0 : index
    tpu.barrier barrier_id(%barrier3A)
    %broadcast_in_dim3A = arith.constant 1.000000e+00 : f32
    %broadcast_in_dim3A_24 = vector.broadcast %broadcast_in_dim3A : f32 to vector<16xf32>
    %rem3A = arith.constant 0 : i32
    %rem3A_25 = arith.constant 156 : i32
    %rem3A_26 = arith.remsi %rem3A, %rem3A_25 : i32
    %mul3A_27 = arith.constant 128 : i32
    %mul3A_28 = arith.muli %rem3A_26, %mul3A_27 : i32
    %rem3A_29 = arith.constant 0 : i32
    %rem3A_30 = arith.constant 4 : i32
    %rem3A_31 = arith.remsi %rem3A_29, %rem3A_30 : i32
    %dma_start3A = arith.constant 0 : i32
    %dma_start3A_32 = arith.constant 0 : i32
    %dma_start3A_33 = tpu.memref_slice %arg8[%rem3A_31, %dma_start3A, %dma_start3A_32] : memref<4x128x64xf32, #tpu.memory_space<vmem>> -> memref<1x128x64xf32, #tpu.memory_space<vmem>>
    %dma_start3A_34 = tpu.memref_squeeze %dma_start3A_33 : memref<1x128x64xf32, #tpu.memory_space<vmem>> -> memref<128x64xf32, #tpu.memory_space<vmem>>
    %dma_start3A_35 = tpu.memref_slice %arg6[%mul3A_28] : memref<20000xi32, #tpu.memory_space<vmem>> -> memref<128xi32, #tpu.memory_space<vmem>>
    %dma_start3A_36 = arith.constant 0 : i32
    %dma_start3A_37 = arith.constant 0 : i32
    %dma_start3A_38 = tpu.memref_slice %arg2[%arg0, %dma_start3A_36, %dma_start3A_37] : memref<2x10000x64xf32, #tpu.memory_space<hbm>> -> memref<1x10000x64xf32, #tpu.memory_space<hbm>>
    %dma_start3A_39 = tpu.memref_squeeze %dma_start3A_38 : memref<1x10000x64xf32, #tpu.memory_space<hbm>> -> memref<10000x64xf32, #tpu.memory_space<hbm>>
    %dma_start3A_40 = arith.constant 0 : i32
    %dma_start3A_41 = arith.constant 0 : i32
    %dma_start3A_42 = tpu.memref_slice %dma_start3A_39[%dma_start3A_40, %dma_start3A_41] : memref<10000x64xf32, #tpu.memory_space<hbm>> -> memref<10000x64xf32, #tpu.memory_space<hbm>>
    tpu.enqueue_indirect_dma source(%dma_start3A_42 : memref<10000x64xf32, #tpu.memory_space<hbm>>) target(%dma_start3A_34 : memref<128x64xf32, #tpu.memory_space<vmem>>) offsets(%dma_start3A_35 : memref<128xi32, #tpu.memory_space<vmem>>) semaphore(%arg11 : memref<!tpu.dma_semaphore, #tpu.memory_space<semaphore_mem>>)
    %rem3A_43 = arith.constant 1 : i32
    %rem3A_44 = arith.constant 156 : i32
    %rem3A_45 = arith.remsi %rem3A_43, %rem3A_44 : i32
    %mul3A_46 = arith.constant 128 : i32
    %mul3A_47 = arith.muli %rem3A_45, %mul3A_46 : i32
    %rem3A_48 = arith.constant 1 : i32
    %rem3A_49 = arith.constant 4 : i32
    %rem3A_50 = arith.remsi %rem3A_48, %rem3A_49 : i32
    %dma_start3A_51 = arith.constant 0 : i32
    %dma_start3A_52 = arith.constant 0 : i32
    %dma_start3A_53 = tpu.memref_slice %arg8[%rem3A_50, %dma_start3A_51, %dma_start3A_52] : memref<4x128x64xf32, #tpu.memory_space<vmem>> -> memref<1x128x64xf32, #tpu.memory_space<vmem>>
    %dma_start3A_54 = tpu.memref_squeeze %dma_start3A_53 : memref<1x128x64xf32, #tpu.memory_space<vmem>> -> memref<128x64xf32, #tpu.memory_space<vmem>>
    %dma_start3A_55 = tpu.memref_slice %arg6[%mul3A_47] : memref<20000xi32, #tpu.memory_space<vmem>> -> memref<128xi32, #tpu.memory_space<vmem>>
    %dma_start3A_56 = arith.constant 0 : i32
    %dma_start3A_57 = arith.constant 0 : i32
    %dma_start3A_58 = tpu.memref_slice %arg2[%arg0, %dma_start3A_56, %dma_start3A_57] : memref<2x10000x64xf32, #tpu.memory_space<hbm>> -> memref<1x10000x64xf32, #tpu.memory_space<hbm>>
    %dma_start3A_59 = tpu.memref_squeeze %dma_start3A_58 : memref<1x10000x64xf32, #tpu.memory_space<hbm>> -> memref<10000x64xf32, #tpu.memory_space<hbm>>
    %dma_start3A_60 = arith.constant 0 : i32
    %dma_start3A_61 = arith.constant 0 : i32
    %dma_start3A_62 = tpu.memref_slice %dma_start3A_59[%dma_start3A_60, %dma_start3A_61] : memref<10000x64xf32, #tpu.memory_space<hbm>> -> memref<10000x64xf32, #tpu.memory_space<hbm>>
    tpu.enqueue_indirect_dma source(%dma_start3A_62 : memref<10000x64xf32, #tpu.memory_space<hbm>>) target(%dma_start3A_54 : memref<128x64xf32, #tpu.memory_space<vmem>>) offsets(%dma_start3A_55 : memref<128xi32, #tpu.memory_space<vmem>>) semaphore(%arg11 : memref<!tpu.dma_semaphore, #tpu.memory_space<semaphore_mem>>)
    %rem3A_63 = arith.constant 2 : i32
    %rem3A_64 = arith.constant 156 : i32
    %rem3A_65 = arith.remsi %rem3A_63, %rem3A_64 : i32
    %mul3A_66 = arith.constant 128 : i32
    %mul3A_67 = arith.muli %rem3A_65, %mul3A_66 : i32
    %rem3A_68 = arith.constant 2 : i32
    %rem3A_69 = arith.constant 4 : i32
    %rem3A_70 = arith.remsi %rem3A_68, %rem3A_69 : i32
    %dma_start3A_71 = arith.constant 0 : i32
    %dma_start3A_72 = arith.constant 0 : i32
    %dma_start3A_73 = tpu.memref_slice %arg8[%rem3A_70, %dma_start3A_71, %dma_start3A_72] : memref<4x128x64xf32, #tpu.memory_space<vmem>> -> memref<1x128x64xf32, #tpu.memory_space<vmem>>
    %dma_start3A_74 = tpu.memref_squeeze %dma_start3A_73 : memref<1x128x64xf32, #tpu.memory_space<vmem>> -> memref<128x64xf32, #tpu.memory_space<vmem>>
    %dma_start3A_75 = tpu.memref_slice %arg6[%mul3A_67] : memref<20000xi32, #tpu.memory_space<vmem>> -> memref<128xi32, #tpu.memory_space<vmem>>
    %dma_start3A_76 = arith.constant 0 : i32
    %dma_start3A_77 = arith.constant 0 : i32
    %dma_start3A_78 = tpu.memref_slice %arg2[%arg0, %dma_start3A_76, %dma_start3A_77] : memref<2x10000x64xf32, #tpu.memory_space<hbm>> -> memref<1x10000x64xf32, #tpu.memory_space<hbm>>
    %dma_start3A_79 = tpu.memref_squeeze %dma_start3A_78 : memref<1x10000x64xf32, #tpu.memory_space<hbm>> -> memref<10000x64xf32, #tpu.memory_space<hbm>>
    %dma_start3A_80 = arith.constant 0 : i32
    %dma_start3A_81 = arith.constant 0 : i32
    %dma_start3A_82 = tpu.memref_slice %dma_start3A_79[%dma_start3A_80, %dma_start3A_81] : memref<10000x64xf32, #tpu.memory_space<hbm>> -> memref<10000x64xf32, #tpu.memory_space<hbm>>
    tpu.enqueue_indirect_dma source(%dma_start3A_82 : memref<10000x64xf32, #tpu.memory_space<hbm>>) target(%dma_start3A_74 : memref<128x64xf32, #tpu.memory_space<vmem>>) offsets(%dma_start3A_75 : memref<128xi32, #tpu.memory_space<vmem>>) semaphore(%arg11 : memref<!tpu.dma_semaphore, #tpu.memory_space<semaphore_mem>>)
    %scan3A_83 = arith.constant 0 : i32
    %scan3A_84 = arith.constant 0 : i32
    %scan3A_85 = arith.constant 632 : i32
    %scan3A_86 = arith.addi %scan3A_84, %scan3A_85 : i32
    %scan3A_87 = arith.constant 1 : i32
    %scan3A_88 = scf.for %scan3A_177 = %scan3A_84 to %scan3A_86 step %scan3A_87 iter_args(%scan3A_178 = %scan3A_83) -> (i32)  : i32 {
      %broadcast_in_dim3A_179 = arith.constant 0.000000e+00 : f32
      %broadcast_in_dim3A_180 = vector.broadcast %broadcast_in_dim3A_179 : f32 to vector<16xf32>
      %mul3A_181 = arith.constant 16 : i32
      %mul3A_182 = arith.muli %scan3A_177, %mul3A_181 : i32
      %swap3A = arith.index_cast %mul3A_182 : i32 to index
      %swap3A_183 = tpu.vector_load %arg9[%swap3A] {strides = array<i32>} : memref<10112xf32, #tpu.memory_space<vmem>>, vector<16xf32>,
      tpu.vector_store %arg9[%swap3A], %broadcast_in_dim3A_180 {strides = array<i32>} : memref<10112xf32, #tpu.memory_space<vmem>>, vector<16xf32>,
      %scan3A_184 = arith.constant 0 : i32
      scf.yield %scan3A_184 : i32
    }
    %scan3A_89 = arith.constant 632 : i32
    %scan3A_90 = arith.constant 0 : i32
    %scan3A_91 = arith.constant 0 : i32
    %scan3A_92 = arith.constant 156 : i32
    %scan3A_93 = arith.addi %scan3A_91, %scan3A_92 : i32
    %scan3A_94 = arith.constant 1 : i32
    %scan3A_95 = scf.for %scan3A_177 = %scan3A_91 to %scan3A_93 step %scan3A_94 iter_args(%scan3A_178 = %scan3A_90) -> (i32)  : i32 {
      %rem3A_179 = arith.constant 156 : i32
      %rem3A_180 = arith.remsi %scan3A_177, %rem3A_179 : i32
      %mul3A_181 = arith.constant 128 : i32
      %mul3A_182 = arith.muli %rem3A_180, %mul3A_181 : i32
      %rem3A_183 = arith.constant 4 : i32
      %rem3A_184 = arith.remsi %scan3A_177, %rem3A_183 : i32
      %dma_wait3A_185 = arith.constant 0 : i32
      %dma_wait3A_186 = arith.constant 0 : i32
      %dma_wait3A_187 = tpu.memref_slice %arg8[%rem3A_184, %dma_wait3A_185, %dma_wait3A_186] : memref<4x128x64xf32, #tpu.memory_space<vmem>> -> memref<1x128x64xf32, #tpu.memory_space<vmem>>
      %dma_wait3A_188 = tpu.memref_squeeze %dma_wait3A_187 : memref<1x128x64xf32, #tpu.memory_space<vmem>> -> memref<128x64xf32, #tpu.memory_space<vmem>>
      %dma_wait3A_189 = tpu.memref_slice %arg6[%mul3A_182] : memref<20000xi32, #tpu.memory_space<vmem>> -> memref<128xi32, #tpu.memory_space<vmem>>
      %dma_wait3A_190 = arith.constant 0 : i32
      %dma_wait3A_191 = arith.constant 0 : i32
      %dma_wait3A_192 = tpu.memref_slice %arg2[%arg0, %dma_wait3A_190, %dma_wait3A_191] : memref<2x10000x64xf32, #tpu.memory_space<hbm>> -> memref<1x10000x64xf32, #tpu.memory_space<hbm>>
      %dma_wait3A_193 = tpu.memref_squeeze %dma_wait3A_192 : memref<1x10000x64xf32, #tpu.memory_space<hbm>> -> memref<10000x64xf32, #tpu.memory_space<hbm>>
      %dma_wait3A_194 = arith.constant 0 : i32
      %dma_wait3A_195 = arith.constant 0 : i32
      %dma_wait3A_196 = tpu.memref_slice %dma_wait3A_193[%dma_wait3A_194, %dma_wait3A_195] : memref<10000x64xf32, #tpu.memory_space<hbm>> -> memref<10000x64xf32, #tpu.memory_space<hbm>>
      tpu.wait_indirect_dma semaphore(%arg11 : memref<!tpu.dma_semaphore, #tpu.memory_space<semaphore_mem>>) src(%dma_wait3A_196 : memref<10000x64xf32, #tpu.memory_space<hbm>>) dst(%dma_wait3A_188 : memref<128x64xf32, #tpu.memory_space<vmem>>)
      %ge3A = arith.constant 1 : i32
      %ge3A_197 = arith.cmpi sge, %scan3A_177, %ge3A : i32
      %convert_element_type3A_198 = arith.extui %ge3A_197 : i1 to i32
      %cond3A_199 = arith.constant 0 : i32
      %cond3A_200 = arith.cmpi ne, %convert_element_type3A_198, %cond3A_199 : i32
      scf.if %cond3A_200 {
        %sub3A = arith.constant 1 : i32
        %sub3A_229 = arith.subi %scan3A_177, %sub3A : i32
        %rem3A_230 = arith.constant 156 : i32
        %rem3A_231 = arith.remsi %sub3A_229, %rem3A_230 : i32
        %rem3A_232 = arith.constant 4 : i32
        %rem3A_233 = arith.remsi %sub3A_229, %rem3A_232 : i32
        %mul3A_234 = arith.constant 128 : i32
        %mul3A_235 = arith.muli %rem3A_231, %mul3A_234 : i32
        %dma_wait3A_236 = arith.constant 0 : i32
        %dma_wait3A_237 = arith.constant 0 : i32
        %dma_wait3A_238 = tpu.memref_slice %arg8[%rem3A_233, %dma_wait3A_236, %dma_wait3A_237] : memref<4x128x64xf32, #tpu.memory_space<vmem>> -> memref<1x128x64xf32, #tpu.memory_space<vmem>>
        %dma_wait3A_239 = tpu.memref_squeeze %dma_wait3A_238 : memref<1x128x64xf32, #tpu.memory_space<vmem>> -> memref<128x64xf32, #tpu.memory_space<vmem>>
        %dma_wait3A_240 = tpu.memref_slice %arg7[%mul3A_235] : memref<20000xi32, #tpu.memory_space<vmem>> -> memref<128xi32, #tpu.memory_space<vmem>>
        %dma_wait3A_241 = arith.constant 0 : i32
        %dma_wait3A_242 = arith.constant 0 : i32
        %dma_wait3A_243 = tpu.memref_slice %arg10[%dma_wait3A_241, %dma_wait3A_242] : memref<10112x64xf32, #tpu.memory_space<vmem_shared>> -> memref<10112x64xf32, #tpu.memory_space<vmem_shared>>
        tpu.wait_indirect_dma semaphore(%arg12 : memref<!tpu.dma_semaphore, #tpu.memory_space<semaphore_mem>>) src(%dma_wait3A_239 : memref<128x64xf32, #tpu.memory_space<vmem>>) dst(%dma_wait3A_243 : memref<10112x64xf32, #tpu.memory_space<vmem_shared>>)
      } else {
      }
      %add3A_201 = arith.constant 3 : i32
      %add3A_202 = arith.addi %scan3A_177, %add3A_201 : i32
      %lt3A = arith.constant 156 : i32
      %lt3A_203 = arith.cmpi slt, %add3A_202, %lt3A : i32
      %convert_element_type3A_204 = arith.extui %lt3A_203 : i1 to i32
      %cond3A_205 = arith.constant 0 : i32
      %cond3A_206 = arith.cmpi ne, %convert_element_type3A_204, %cond3A_205 : i32
      scf.if %cond3A_206 {
        %add3A_229 = arith.constant 3 : i32
        %add3A_230 = arith.addi %scan3A_177, %add3A_229 : i32
        %rem3A_231 = arith.constant 156 : i32
        %rem3A_232 = arith.remsi %add3A_230, %rem3A_231 : i32
        %mul3A_233 = arith.constant 128 : i32
        %mul3A_234 = arith.muli %rem3A_232, %mul3A_233 : i32
        %rem3A_235 = arith.constant 4 : i32
        %rem3A_236 = arith.remsi %add3A_230, %rem3A_235 : i32
        %dma_start3A_237 = arith.constant 0 : i32
        %dma_start3A_238 = arith.constant 0 : i32
        %dma_start3A_239 = tpu.memref_slice %arg8[%rem3A_236, %dma_start3A_237, %dma_start3A_238] : memref<4x128x64xf32, #tpu.memory_space<vmem>> -> memref<1x128x64xf32, #tpu.memory_space<vmem>>
        %dma_start3A_240 = tpu.memref_squeeze %dma_start3A_239 : memref<1x128x64xf32, #tpu.memory_space<vmem>> -> memref<128x64xf32, #tpu.memory_space<vmem>>
        %dma_start3A_241 = tpu.memref_slice %arg6[%mul3A_234] : memref<20000xi32, #tpu.memory_space<vmem>> -> memref<128xi32, #tpu.memory_space<vmem>>
        %dma_start3A_242 = arith.constant 0 : i32
        %dma_start3A_243 = arith.constant 0 : i32
        %dma_start3A_244 = tpu.memref_slice %arg2[%arg0, %dma_start3A_242, %dma_start3A_243] : memref<2x10000x64xf32, #tpu.memory_space<hbm>> -> memref<1x10000x64xf32, #tpu.memory_space<hbm>>
        %dma_start3A_245 = tpu.memref_squeeze %dma_start3A_244 : memref<1x10000x64xf32, #tpu.memory_space<hbm>> -> memref<10000x64xf32, #tpu.memory_space<hbm>>
        %dma_start3A_246 = arith.constant 0 : i32
        %dma_start3A_247 = arith.constant 0 : i32
        %dma_start3A_248 = tpu.memref_slice %dma_start3A_245[%dma_start3A_246, %dma_start3A_247] : memref<10000x64xf32, #tpu.memory_space<hbm>> -> memref<10000x64xf32, #tpu.memory_space<hbm>>
        tpu.enqueue_indirect_dma source(%dma_start3A_248 : memref<10000x64xf32, #tpu.memory_space<hbm>>) target(%dma_start3A_240 : memref<128x64xf32, #tpu.memory_space<vmem>>) offsets(%dma_start3A_241 : memref<128xi32, #tpu.memory_space<vmem>>) semaphore(%arg11 : memref<!tpu.dma_semaphore, #tpu.memory_space<semaphore_mem>>)
      } else {
      }
      %rem3A_207 = arith.constant 156 : i32
      %rem3A_208 = arith.remsi %scan3A_177, %rem3A_207 : i32
      %rem3A_209 = arith.constant 4 : i32
      %rem3A_210 = arith.remsi %scan3A_177, %rem3A_209 : i32
      %mul3A_211 = arith.constant 128 : i32
      %mul3A_212 = arith.muli %rem3A_208, %mul3A_211 : i32
      %dma_start3A_213 = arith.constant 0 : i32
      %dma_start3A_214 = arith.constant 0 : i32
      %dma_start3A_215 = tpu.memref_slice %arg8[%rem3A_210, %dma_start3A_213, %dma_start3A_214] : memref<4x128x64xf32, #tpu.memory_space<vmem>> -> memref<1x128x64xf32, #tpu.memory_space<vmem>>
      %dma_start3A_216 = tpu.memref_squeeze %dma_start3A_215 : memref<1x128x64xf32, #tpu.memory_space<vmem>> -> memref<128x64xf32, #tpu.memory_space<vmem>>
      %dma_start3A_217 = tpu.memref_slice %arg7[%mul3A_212] : memref<20000xi32, #tpu.memory_space<vmem>> -> memref<128xi32, #tpu.memory_space<vmem>>
      %dma_start3A_218 = arith.constant 0 : i32
      %dma_start3A_219 = arith.constant 0 : i32
      %dma_start3A_220 = tpu.memref_slice %arg10[%dma_start3A_218, %dma_start3A_219] : memref<10112x64xf32, #tpu.memory_space<vmem_shared>> -> memref<10112x64xf32, #tpu.memory_space<vmem_shared>>
      tpu.enqueue_indirect_dma source(%dma_start3A_216 : memref<128x64xf32, #tpu.memory_space<vmem>>) target(%dma_start3A_220 : memref<10112x64xf32, #tpu.memory_space<vmem_shared>>) offsets(%dma_start3A_217 : memref<128xi32, #tpu.memory_space<vmem>>) semaphore(%arg12 : memref<!tpu.dma_semaphore, #tpu.memory_space<semaphore_mem>>) {add = true}
      %scan3A_221 = arith.constant 0 : i32
      %scan3A_222 = arith.constant 0 : i32
      %scan3A_223 = arith.constant 8 : i32
      %scan3A_224 = arith.addi %scan3A_222, %scan3A_223 : i32
      %scan3A_225 = arith.constant 1 : i32
      %scan3A_226 = scf.for %scan3A_229 = %scan3A_222 to %scan3A_224 step %scan3A_225 iter_args(%scan3A_230 = %scan3A_221) -> (i32)  : i32 {
        %mul3A_231 = arith.constant 128 : i32
        %mul3A_232 = arith.muli %scan3A_177, %mul3A_231 : i32
        %mul3A_233 = arith.constant 16 : i32
        %mul3A_234 = arith.muli %scan3A_229, %mul3A_233 : i32
        %add3A_235 = arith.addi %mul3A_232, %mul3A_234 : i32
        %get3A = arith.index_cast %add3A_235 : i32 to index
        %get3A_236 = tpu.vector_load %arg7[%get3A] {strides = array<i32>} : memref<20000xi32, #tpu.memory_space<vmem>>, vector<16xi32>,
        tpu.vector_store_idx %arg9[%get3A_236], %broadcast_in_dim3A_24 {add = true} : memref<10112xf32, #tpu.memory_space<vmem>>[vector<16xi32>], vector<16xf32>,
        %scan3A_237 = arith.constant 0 : i32
        scf.yield %scan3A_237 : i32
      }
      %scan3A_227 = arith.constant 8 : i32
      %scan3A_228 = arith.constant 0 : i32
      scf.yield %scan3A_228 : i32
    }
    %scan3A_96 = arith.constant 156 : i32
    %rem3A_97 = arith.constant 155 : i32
    %rem3A_98 = arith.constant 156 : i32
    %rem3A_99 = arith.remsi %rem3A_97, %rem3A_98 : i32
    %rem3A_100 = arith.constant 155 : i32
    %rem3A_101 = arith.constant 4 : i32
    %rem3A_102 = arith.remsi %rem3A_100, %rem3A_101 : i32
    %mul3A_103 = arith.constant 128 : i32
    %mul3A_104 = arith.muli %rem3A_99, %mul3A_103 : i32
    %dma_wait3A = arith.constant 0 : i32
    %dma_wait3A_105 = arith.constant 0 : i32
    %dma_wait3A_106 = tpu.memref_slice %arg8[%rem3A_102, %dma_wait3A, %dma_wait3A_105] : memref<4x128x64xf32, #tpu.memory_space<vmem>> -> memref<1x128x64xf32, #tpu.memory_space<vmem>>
    %dma_wait3A_107 = tpu.memref_squeeze %dma_wait3A_106 : memref<1x128x64xf32, #tpu.memory_space<vmem>> -> memref<128x64xf32, #tpu.memory_space<vmem>>
    %dma_wait3A_108 = tpu.memref_slice %arg7[%mul3A_104] : memref<20000xi32, #tpu.memory_space<vmem>> -> memref<128xi32, #tpu.memory_space<vmem>>
    %dma_wait3A_109 = arith.constant 0 : i32
    %dma_wait3A_110 = arith.constant 0 : i32
    %dma_wait3A_111 = tpu.memref_slice %arg10[%dma_wait3A_109, %dma_wait3A_110] : memref<10112x64xf32, #tpu.memory_space<vmem_shared>> -> memref<10112x64xf32, #tpu.memory_space<vmem_shared>>
    tpu.wait_indirect_dma semaphore(%arg12 : memref<!tpu.dma_semaphore, #tpu.memory_space<semaphore_mem>>) src(%dma_wait3A_107 : memref<128x64xf32, #tpu.memory_space<vmem>>) dst(%dma_wait3A_111 : memref<10112x64xf32, #tpu.memory_space<vmem_shared>>)
    %dma_start3A_112 = arith.constant 0 : i32
    %dma_start3A_113 = arith.constant 0 : i32
    %dma_start3A_114 = arith.constant 0 : i32
    %dma_start3A_115 = tpu.memref_slice %arg8[%dma_start3A_112, %dma_start3A_113, %dma_start3A_114] : memref<4x128x64xf32, #tpu.memory_space<vmem>> -> memref<1x32x64xf32, #tpu.memory_space<vmem>>
    %dma_start3A_116 = tpu.memref_squeeze %dma_start3A_115 : memref<1x32x64xf32, #tpu.memory_space<vmem>> -> memref<32x64xf32, #tpu.memory_space<vmem>>
    %dma_start3A_117 = arith.constant 19968 : i32
    %dma_start3A_118 = tpu.memref_slice %arg6[%dma_start3A_117] : memref<20000xi32, #tpu.memory_space<vmem>> -> memref<32xi32, #tpu.memory_space<vmem>>
    %dma_start3A_119 = arith.constant 0 : i32
    %dma_start3A_120 = arith.constant 0 : i32
    %dma_start3A_121 = tpu.memref_slice %arg2[%arg0, %dma_start3A_119, %dma_start3A_120] : memref<2x10000x64xf32, #tpu.memory_space<hbm>> -> memref<1x10000x64xf32, #tpu.memory_space<hbm>>
    %dma_start3A_122 = tpu.memref_squeeze %dma_start3A_121 : memref<1x10000x64xf32, #tpu.memory_space<hbm>> -> memref<10000x64xf32, #tpu.memory_space<hbm>>
    %dma_start3A_123 = arith.constant 0 : i32
    %dma_start3A_124 = arith.constant 0 : i32
    %dma_start3A_125 = tpu.memref_slice %dma_start3A_122[%dma_start3A_123, %dma_start3A_124] : memref<10000x64xf32, #tpu.memory_space<hbm>> -> memref<10000x64xf32, #tpu.memory_space<hbm>>
    tpu.enqueue_indirect_dma source(%dma_start3A_125 : memref<10000x64xf32, #tpu.memory_space<hbm>>) target(%dma_start3A_116 : memref<32x64xf32, #tpu.memory_space<vmem>>) offsets(%dma_start3A_118 : memref<32xi32, #tpu.memory_space<vmem>>) semaphore(%arg11 : memref<!tpu.dma_semaphore, #tpu.memory_space<semaphore_mem>>)
    %dma_wait3A_126 = arith.constant 0 : i32
    %dma_wait3A_127 = arith.constant 0 : i32
    %dma_wait3A_128 = arith.constant 0 : i32
    %dma_wait3A_129 = tpu.memref_slice %arg8[%dma_wait3A_126, %dma_wait3A_127, %dma_wait3A_128] : memref<4x128x64xf32, #tpu.memory_space<vmem>> -> memref<1x32x64xf32, #tpu.memory_space<vmem>>
    %dma_wait3A_130 = tpu.memref_squeeze %dma_wait3A_129 : memref<1x32x64xf32, #tpu.memory_space<vmem>> -> memref<32x64xf32, #tpu.memory_space<vmem>>
    %dma_wait3A_131 = arith.constant 19968 : i32
    %dma_wait3A_132 = tpu.memref_slice %arg6[%dma_wait3A_131] : memref<20000xi32, #tpu.memory_space<vmem>> -> memref<32xi32, #tpu.memory_space<vmem>>
    %dma_wait3A_133 = arith.constant 0 : i32
    %dma_wait3A_134 = arith.constant 0 : i32
    %dma_wait3A_135 = tpu.memref_slice %arg2[%arg0, %dma_wait3A_133, %dma_wait3A_134] : memref<2x10000x64xf32, #tpu.memory_space<hbm>> -> memref<1x10000x64xf32, #tpu.memory_space<hbm>>
    %dma_wait3A_136 = tpu.memref_squeeze %dma_wait3A_135 : memref<1x10000x64xf32, #tpu.memory_space<hbm>> -> memref<10000x64xf32, #tpu.memory_space<hbm>>
    %dma_wait3A_137 = arith.constant 0 : i32
    %dma_wait3A_138 = arith.constant 0 : i32
    %dma_wait3A_139 = tpu.memref_slice %dma_wait3A_136[%dma_wait3A_137, %dma_wait3A_138] : memref<10000x64xf32, #tpu.memory_space<hbm>> -> memref<10000x64xf32, #tpu.memory_space<hbm>>
    tpu.wait_indirect_dma semaphore(%arg11 : memref<!tpu.dma_semaphore, #tpu.memory_space<semaphore_mem>>) src(%dma_wait3A_139 : memref<10000x64xf32, #tpu.memory_space<hbm>>) dst(%dma_wait3A_130 : memref<32x64xf32, #tpu.memory_space<vmem>>)
    %dma_start3A_140 = arith.constant 0 : i32
    %dma_start3A_141 = arith.constant 0 : i32
    %dma_start3A_142 = arith.constant 0 : i32
    %dma_start3A_143 = tpu.memref_slice %arg8[%dma_start3A_140, %dma_start3A_141, %dma_start3A_142] : memref<4x128x64xf32, #tpu.memory_space<vmem>> -> memref<1x32x64xf32, #tpu.memory_space<vmem>>
    %dma_start3A_144 = tpu.memref_squeeze %dma_start3A_143 : memref<1x32x64xf32, #tpu.memory_space<vmem>> -> memref<32x64xf32, #tpu.memory_space<vmem>>
    %dma_start3A_145 = arith.constant 19968 : i32
    %dma_start3A_146 = tpu.memref_slice %arg7[%dma_start3A_145] : memref<20000xi32, #tpu.memory_space<vmem>> -> memref<32xi32, #tpu.memory_space<vmem>>
    %dma_start3A_147 = arith.constant 0 : i32
    %dma_start3A_148 = arith.constant 0 : i32
    %dma_start3A_149 = tpu.memref_slice %arg10[%dma_start3A_147, %dma_start3A_148] : memref<10112x64xf32, #tpu.memory_space<vmem_shared>> -> memref<10112x64xf32, #tpu.memory_space<vmem_shared>>
    tpu.enqueue_indirect_dma source(%dma_start3A_144 : memref<32x64xf32, #tpu.memory_space<vmem>>) target(%dma_start3A_149 : memref<10112x64xf32, #tpu.memory_space<vmem_shared>>) offsets(%dma_start3A_146 : memref<32xi32, #tpu.memory_space<vmem>>) semaphore(%arg12 : memref<!tpu.dma_semaphore, #tpu.memory_space<semaphore_mem>>) {add = true}
    %dma_wait3A_150 = arith.constant 0 : i32
    %dma_wait3A_151 = arith.constant 0 : i32
    %dma_wait3A_152 = arith.constant 0 : i32
    %dma_wait3A_153 = tpu.memref_slice %arg8[%dma_wait3A_150, %dma_wait3A_151, %dma_wait3A_152] : memref<4x128x64xf32, #tpu.memory_space<vmem>> -> memref<1x32x64xf32, #tpu.memory_space<vmem>>
    %dma_wait3A_154 = tpu.memref_squeeze %dma_wait3A_153 : memref<1x32x64xf32, #tpu.memory_space<vmem>> -> memref<32x64xf32, #tpu.memory_space<vmem>>
    %dma_wait3A_155 = arith.constant 19968 : i32
    %dma_wait3A_156 = tpu.memref_slice %arg7[%dma_wait3A_155] : memref<20000xi32, #tpu.memory_space<vmem>> -> memref<32xi32, #tpu.memory_space<vmem>>
    %dma_wait3A_157 = arith.constant 0 : i32
    %dma_wait3A_158 = arith.constant 0 : i32
    %dma_wait3A_159 = tpu.memref_slice %arg10[%dma_wait3A_157, %dma_wait3A_158] : memref<10112x64xf32, #tpu.memory_space<vmem_shared>> -> memref<10112x64xf32, #tpu.memory_space<vmem_shared>>
    tpu.wait_indirect_dma semaphore(%arg12 : memref<!tpu.dma_semaphore, #tpu.memory_space<semaphore_mem>>) src(%dma_wait3A_154 : memref<32x64xf32, #tpu.memory_space<vmem>>) dst(%dma_wait3A_159 : memref<10112x64xf32, #tpu.memory_space<vmem_shared>>)
    %scan3A_160 = arith.constant 0 : i32
    %scan3A_161 = arith.constant 0 : i32
    %scan3A_162 = arith.constant 2 : i32
    %scan3A_163 = arith.addi %scan3A_161, %scan3A_162 : i32
    %scan3A_164 = arith.constant 1 : i32
    %scan3A_165 = scf.for %scan3A_177 = %scan3A_161 to %scan3A_163 step %scan3A_164 iter_args(%scan3A_178 = %scan3A_160) -> (i32)  : i32 {
      %mul3A_179 = arith.constant 16 : i32
      %mul3A_180 = arith.muli %scan3A_177, %mul3A_179 : i32
      %add3A_181 = arith.constant 19968 : i32
      %add3A_182 = arith.addi %add3A_181, %mul3A_180 : i32
      %get3A = arith.index_cast %add3A_182 : i32 to index
      %get3A_183 = tpu.vector_load %arg7[%get3A] {strides = array<i32>} : memref<20000xi32, #tpu.memory_space<vmem>>, vector<16xi32>,
      tpu.vector_store_idx %arg9[%get3A_183], %broadcast_in_dim3A_24 {add = true} : memref<10112xf32, #tpu.memory_space<vmem>>[vector<16xi32>], vector<16xf32>,
      %scan3A_184 = arith.constant 0 : i32
      scf.yield %scan3A_184 : i32
    }
    %scan3A_166 = arith.constant 2 : i32
    %barrier3A_167 = arith.constant 0 : index
    tpu.barrier barrier_id(%barrier3A_167)
    %mul3A_168 = arith.constant 624 : i32
    %mul3A_169 = arith.muli %arg1, %mul3A_168 : i32
    "tpu.region"() ({
      %run_scoped3A_177 = tpu.sem_alloc : memref<!tpu.dma_semaphore, #tpu.memory_space<semaphore_mem>>
      %dma_start3A_178 = arith.constant 0 : i32
      %dma_start3A_179 = tpu.memref_slice %arg4[%arg0, %mul3A_169, %dma_start3A_178] : memref<2x10000x64xf32, #tpu.memory_space<hbm>> -> memref<1x624x64xf32, #tpu.memory_space<hbm>>
      %dma_start3A_180 = tpu.memref_squeeze %dma_start3A_179 : memref<1x624x64xf32, #tpu.memory_space<hbm>> -> memref<624x64xf32, #tpu.memory_space<hbm>>
      %dma_start3A_181 = arith.constant 0 : i32
      %dma_start3A_182 = tpu.memref_slice %arg10[%mul3A_169, %dma_start3A_181] : memref<10112x64xf32, #tpu.memory_space<vmem_shared>> -> memref<624x64xf32, #tpu.memory_space<vmem_shared>>
      tpu.enqueue_dma source(%dma_start3A_182 : memref<624x64xf32, #tpu.memory_space<vmem_shared>>) target(%dma_start3A_180 : memref<624x64xf32, #tpu.memory_space<hbm>>) target_semaphore(%run_scoped3A_177 : memref<!tpu.dma_semaphore, #tpu.memory_space<semaphore_mem>>)
      %dma_wait3A_183 = arith.constant 0 : i32
      %dma_wait3A_184 = tpu.memref_slice %arg4[%arg0, %mul3A_169, %dma_wait3A_183] : memref<2x10000x64xf32, #tpu.memory_space<hbm>> -> memref<1x624x64xf32, #tpu.memory_space<hbm>>
      %dma_wait3A_185 = tpu.memref_squeeze %dma_wait3A_184 : memref<1x624x64xf32, #tpu.memory_space<hbm>> -> memref<624x64xf32, #tpu.memory_space<hbm>>
      %dma_wait3A_186 = arith.constant 0 : i32
      %dma_wait3A_187 = tpu.memref_slice %arg10[%mul3A_169, %dma_wait3A_186] : memref<10112x64xf32, #tpu.memory_space<vmem_shared>> -> memref<624x64xf32, #tpu.memory_space<vmem_shared>>
      tpu.wait_dma2 semaphore(%run_scoped3A_177 : memref<!tpu.dma_semaphore, #tpu.memory_space<semaphore_mem>>) src(%dma_wait3A_187 : memref<624x64xf32, #tpu.memory_space<vmem_shared>>) dst(%dma_wait3A_185 : memref<624x64xf32, #tpu.memory_space<hbm>>)
      tpu.yield
    }) : () -> ()
    %eq3A = arith.constant 15 : i32
    %eq3A_170 = arith.cmpi eq, %arg1, %eq3A : i32
    %convert_element_type3A = arith.extui %eq3A_170 : i1 to i32
    %cond3A = arith.constant 0 : i32
    %cond3A_171 = arith.cmpi ne, %convert_element_type3A, %cond3A : i32
    scf.if %cond3A_171 {
      "tpu.region"() ({
        %run_scoped3A_177 = tpu.sem_alloc : memref<!tpu.dma_semaphore, #tpu.memory_space<semaphore_mem>>
        %dma_start3A_178 = arith.constant 9984 : i32
        %dma_start3A_179 = arith.constant 0 : i32
        %dma_start3A_180 = tpu.memref_slice %arg4[%arg0, %dma_start3A_178, %dma_start3A_179] : memref<2x10000x64xf32, #tpu.memory_space<hbm>> -> memref<1x16x64xf32, #tpu.memory_space<hbm>>
        %dma_start3A_181 = tpu.memref_squeeze %dma_start3A_180 : memref<1x16x64xf32, #tpu.memory_space<hbm>> -> memref<16x64xf32, #tpu.memory_space<hbm>>
        %dma_start3A_182 = arith.constant 9984 : i32
        %dma_start3A_183 = arith.constant 0 : i32
        %dma_start3A_184 = tpu.memref_slice %arg10[%dma_start3A_182, %dma_start3A_183] : memref<10112x64xf32, #tpu.memory_space<vmem_shared>> -> memref<16x64xf32, #tpu.memory_space<vmem_shared>>
        tpu.enqueue_dma source(%dma_start3A_184 : memref<16x64xf32, #tpu.memory_space<vmem_shared>>) target(%dma_start3A_181 : memref<16x64xf32, #tpu.memory_space<hbm>>) target_semaphore(%run_scoped3A_177 : memref<!tpu.dma_semaphore, #tpu.memory_space<semaphore_mem>>)
        %dma_wait3A_185 = arith.constant 9984 : i32
        %dma_wait3A_186 = arith.constant 0 : i32
        %dma_wait3A_187 = tpu.memref_slice %arg4[%arg0, %dma_wait3A_185, %dma_wait3A_186] : memref<2x10000x64xf32, #tpu.memory_space<hbm>> -> memref<1x16x64xf32, #tpu.memory_space<hbm>>
        %dma_wait3A_188 = tpu.memref_squeeze %dma_wait3A_187 : memref<1x16x64xf32, #tpu.memory_space<hbm>> -> memref<16x64xf32, #tpu.memory_space<hbm>>
        %dma_wait3A_189 = arith.constant 9984 : i32
        %dma_wait3A_190 = arith.constant 0 : i32
        %dma_wait3A_191 = tpu.memref_slice %arg10[%dma_wait3A_189, %dma_wait3A_190] : memref<10112x64xf32, #tpu.memory_space<vmem_shared>> -> memref<16x64xf32, #tpu.memory_space<vmem_shared>>
        tpu.wait_dma2 semaphore(%run_scoped3A_177 : memref<!tpu.dma_semaphore, #tpu.memory_space<semaphore_mem>>) src(%dma_wait3A_191 : memref<16x64xf32, #tpu.memory_space<vmem_shared>>) dst(%dma_wait3A_188 : memref<16x64xf32, #tpu.memory_space<hbm>>)
        tpu.yield
      }) : () -> ()
    } else {
    }
    %eq3A_172 = arith.constant 0 : i32
    %eq3A_173 = arith.cmpi eq, %arg0, %eq3A_172 : i32
    %convert_element_type3A_174 = arith.extui %eq3A_173 : i1 to i32
    %cond3A_175 = arith.constant 0 : i32
    %cond3A_176 = arith.cmpi ne, %convert_element_type3A_174, %cond3A_175 : i32
    scf.if %cond3A_176 {
      %run_scoped3A_177 = arith.constant 0 : i32
      "tpu.region"() ({
        %run_scoped3A_182 = tpu.sem_alloc : memref<!tpu.dma_semaphore, #tpu.memory_space<semaphore_mem>>
        %dma_start3A_183 = arith.constant 0 : i32
        %dma_start3A_184 = tpu.memref_slice %arg9[%dma_start3A_183] : memref<10112xf32, #tpu.memory_space<vmem>> -> memref<2000xf32, #tpu.memory_space<vmem>>
        %dma_start3A_185 = arith.constant 0 : i32
        %dma_start3A_186 = tpu.memref_slice %arg5[%run_scoped3A_177, %arg1, %dma_start3A_185] : memref<5x16x2000xf32, #tpu.memory_space<hbm>> -> memref<1x1x2000xf32, #tpu.memory_space<hbm>>
        %dma_start3A_187 = tpu.memref_squeeze %dma_start3A_186 : memref<1x1x2000xf32, #tpu.memory_space<hbm>> -> memref<2000xf32, #tpu.memory_space<hbm>>
        %dma_start3A_188 = arith.constant 0 : i32
        %dma_start3A_189 = tpu.memref_slice %arg5[%run_scoped3A_177, %arg1, %dma_start3A_188] : memref<5x16x2000xf32, #tpu.memory_space<hbm>> -> memref<1x1x2000xf32, #tpu.memory_space<hbm>>
        %dma_start3A_190 = tpu.memref_squeeze %dma_start3A_189 : memref<1x1x2000xf32, #tpu.memory_space<hbm>> -> memref<2000xf32, #tpu.memory_space<hbm>>
        %dma_start3A_191 = arith.constant 0 : i32
        %dma_start3A_192 = tpu.memref_slice %arg9[%dma_start3A_191] : memref<10112xf32, #tpu.memory_space<vmem>> -> memref<2000xf32, #tpu.memory_space<vmem>>
        tpu.enqueue_dma source(%dma_start3A_192 : memref<2000xf32, #tpu.memory_space<vmem>>) target(%dma_start3A_190 : memref<2000xf32, #tpu.memory_space<hbm>>) target_semaphore(%run_scoped3A_182 : memref<!tpu.dma_semaphore, #tpu.memory_space<semaphore_mem>>)
        %dma_wait3A_193 = arith.constant 0 : i32
        %dma_wait3A_194 = tpu.memref_slice %arg9[%dma_wait3A_193] : memref<10112xf32, #tpu.memory_space<vmem>> -> memref<2000xf32, #tpu.memory_space<vmem>>
        %dma_wait3A_195 = arith.constant 0 : i32
        %dma_wait3A_196 = tpu.memref_slice %arg5[%run_scoped3A_177, %arg1, %dma_wait3A_195] : memref<5x16x2000xf32, #tpu.memory_space<hbm>> -> memref<1x1x2000xf32, #tpu.memory_space<hbm>>
        %dma_wait3A_197 = tpu.memref_squeeze %dma_wait3A_196 : memref<1x1x2000xf32, #tpu.memory_space<hbm>> -> memref<2000xf32, #tpu.memory_space<hbm>>
        %dma_wait3A_198 = arith.constant 0 : i32
        %dma_wait3A_199 = tpu.memref_slice %arg5[%run_scoped3A_177, %arg1, %dma_wait3A_198] : memref<5x16x2000xf32, #tpu.memory_space<hbm>> -> memref<1x1x2000xf32, #tpu.memory_space<hbm>>
        %dma_wait3A_200 = tpu.memref_squeeze %dma_wait3A_199 : memref<1x1x2000xf32, #tpu.memory_space<hbm>> -> memref<2000xf32, #tpu.memory_space<hbm>>
        %dma_wait3A_201 = arith.constant 0 : i32
        %dma_wait3A_202 = tpu.memref_slice %arg9[%dma_wait3A_201] : memref<10112xf32, #tpu.memory_space<vmem>> -> memref<2000xf32, #tpu.memory_space<vmem>>
        tpu.wait_dma2 semaphore(%run_scoped3A_182 : memref<!tpu.dma_semaphore, #tpu.memory_space<semaphore_mem>>) src(%dma_wait3A_202 : memref<2000xf32, #tpu.memory_space<vmem>>) dst(%dma_wait3A_200 : memref<2000xf32, #tpu.memory_space<hbm>>)
        tpu.yield
      }) : () -> ()
      %run_scoped3A_178 = arith.constant 1 : i32
      "tpu.region"() ({
        %run_scoped3A_182 = tpu.sem_alloc : memref<!tpu.dma_semaphore, #tpu.memory_space<semaphore_mem>>
        %dma_start3A_183 = arith.constant 2000 : i32
        %dma_start3A_184 = tpu.memref_slice %arg9[%dma_start3A_183] : memref<10112xf32, #tpu.memory_space<vmem>> -> memref<2000xf32, #tpu.memory_space<vmem>>
        %dma_start3A_185 = arith.constant 0 : i32
        %dma_start3A_186 = tpu.memref_slice %arg5[%run_scoped3A_178, %arg1, %dma_start3A_185] : memref<5x16x2000xf32, #tpu.memory_space<hbm>> -> memref<1x1x2000xf32, #tpu.memory_space<hbm>>
        %dma_start3A_187 = tpu.memref_squeeze %dma_start3A_186 : memref<1x1x2000xf32, #tpu.memory_space<hbm>> -> memref<2000xf32, #tpu.memory_space<hbm>>
        %dma_start3A_188 = arith.constant 0 : i32
        %dma_start3A_189 = tpu.memref_slice %arg5[%run_scoped3A_178, %arg1, %dma_start3A_188] : memref<5x16x2000xf32, #tpu.memory_space<hbm>> -> memref<1x1x2000xf32, #tpu.memory_space<hbm>>
        %dma_start3A_190 = tpu.memref_squeeze %dma_start3A_189 : memref<1x1x2000xf32, #tpu.memory_space<hbm>> -> memref<2000xf32, #tpu.memory_space<hbm>>
        %dma_start3A_191 = arith.constant 2000 : i32
        %dma_start3A_192 = tpu.memref_slice %arg9[%dma_start3A_191] : memref<10112xf32, #tpu.memory_space<vmem>> -> memref<2000xf32, #tpu.memory_space<vmem>>
        tpu.enqueue_dma source(%dma_start3A_192 : memref<2000xf32, #tpu.memory_space<vmem>>) target(%dma_start3A_190 : memref<2000xf32, #tpu.memory_space<hbm>>) target_semaphore(%run_scoped3A_182 : memref<!tpu.dma_semaphore, #tpu.memory_space<semaphore_mem>>)
        %dma_wait3A_193 = arith.constant 2000 : i32
        %dma_wait3A_194 = tpu.memref_slice %arg9[%dma_wait3A_193] : memref<10112xf32, #tpu.memory_space<vmem>> -> memref<2000xf32, #tpu.memory_space<vmem>>
        %dma_wait3A_195 = arith.constant 0 : i32
        %dma_wait3A_196 = tpu.memref_slice %arg5[%run_scoped3A_178, %arg1, %dma_wait3A_195] : memref<5x16x2000xf32, #tpu.memory_space<hbm>> -> memref<1x1x2000xf32, #tpu.memory_space<hbm>>
        %dma_wait3A_197 = tpu.memref_squeeze %dma_wait3A_196 : memref<1x1x2000xf32, #tpu.memory_space<hbm>> -> memref<2000xf32, #tpu.memory_space<hbm>>
        %dma_wait3A_198 = arith.constant 0 : i32
        %dma_wait3A_199 = tpu.memref_slice %arg5[%run_scoped3A_178, %arg1, %dma_wait3A_198] : memref<5x16x2000xf32, #tpu.memory_space<hbm>> -> memref<1x1x2000xf32, #tpu.memory_space<hbm>>
        %dma_wait3A_200 = tpu.memref_squeeze %dma_wait3A_199 : memref<1x1x2000xf32, #tpu.memory_space<hbm>> -> memref<2000xf32, #tpu.memory_space<hbm>>
        %dma_wait3A_201 = arith.constant 2000 : i32
        %dma_wait3A_202 = tpu.memref_slice %arg9[%dma_wait3A_201] : memref<10112xf32, #tpu.memory_space<vmem>> -> memref<2000xf32, #tpu.memory_space<vmem>>
        tpu.wait_dma2 semaphore(%run_scoped3A_182 : memref<!tpu.dma_semaphore, #tpu.memory_space<semaphore_mem>>) src(%dma_wait3A_202 : memref<2000xf32, #tpu.memory_space<vmem>>) dst(%dma_wait3A_200 : memref<2000xf32, #tpu.memory_space<hbm>>)
        tpu.yield
      }) : () -> ()
      %run_scoped3A_179 = arith.constant 2 : i32
      "tpu.region"() ({
        %run_scoped3A_182 = tpu.sem_alloc : memref<!tpu.dma_semaphore, #tpu.memory_space<semaphore_mem>>
        %dma_start3A_183 = arith.constant 4000 : i32
        %dma_start3A_184 = tpu.memref_slice %arg9[%dma_start3A_183] : memref<10112xf32, #tpu.memory_space<vmem>> -> memref<2000xf32, #tpu.memory_space<vmem>>
        %dma_start3A_185 = arith.constant 0 : i32
        %dma_start3A_186 = tpu.memref_slice %arg5[%run_scoped3A_179, %arg1, %dma_start3A_185] : memref<5x16x2000xf32, #tpu.memory_space<hbm>> -> memref<1x1x2000xf32, #tpu.memory_space<hbm>>
        %dma_start3A_187 = tpu.memref_squeeze %dma_start3A_186 : memref<1x1x2000xf32, #tpu.memory_space<hbm>> -> memref<2000xf32, #tpu.memory_space<hbm>>
        %dma_start3A_188 = arith.constant 0 : i32
        %dma_start3A_189 = tpu.memref_slice %arg5[%run_scoped3A_179, %arg1, %dma_start3A_188] : memref<5x16x2000xf32, #tpu.memory_space<hbm>> -> memref<1x1x2000xf32, #tpu.memory_space<hbm>>
        %dma_start3A_190 = tpu.memref_squeeze %dma_start3A_189 : memref<1x1x2000xf32, #tpu.memory_space<hbm>> -> memref<2000xf32, #tpu.memory_space<hbm>>
        %dma_start3A_191 = arith.constant 4000 : i32
        %dma_start3A_192 = tpu.memref_slice %arg9[%dma_start3A_191] : memref<10112xf32, #tpu.memory_space<vmem>> -> memref<2000xf32, #tpu.memory_space<vmem>>
        tpu.enqueue_dma source(%dma_start3A_192 : memref<2000xf32, #tpu.memory_space<vmem>>) target(%dma_start3A_190 : memref<2000xf32, #tpu.memory_space<hbm>>) target_semaphore(%run_scoped3A_182 : memref<!tpu.dma_semaphore, #tpu.memory_space<semaphore_mem>>)
        %dma_wait3A_193 = arith.constant 4000 : i32
        %dma_wait3A_194 = tpu.memref_slice %arg9[%dma_wait3A_193] : memref<10112xf32, #tpu.memory_space<vmem>> -> memref<2000xf32, #tpu.memory_space<vmem>>
        %dma_wait3A_195 = arith.constant 0 : i32
        %dma_wait3A_196 = tpu.memref_slice %arg5[%run_scoped3A_179, %arg1, %dma_wait3A_195] : memref<5x16x2000xf32, #tpu.memory_space<hbm>> -> memref<1x1x2000xf32, #tpu.memory_space<hbm>>
        %dma_wait3A_197 = tpu.memref_squeeze %dma_wait3A_196 : memref<1x1x2000xf32, #tpu.memory_space<hbm>> -> memref<2000xf32, #tpu.memory_space<hbm>>
        %dma_wait3A_198 = arith.constant 0 : i32
        %dma_wait3A_199 = tpu.memref_slice %arg5[%run_scoped3A_179, %arg1, %dma_wait3A_198] : memref<5x16x2000xf32, #tpu.memory_space<hbm>> -> memref<1x1x2000xf32, #tpu.memory_space<hbm>>
        %dma_wait3A_200 = tpu.memref_squeeze %dma_wait3A_199 : memref<1x1x2000xf32, #tpu.memory_space<hbm>> -> memref<2000xf32, #tpu.memory_space<hbm>>
        %dma_wait3A_201 = arith.constant 4000 : i32
        %dma_wait3A_202 = tpu.memref_slice %arg9[%dma_wait3A_201] : memref<10112xf32, #tpu.memory_space<vmem>> -> memref<2000xf32, #tpu.memory_space<vmem>>
        tpu.wait_dma2 semaphore(%run_scoped3A_182 : memref<!tpu.dma_semaphore, #tpu.memory_space<semaphore_mem>>) src(%dma_wait3A_202 : memref<2000xf32, #tpu.memory_space<vmem>>) dst(%dma_wait3A_200 : memref<2000xf32, #tpu.memory_space<hbm>>)
        tpu.yield
      }) : () -> ()
      %run_scoped3A_180 = arith.constant 3 : i32
      "tpu.region"() ({
        %run_scoped3A_182 = tpu.sem_alloc : memref<!tpu.dma_semaphore, #tpu.memory_space<semaphore_mem>>
        %dma_start3A_183 = arith.constant 6000 : i32
        %dma_start3A_184 = tpu.memref_slice %arg9[%dma_start3A_183] : memref<10112xf32, #tpu.memory_space<vmem>> -> memref<2000xf32, #tpu.memory_space<vmem>>
        %dma_start3A_185 = arith.constant 0 : i32
        %dma_start3A_186 = tpu.memref_slice %arg5[%run_scoped3A_180, %arg1, %dma_start3A_185] : memref<5x16x2000xf32, #tpu.memory_space<hbm>> -> memref<1x1x2000xf32, #tpu.memory_space<hbm>>
        %dma_start3A_187 = tpu.memref_squeeze %dma_start3A_186 : memref<1x1x2000xf32, #tpu.memory_space<hbm>> -> memref<2000xf32, #tpu.memory_space<hbm>>
        %dma_start3A_188 = arith.constant 0 : i32
        %dma_start3A_189 = tpu.memref_slice %arg5[%run_scoped3A_180, %arg1, %dma_start3A_188] : memref<5x16x2000xf32, #tpu.memory_space<hbm>> -> memref<1x1x2000xf32, #tpu.memory_space<hbm>>
        %dma_start3A_190 = tpu.memref_squeeze %dma_start3A_189 : memref<1x1x2000xf32, #tpu.memory_space<hbm>> -> memref<2000xf32, #tpu.memory_space<hbm>>
        %dma_start3A_191 = arith.constant 6000 : i32
        %dma_start3A_192 = tpu.memref_slice %arg9[%dma_start3A_191] : memref<10112xf32, #tpu.memory_space<vmem>> -> memref<2000xf32, #tpu.memory_space<vmem>>
        tpu.enqueue_dma source(%dma_start3A_192 : memref<2000xf32, #tpu.memory_space<vmem>>) target(%dma_start3A_190 : memref<2000xf32, #tpu.memory_space<hbm>>) target_semaphore(%run_scoped3A_182 : memref<!tpu.dma_semaphore, #tpu.memory_space<semaphore_mem>>)
        %dma_wait3A_193 = arith.constant 6000 : i32
        %dma_wait3A_194 = tpu.memref_slice %arg9[%dma_wait3A_193] : memref<10112xf32, #tpu.memory_space<vmem>> -> memref<2000xf32, #tpu.memory_space<vmem>>
        %dma_wait3A_195 = arith.constant 0 : i32
        %dma_wait3A_196 = tpu.memref_slice %arg5[%run_scoped3A_180, %arg1, %dma_wait3A_195] : memref<5x16x2000xf32, #tpu.memory_space<hbm>> -> memref<1x1x2000xf32, #tpu.memory_space<hbm>>
        %dma_wait3A_197 = tpu.memref_squeeze %dma_wait3A_196 : memref<1x1x2000xf32, #tpu.memory_space<hbm>> -> memref<2000xf32, #tpu.memory_space<hbm>>
        %dma_wait3A_198 = arith.constant 0 : i32
        %dma_wait3A_199 = tpu.memref_slice %arg5[%run_scoped3A_180, %arg1, %dma_wait3A_198] : memref<5x16x2000xf32, #tpu.memory_space<hbm>> -> memref<1x1x2000xf32, #tpu.memory_space<hbm>>
        %dma_wait3A_200 = tpu.memref_squeeze %dma_wait3A_199 : memref<1x1x2000xf32, #tpu.memory_space<hbm>> -> memref<2000xf32, #tpu.memory_space<hbm>>
        %dma_wait3A_201 = arith.constant 6000 : i32
        %dma_wait3A_202 = tpu.memref_slice %arg9[%dma_wait3A_201] : memref<10112xf32, #tpu.memory_space<vmem>> -> memref<2000xf32, #tpu.memory_space<vmem>>
        tpu.wait_dma2 semaphore(%run_scoped3A_182 : memref<!tpu.dma_semaphore, #tpu.memory_space<semaphore_mem>>) src(%dma_wait3A_202 : memref<2000xf32, #tpu.memory_space<vmem>>) dst(%dma_wait3A_200 : memref<2000xf32, #tpu.memory_space<hbm>>)
        tpu.yield
      }) : () -> ()
      %run_scoped3A_181 = arith.constant 4 : i32
      "tpu.region"() ({
        %run_scoped3A_182 = tpu.sem_alloc : memref<!tpu.dma_semaphore, #tpu.memory_space<semaphore_mem>>
        %dma_start3A_183 = arith.constant 8000 : i32
        %dma_start3A_184 = tpu.memref_slice %arg9[%dma_start3A_183] : memref<10112xf32, #tpu.memory_space<vmem>> -> memref<2000xf32, #tpu.memory_space<vmem>>
        %dma_start3A_185 = arith.constant 0 : i32
        %dma_start3A_186 = tpu.memref_slice %arg5[%run_scoped3A_181, %arg1, %dma_start3A_185] : memref<5x16x2000xf32, #tpu.memory_space<hbm>> -> memref<1x1x2000xf32, #tpu.memory_space<hbm>>
        %dma_start3A_187 = tpu.memref_squeeze %dma_start3A_186 : memref<1x1x2000xf32, #tpu.memory_space<hbm>> -> memref<2000xf32, #tpu.memory_space<hbm>>
        %dma_start3A_188 = arith.constant 0 : i32
        %dma_start3A_189 = tpu.memref_slice %arg5[%run_scoped3A_181, %arg1, %dma_start3A_188] : memref<5x16x2000xf32, #tpu.memory_space<hbm>> -> memref<1x1x2000xf32, #tpu.memory_space<hbm>>
        %dma_start3A_190 = tpu.memref_squeeze %dma_start3A_189 : memref<1x1x2000xf32, #tpu.memory_space<hbm>> -> memref<2000xf32, #tpu.memory_space<hbm>>
        %dma_start3A_191 = arith.constant 8000 : i32
        %dma_start3A_192 = tpu.memref_slice %arg9[%dma_start3A_191] : memref<10112xf32, #tpu.memory_space<vmem>> -> memref<2000xf32, #tpu.memory_space<vmem>>
        tpu.enqueue_dma source(%dma_start3A_192 : memref<2000xf32, #tpu.memory_space<vmem>>) target(%dma_start3A_190 : memref<2000xf32, #tpu.memory_space<hbm>>) target_semaphore(%run_scoped3A_182 : memref<!tpu.dma_semaphore, #tpu.memory_space<semaphore_mem>>)
        %dma_wait3A_193 = arith.constant 8000 : i32
        %dma_wait3A_194 = tpu.memref_slice %arg9[%dma_wait3A_193] : memref<10112xf32, #tpu.memory_space<vmem>> -> memref<2000xf32, #tpu.memory_space<vmem>>
        %dma_wait3A_195 = arith.constant 0 : i32
        %dma_wait3A_196 = tpu.memref_slice %arg5[%run_scoped3A_181, %arg1, %dma_wait3A_195] : memref<5x16x2000xf32, #tpu.memory_space<hbm>> -> memref<1x1x2000xf32, #tpu.memory_space<hbm>>
        %dma_wait3A_197 = tpu.memref_squeeze %dma_wait3A_196 : memref<1x1x2000xf32, #tpu.memory_space<hbm>> -> memref<2000xf32, #tpu.memory_space<hbm>>
        %dma_wait3A_198 = arith.constant 0 : i32
        %dma_wait3A_199 = tpu.memref_slice %arg5[%run_scoped3A_181, %arg1, %dma_wait3A_198] : memref<5x16x2000xf32, #tpu.memory_space<hbm>> -> memref<1x1x2000xf32, #tpu.memory_space<hbm>>
        %dma_wait3A_200 = tpu.memref_squeeze %dma_wait3A_199 : memref<1x1x2000xf32, #tpu.memory_space<hbm>> -> memref<2000xf32, #tpu.memory_space<hbm>>
        %dma_wait3A_201 = arith.constant 8000 : i32
        %dma_wait3A_202 = tpu.memref_slice %arg9[%dma_wait3A_201] : memref<10112xf32, #tpu.memory_space<vmem>> -> memref<2000xf32, #tpu.memory_space<vmem>>
        tpu.wait_dma2 semaphore(%run_scoped3A_182 : memref<!tpu.dma_semaphore, #tpu.memory_space<semaphore_mem>>) src(%dma_wait3A_202 : memref<2000xf32, #tpu.memory_space<vmem>>) dst(%dma_wait3A_200 : memref<2000xf32, #tpu.memory_space<hbm>>)
        tpu.yield
      }) : () -> ()
    } else {
    }
    return
  }
}

#map = affine_map<(d0, d1) -> (0, 0, 0)>
#map1 = affine_map<(d0, d1) -> (0, 0)>
module attributes {stable_mosaic.version = 14 : i64} {
  func.func @agg(%arg0: i32, %arg1: i32, %arg2: memref<2x10000x64xf32, #tpu.memory_space<hbm>>, %arg3: memref<2x320000xi32, #tpu.memory_space<hbm>>, %arg4: memref<2x10000x64xf32, #tpu.memory_space<hbm>>, %arg5: memref<5x16x2000xf32, #tpu.memory_space<hbm>>, %arg6: memref<20000xi32, #tpu.memory_space<vmem>>, %arg7: memref<20000xi32, #tpu.memory_space<vmem>>, %arg8: memref<4x128x64xf32, #tpu.memory_space<vmem>>, %arg9: memref<10112xf32, #tpu.memory_space<vmem>>, %arg10: memref<10112x64xf32, #tpu.memory_space<vmem_shared>>, %arg11: memref<!tpu.dma_semaphore, #tpu.memory_space<semaphore_mem>>, %arg12: memref<!tpu.dma_semaphore, #tpu.memory_space<semaphore_mem>>) attributes {dimension_semantics = [#tpu.dimension_semantics<core_parallel>, #tpu.dimension_semantics<subcore_parallel>], iteration_bounds = array<i64: 2, 16>, scalar_prefetch = 0 : i64, scratch_operands = 7 : i64, tpu.core_type = #tpu.core_type<sc_vector_subcore>, window_params = [{transform_indices = #map}, {transform_indices = #map1}, {transform_indices = #map}, {transform_indices = #map}]} {
    %mul3A = arith.constant 20000 : i32
    %mul3A_0 = arith.muli %arg1, %mul3A : i32
    %run_scoped3A = arith.constant 0 : i32
    "tpu.region"() ({
      %run_scoped3A_177 = tpu.sem_alloc : memref<!tpu.dma_semaphore, #tpu.memory_space<semaphore_mem>>
      %dma_start3A_178 = tpu.memref_slice %arg3[%run_scoped3A, %mul3A_0] : memref<2x320000xi32, #tpu.memory_space<hbm>> -> memref<1x20000xi32, #tpu.memory_space<hbm>>
      %dma_start3A_179 = tpu.memref_squeeze %dma_start3A_178 : memref<1x20000xi32, #tpu.memory_space<hbm>> -> memref<20000xi32, #tpu.memory_space<hbm>>
      %dma_start3A_180 = tpu.memref_slice %arg3[%run_scoped3A, %mul3A_0] : memref<2x320000xi32, #tpu.memory_space<hbm>> -> memref<1x20000xi32, #tpu.memory_space<hbm>>
      %dma_start3A_181 = tpu.memref_squeeze %dma_start3A_180 : memref<1x20000xi32, #tpu.memory_space<hbm>> -> memref<20000xi32, #tpu.memory_space<hbm>>
      tpu.enqueue_dma source(%dma_start3A_181 : memref<20000xi32, #tpu.memory_space<hbm>>) target(%arg6 : memref<20000xi32, #tpu.memory_space<vmem>>) target_semaphore(%run_scoped3A_177 : memref<!tpu.dma_semaphore, #tpu.memory_space<semaphore_mem>>)
      %dma_wait3A_182 = tpu.memref_slice %arg3[%run_scoped3A, %mul3A_0] : memref<2x320000xi32, #tpu.memory_space<hbm>> -> memref<1x20000xi32, #tpu.memory_space<hbm>>
      %dma_wait3A_183 = tpu.memref_squeeze %dma_wait3A_182 : memref<1x20000xi32, #tpu.memory_space<hbm>> -> memref<20000xi32, #tpu.memory_space<hbm>>
      %dma_wait3A_184 = tpu.memref_slice %arg3[%run_scoped3A, %mul3A_0] : memref<2x320000xi32, #tpu.memory_space<hbm>> -> memref<1x20000xi32, #tpu.memory_space<hbm>>
      %dma_wait3A_185 = tpu.memref_squeeze %dma_wait3A_184 : memref<1x20000xi32, #tpu.memory_space<hbm>> -> memref<20000xi32, #tpu.memory_space<hbm>>
      tpu.wait_dma2 semaphore(%run_scoped3A_177 : memref<!tpu.dma_semaphore, #tpu.memory_space<semaphore_mem>>) src(%dma_wait3A_185 : memref<20000xi32, #tpu.memory_space<hbm>>) dst(%arg6 : memref<20000xi32, #tpu.memory_space<vmem>>)
      tpu.yield
    }) : () -> ()
    %run_scoped3A_1 = arith.constant 1 : i32
    "tpu.region"() ({
      %run_scoped3A_177 = tpu.sem_alloc : memref<!tpu.dma_semaphore, #tpu.memory_space<semaphore_mem>>
      %dma_start3A_178 = tpu.memref_slice %arg3[%run_scoped3A_1, %mul3A_0] : memref<2x320000xi32, #tpu.memory_space<hbm>> -> memref<1x20000xi32, #tpu.memory_space<hbm>>
      %dma_start3A_179 = tpu.memref_squeeze %dma_start3A_178 : memref<1x20000xi32, #tpu.memory_space<hbm>> -> memref<20000xi32, #tpu.memory_space<hbm>>
      %dma_start3A_180 = tpu.memref_slice %arg3[%run_scoped3A_1, %mul3A_0] : memref<2x320000xi32, #tpu.memory_space<hbm>> -> memref<1x20000xi32, #tpu.memory_space<hbm>>
      %dma_start3A_181 = tpu.memref_squeeze %dma_start3A_180 : memref<1x20000xi32, #tpu.memory_space<hbm>> -> memref<20000xi32, #tpu.memory_space<hbm>>
      tpu.enqueue_dma source(%dma_start3A_181 : memref<20000xi32, #tpu.memory_space<hbm>>) target(%arg7 : memref<20000xi32, #tpu.memory_space<vmem>>) target_semaphore(%run_scoped3A_177 : memref<!tpu.dma_semaphore, #tpu.memory_space<semaphore_mem>>)
      %dma_wait3A_182 = tpu.memref_slice %arg3[%run_scoped3A_1, %mul3A_0] : memref<2x320000xi32, #tpu.memory_space<hbm>> -> memref<1x20000xi32, #tpu.memory_space<hbm>>
      %dma_wait3A_183 = tpu.memref_squeeze %dma_wait3A_182 : memref<1x20000xi32, #tpu.memory_space<hbm>> -> memref<20000xi32, #tpu.memory_space<hbm>>
      %dma_wait3A_184 = tpu.memref_slice %arg3[%run_scoped3A_1, %mul3A_0] : memref<2x320000xi32, #tpu.memory_space<hbm>> -> memref<1x20000xi32, #tpu.memory_space<hbm>>
      %dma_wait3A_185 = tpu.memref_squeeze %dma_wait3A_184 : memref<1x20000xi32, #tpu.memory_space<hbm>> -> memref<20000xi32, #tpu.memory_space<hbm>>
      tpu.wait_dma2 semaphore(%run_scoped3A_177 : memref<!tpu.dma_semaphore, #tpu.memory_space<semaphore_mem>>) src(%dma_wait3A_185 : memref<20000xi32, #tpu.memory_space<hbm>>) dst(%arg7 : memref<20000xi32, #tpu.memory_space<vmem>>)
      tpu.yield
    }) : () -> ()
    %scan3A = arith.constant 0 : i32
    %scan3A_2 = arith.constant 0 : i32
    %scan3A_3 = arith.constant 512 : i32
    %scan3A_4 = arith.addi %scan3A_2, %scan3A_3 : i32
    %scan3A_5 = arith.constant 1 : i32
    %scan3A_6 = scf.for %scan3A_177 = %scan3A_2 to %scan3A_4 step %scan3A_5 iter_args(%scan3A_178 = %scan3A) -> (i32)  : i32 {
      %jit3A = arith.constant 4 : i32
      %div3A = arith.divsi %scan3A_177, %jit3A : i32
      %sign3A = arith.constant 0 : i32
      %sign3A_179 = arith.cmpi sgt, %scan3A_177, %sign3A : i32
      %sign3A_180 = arith.extui %sign3A_179 : i1 to i32
      %sign3A_181 = arith.constant 0 : i32
      %sign3A_182 = arith.cmpi slt, %scan3A_177, %sign3A_181 : i32
      %sign3A_183 = arith.extui %sign3A_182 : i1 to i32
      %sign3A_184 = arith.subi %sign3A_180, %sign3A_183 : i32
      %sign3A_185 = arith.constant 0 : i32
      %sign3A_186 = arith.cmpi sgt, %jit3A, %sign3A_185 : i32
      %sign3A_187 = arith.extui %sign3A_186 : i1 to i32
      %sign3A_188 = arith.constant 0 : i32
      %sign3A_189 = arith.cmpi slt, %jit3A, %sign3A_188 : i32
      %sign3A_190 = arith.extui %sign3A_189 : i1 to i32
      %sign3A_191 = arith.subi %sign3A_187, %sign3A_190 : i32
      %ne3A = arith.cmpi ne, %sign3A_184, %sign3A_191 : i32
      %rem3A_192 = arith.remsi %scan3A_177, %jit3A : i32
      %ne3A_193 = arith.constant 0 : i32
      %ne3A_194 = arith.cmpi ne, %rem3A_192, %ne3A_193 : i32
      %and3A = arith.andi %ne3A, %ne3A_194 : i1
      %sub3A = arith.constant 1 : i32
      %sub3A_195 = arith.subi %div3A, %sub3A : i32
      %select_n3A = arith.select %and3A, %sub3A_195, %div3A : i32
      %jit3A_196 = arith.constant 4 : i32
      %eq3A_197 = arith.constant 0 : i32
      %eq3A_198 = arith.cmpi eq, %jit3A_196, %eq3A_197 : i32
      %jit3A_199 = arith.constant 1 : i32
      %select_n3A_200 = arith.select %eq3A_198, %jit3A_199, %jit3A_196 : i32
      %rem3A_201 = arith.remsi %scan3A_177, %select_n3A_200 : i32
      %ne3A_202 = arith.constant 0 : i32
      %ne3A_203 = arith.cmpi ne, %rem3A_201, %ne3A_202 : i32
      %lt3A = arith.constant 0 : i32
      %lt3A_204 = arith.cmpi slt, %rem3A_201, %lt3A : i32
      %lt3A_205 = arith.constant 0 : i32
      %lt3A_206 = arith.cmpi slt, %select_n3A_200, %lt3A_205 : i32
      %ne3A_207 = arith.xori %lt3A_204, %lt3A_206 : i1
      %and3A_208 = arith.andi %ne3A_207, %ne3A_203 : i1
      %add3A_209 = arith.addi %rem3A_201, %select_n3A_200 : i32
      %select_n3A_210 = arith.select %and3A_208, %add3A_209, %rem3A_201 : i32
      %broadcast_in_dim3A_211 = arith.constant 0.000000e+00 : f32
      %broadcast_in_dim3A_212 = vector.broadcast %broadcast_in_dim3A_211 : f32 to vector<16xf32>
      %mul3A_213 = arith.constant 16 : i32
      %mul3A_214 = arith.muli %select_n3A_210, %mul3A_213 : i32
      %swap3A = arith.constant 0 : i32
      %swap3A_215 = arith.index_cast %swap3A : i32 to index
      %swap3A_216 = arith.index_cast %select_n3A : i32 to index
      %swap3A_217 = arith.index_cast %mul3A_214 : i32 to index
      %swap3A_218 = tpu.vector_load %arg8[%swap3A_215, %swap3A_216, %swap3A_217] {strides = array<i32>} : memref<4x128x64xf32, #tpu.memory_space<vmem>>, vector<16xf32>,
      tpu.vector_store %arg8[%swap3A_215, %swap3A_216, %swap3A_217], %broadcast_in_dim3A_212 {strides = array<i32>} : memref<4x128x64xf32, #tpu.memory_space<vmem>>, vector<16xf32>,
      %scan3A_219 = arith.constant 0 : i32
      scf.yield %scan3A_219 : i32
    }
    %scan3A_7 = arith.constant 512 : i32
    %mul3A_8 = arith.constant 632 : i32
    %mul3A_9 = arith.muli %arg1, %mul3A_8 : i32
    %add3A = arith.constant 0 : i32
    %add3A_10 = arith.addi %mul3A_9, %add3A : i32
    %run_scoped3A_11 = arith.constant 0 : i32
    "tpu.region"() ({
      %run_scoped3A_177 = tpu.sem_alloc : memref<!tpu.dma_semaphore, #tpu.memory_space<semaphore_mem>>
      %dma_start3A_178 = arith.constant 0 : i32
      %dma_start3A_179 = arith.constant 0 : i32
      %dma_start3A_180 = tpu.memref_slice %arg8[%run_scoped3A_11, %dma_start3A_178, %dma_start3A_179] : memref<4x128x64xf32, #tpu.memory_space<vmem>> -> memref<1x128x64xf32, #tpu.memory_space<vmem>>
      %dma_start3A_181 = tpu.memref_squeeze %dma_start3A_180 : memref<1x128x64xf32, #tpu.memory_space<vmem>> -> memref<128x64xf32, #tpu.memory_space<vmem>>
      %dma_start3A_182 = arith.constant 0 : i32
      %dma_start3A_183 = tpu.memref_slice %arg10[%add3A_10, %dma_start3A_182] : memref<10112x64xf32, #tpu.memory_space<vmem_shared>> -> memref<128x64xf32, #tpu.memory_space<vmem_shared>>
      %dma_start3A_184 = arith.constant 0 : i32
      %dma_start3A_185 = tpu.memref_slice %arg10[%add3A_10, %dma_start3A_184] : memref<10112x64xf32, #tpu.memory_space<vmem_shared>> -> memref<128x64xf32, #tpu.memory_space<vmem_shared>>
      %dma_start3A_186 = arith.constant 0 : i32
      %dma_start3A_187 = arith.constant 0 : i32
      %dma_start3A_188 = tpu.memref_slice %arg8[%run_scoped3A_11, %dma_start3A_186, %dma_start3A_187] : memref<4x128x64xf32, #tpu.memory_space<vmem>> -> memref<1x128x64xf32, #tpu.memory_space<vmem>>
      %dma_start3A_189 = tpu.memref_squeeze %dma_start3A_188 : memref<1x128x64xf32, #tpu.memory_space<vmem>> -> memref<128x64xf32, #tpu.memory_space<vmem>>
      tpu.enqueue_dma source(%dma_start3A_189 : memref<128x64xf32, #tpu.memory_space<vmem>>) target(%dma_start3A_185 : memref<128x64xf32, #tpu.memory_space<vmem_shared>>) target_semaphore(%run_scoped3A_177 : memref<!tpu.dma_semaphore, #tpu.memory_space<semaphore_mem>>)
      %dma_wait3A_190 = arith.constant 0 : i32
      %dma_wait3A_191 = arith.constant 0 : i32
      %dma_wait3A_192 = tpu.memref_slice %arg8[%run_scoped3A_11, %dma_wait3A_190, %dma_wait3A_191] : memref<4x128x64xf32, #tpu.memory_space<vmem>> -> memref<1x128x64xf32, #tpu.memory_space<vmem>>
      %dma_wait3A_193 = tpu.memref_squeeze %dma_wait3A_192 : memref<1x128x64xf32, #tpu.memory_space<vmem>> -> memref<128x64xf32, #tpu.memory_space<vmem>>
      %dma_wait3A_194 = arith.constant 0 : i32
      %dma_wait3A_195 = tpu.memref_slice %arg10[%add3A_10, %dma_wait3A_194] : memref<10112x64xf32, #tpu.memory_space<vmem_shared>> -> memref<128x64xf32, #tpu.memory_space<vmem_shared>>
      %dma_wait3A_196 = arith.constant 0 : i32
      %dma_wait3A_197 = tpu.memref_slice %arg10[%add3A_10, %dma_wait3A_196] : memref<10112x64xf32, #tpu.memory_space<vmem_shared>> -> memref<128x64xf32, #tpu.memory_space<vmem_shared>>
      %dma_wait3A_198 = arith.constant 0 : i32
      %dma_wait3A_199 = arith.constant 0 : i32
      %dma_wait3A_200 = tpu.memref_slice %arg8[%run_scoped3A_11, %dma_wait3A_198, %dma_wait3A_199] : memref<4x128x64xf32, #tpu.memory_space<vmem>> -> memref<1x128x64xf32, #tpu.memory_space<vmem>>
      %dma_wait3A_201 = tpu.memref_squeeze %dma_wait3A_200 : memref<1x128x64xf32, #tpu.memory_space<vmem>> -> memref<128x64xf32, #tpu.memory_space<vmem>>
      tpu.wait_dma2 semaphore(%run_scoped3A_177 : memref<!tpu.dma_semaphore, #tpu.memory_space<semaphore_mem>>) src(%dma_wait3A_201 : memref<128x64xf32, #tpu.memory_space<vmem>>) dst(%dma_wait3A_197 : memref<128x64xf32, #tpu.memory_space<vmem_shared>>)
      tpu.yield
    }) : () -> ()
    %add3A_12 = arith.constant 128 : i32
    %add3A_13 = arith.addi %mul3A_9, %add3A_12 : i32
    %run_scoped3A_14 = arith.constant 0 : i32
    "tpu.region"() ({
      %run_scoped3A_177 = tpu.sem_alloc : memref<!tpu.dma_semaphore, #tpu.memory_space<semaphore_mem>>
      %dma_start3A_178 = arith.constant 0 : i32
      %dma_start3A_179 = arith.constant 0 : i32
      %dma_start3A_180 = tpu.memref_slice %arg8[%run_scoped3A_14, %dma_start3A_178, %dma_start3A_179] : memref<4x128x64xf32, #tpu.memory_space<vmem>> -> memref<1x128x64xf32, #tpu.memory_space<vmem>>
      %dma_start3A_181 = tpu.memref_squeeze %dma_start3A_180 : memref<1x128x64xf32, #tpu.memory_space<vmem>> -> memref<128x64xf32, #tpu.memory_space<vmem>>
      %dma_start3A_182 = arith.constant 0 : i32
      %dma_start3A_183 = tpu.memref_slice %arg10[%add3A_13, %dma_start3A_182] : memref<10112x64xf32, #tpu.memory_space<vmem_shared>> -> memref<128x64xf32, #tpu.memory_space<vmem_shared>>
      %dma_start3A_184 = arith.constant 0 : i32
      %dma_start3A_185 = tpu.memref_slice %arg10[%add3A_13, %dma_start3A_184] : memref<10112x64xf32, #tpu.memory_space<vmem_shared>> -> memref<128x64xf32, #tpu.memory_space<vmem_shared>>
      %dma_start3A_186 = arith.constant 0 : i32
      %dma_start3A_187 = arith.constant 0 : i32
      %dma_start3A_188 = tpu.memref_slice %arg8[%run_scoped3A_14, %dma_start3A_186, %dma_start3A_187] : memref<4x128x64xf32, #tpu.memory_space<vmem>> -> memref<1x128x64xf32, #tpu.memory_space<vmem>>
      %dma_start3A_189 = tpu.memref_squeeze %dma_start3A_188 : memref<1x128x64xf32, #tpu.memory_space<vmem>> -> memref<128x64xf32, #tpu.memory_space<vmem>>
      tpu.enqueue_dma source(%dma_start3A_189 : memref<128x64xf32, #tpu.memory_space<vmem>>) target(%dma_start3A_185 : memref<128x64xf32, #tpu.memory_space<vmem_shared>>) target_semaphore(%run_scoped3A_177 : memref<!tpu.dma_semaphore, #tpu.memory_space<semaphore_mem>>)
      %dma_wait3A_190 = arith.constant 0 : i32
      %dma_wait3A_191 = arith.constant 0 : i32
      %dma_wait3A_192 = tpu.memref_slice %arg8[%run_scoped3A_14, %dma_wait3A_190, %dma_wait3A_191] : memref<4x128x64xf32, #tpu.memory_space<vmem>> -> memref<1x128x64xf32, #tpu.memory_space<vmem>>
      %dma_wait3A_193 = tpu.memref_squeeze %dma_wait3A_192 : memref<1x128x64xf32, #tpu.memory_space<vmem>> -> memref<128x64xf32, #tpu.memory_space<vmem>>
      %dma_wait3A_194 = arith.constant 0 : i32
      %dma_wait3A_195 = tpu.memref_slice %arg10[%add3A_13, %dma_wait3A_194] : memref<10112x64xf32, #tpu.memory_space<vmem_shared>> -> memref<128x64xf32, #tpu.memory_space<vmem_shared>>
      %dma_wait3A_196 = arith.constant 0 : i32
      %dma_wait3A_197 = tpu.memref_slice %arg10[%add3A_13, %dma_wait3A_196] : memref<10112x64xf32, #tpu.memory_space<vmem_shared>> -> memref<128x64xf32, #tpu.memory_space<vmem_shared>>
      %dma_wait3A_198 = arith.constant 0 : i32
      %dma_wait3A_199 = arith.constant 0 : i32
      %dma_wait3A_200 = tpu.memref_slice %arg8[%run_scoped3A_14, %dma_wait3A_198, %dma_wait3A_199] : memref<4x128x64xf32, #tpu.memory_space<vmem>> -> memref<1x128x64xf32, #tpu.memory_space<vmem>>
      %dma_wait3A_201 = tpu.memref_squeeze %dma_wait3A_200 : memref<1x128x64xf32, #tpu.memory_space<vmem>> -> memref<128x64xf32, #tpu.memory_space<vmem>>
      tpu.wait_dma2 semaphore(%run_scoped3A_177 : memref<!tpu.dma_semaphore, #tpu.memory_space<semaphore_mem>>) src(%dma_wait3A_201 : memref<128x64xf32, #tpu.memory_space<vmem>>) dst(%dma_wait3A_197 : memref<128x64xf32, #tpu.memory_space<vmem_shared>>)
      tpu.yield
    }) : () -> ()
    %add3A_15 = arith.constant 256 : i32
    %add3A_16 = arith.addi %mul3A_9, %add3A_15 : i32
    %run_scoped3A_17 = arith.constant 0 : i32
    "tpu.region"() ({
      %run_scoped3A_177 = tpu.sem_alloc : memref<!tpu.dma_semaphore, #tpu.memory_space<semaphore_mem>>
      %dma_start3A_178 = arith.constant 0 : i32
      %dma_start3A_179 = arith.constant 0 : i32
      %dma_start3A_180 = tpu.memref_slice %arg8[%run_scoped3A_17, %dma_start3A_178, %dma_start3A_179] : memref<4x128x64xf32, #tpu.memory_space<vmem>> -> memref<1x128x64xf32, #tpu.memory_space<vmem>>
      %dma_start3A_181 = tpu.memref_squeeze %dma_start3A_180 : memref<1x128x64xf32, #tpu.memory_space<vmem>> -> memref<128x64xf32, #tpu.memory_space<vmem>>
      %dma_start3A_182 = arith.constant 0 : i32
      %dma_start3A_183 = tpu.memref_slice %arg10[%add3A_16, %dma_start3A_182] : memref<10112x64xf32, #tpu.memory_space<vmem_shared>> -> memref<128x64xf32, #tpu.memory_space<vmem_shared>>
      %dma_start3A_184 = arith.constant 0 : i32
      %dma_start3A_185 = tpu.memref_slice %arg10[%add3A_16, %dma_start3A_184] : memref<10112x64xf32, #tpu.memory_space<vmem_shared>> -> memref<128x64xf32, #tpu.memory_space<vmem_shared>>
      %dma_start3A_186 = arith.constant 0 : i32
      %dma_start3A_187 = arith.constant 0 : i32
      %dma_start3A_188 = tpu.memref_slice %arg8[%run_scoped3A_17, %dma_start3A_186, %dma_start3A_187] : memref<4x128x64xf32, #tpu.memory_space<vmem>> -> memref<1x128x64xf32, #tpu.memory_space<vmem>>
      %dma_start3A_189 = tpu.memref_squeeze %dma_start3A_188 : memref<1x128x64xf32, #tpu.memory_space<vmem>> -> memref<128x64xf32, #tpu.memory_space<vmem>>
      tpu.enqueue_dma source(%dma_start3A_189 : memref<128x64xf32, #tpu.memory_space<vmem>>) target(%dma_start3A_185 : memref<128x64xf32, #tpu.memory_space<vmem_shared>>) target_semaphore(%run_scoped3A_177 : memref<!tpu.dma_semaphore, #tpu.memory_space<semaphore_mem>>)
      %dma_wait3A_190 = arith.constant 0 : i32
      %dma_wait3A_191 = arith.constant 0 : i32
      %dma_wait3A_192 = tpu.memref_slice %arg8[%run_scoped3A_17, %dma_wait3A_190, %dma_wait3A_191] : memref<4x128x64xf32, #tpu.memory_space<vmem>> -> memref<1x128x64xf32, #tpu.memory_space<vmem>>
      %dma_wait3A_193 = tpu.memref_squeeze %dma_wait3A_192 : memref<1x128x64xf32, #tpu.memory_space<vmem>> -> memref<128x64xf32, #tpu.memory_space<vmem>>
      %dma_wait3A_194 = arith.constant 0 : i32
      %dma_wait3A_195 = tpu.memref_slice %arg10[%add3A_16, %dma_wait3A_194] : memref<10112x64xf32, #tpu.memory_space<vmem_shared>> -> memref<128x64xf32, #tpu.memory_space<vmem_shared>>
      %dma_wait3A_196 = arith.constant 0 : i32
      %dma_wait3A_197 = tpu.memref_slice %arg10[%add3A_16, %dma_wait3A_196] : memref<10112x64xf32, #tpu.memory_space<vmem_shared>> -> memref<128x64xf32, #tpu.memory_space<vmem_shared>>
      %dma_wait3A_198 = arith.constant 0 : i32
      %dma_wait3A_199 = arith.constant 0 : i32
      %dma_wait3A_200 = tpu.memref_slice %arg8[%run_scoped3A_17, %dma_wait3A_198, %dma_wait3A_199] : memref<4x128x64xf32, #tpu.memory_space<vmem>> -> memref<1x128x64xf32, #tpu.memory_space<vmem>>
      %dma_wait3A_201 = tpu.memref_squeeze %dma_wait3A_200 : memref<1x128x64xf32, #tpu.memory_space<vmem>> -> memref<128x64xf32, #tpu.memory_space<vmem>>
      tpu.wait_dma2 semaphore(%run_scoped3A_177 : memref<!tpu.dma_semaphore, #tpu.memory_space<semaphore_mem>>) src(%dma_wait3A_201 : memref<128x64xf32, #tpu.memory_space<vmem>>) dst(%dma_wait3A_197 : memref<128x64xf32, #tpu.memory_space<vmem_shared>>)
      tpu.yield
    }) : () -> ()
    %add3A_18 = arith.constant 384 : i32
    %add3A_19 = arith.addi %mul3A_9, %add3A_18 : i32
    %run_scoped3A_20 = arith.constant 0 : i32
    "tpu.region"() ({
      %run_scoped3A_177 = tpu.sem_alloc : memref<!tpu.dma_semaphore, #tpu.memory_space<semaphore_mem>>
      %dma_start3A_178 = arith.constant 0 : i32
      %dma_start3A_179 = arith.constant 0 : i32
      %dma_start3A_180 = tpu.memref_slice %arg8[%run_scoped3A_20, %dma_start3A_178, %dma_start3A_179] : memref<4x128x64xf32, #tpu.memory_space<vmem>> -> memref<1x128x64xf32, #tpu.memory_space<vmem>>
      %dma_start3A_181 = tpu.memref_squeeze %dma_start3A_180 : memref<1x128x64xf32, #tpu.memory_space<vmem>> -> memref<128x64xf32, #tpu.memory_space<vmem>>
      %dma_start3A_182 = arith.constant 0 : i32
      %dma_start3A_183 = tpu.memref_slice %arg10[%add3A_19, %dma_start3A_182] : memref<10112x64xf32, #tpu.memory_space<vmem_shared>> -> memref<128x64xf32, #tpu.memory_space<vmem_shared>>
      %dma_start3A_184 = arith.constant 0 : i32
      %dma_start3A_185 = tpu.memref_slice %arg10[%add3A_19, %dma_start3A_184] : memref<10112x64xf32, #tpu.memory_space<vmem_shared>> -> memref<128x64xf32, #tpu.memory_space<vmem_shared>>
      %dma_start3A_186 = arith.constant 0 : i32
      %dma_start3A_187 = arith.constant 0 : i32
      %dma_start3A_188 = tpu.memref_slice %arg8[%run_scoped3A_20, %dma_start3A_186, %dma_start3A_187] : memref<4x128x64xf32, #tpu.memory_space<vmem>> -> memref<1x128x64xf32, #tpu.memory_space<vmem>>
      %dma_start3A_189 = tpu.memref_squeeze %dma_start3A_188 : memref<1x128x64xf32, #tpu.memory_space<vmem>> -> memref<128x64xf32, #tpu.memory_space<vmem>>
      tpu.enqueue_dma source(%dma_start3A_189 : memref<128x64xf32, #tpu.memory_space<vmem>>) target(%dma_start3A_185 : memref<128x64xf32, #tpu.memory_space<vmem_shared>>) target_semaphore(%run_scoped3A_177 : memref<!tpu.dma_semaphore, #tpu.memory_space<semaphore_mem>>)
      %dma_wait3A_190 = arith.constant 0 : i32
      %dma_wait3A_191 = arith.constant 0 : i32
      %dma_wait3A_192 = tpu.memref_slice %arg8[%run_scoped3A_20, %dma_wait3A_190, %dma_wait3A_191] : memref<4x128x64xf32, #tpu.memory_space<vmem>> -> memref<1x128x64xf32, #tpu.memory_space<vmem>>
      %dma_wait3A_193 = tpu.memref_squeeze %dma_wait3A_192 : memref<1x128x64xf32, #tpu.memory_space<vmem>> -> memref<128x64xf32, #tpu.memory_space<vmem>>
      %dma_wait3A_194 = arith.constant 0 : i32
      %dma_wait3A_195 = tpu.memref_slice %arg10[%add3A_19, %dma_wait3A_194] : memref<10112x64xf32, #tpu.memory_space<vmem_shared>> -> memref<128x64xf32, #tpu.memory_space<vmem_shared>>
      %dma_wait3A_196 = arith.constant 0 : i32
      %dma_wait3A_197 = tpu.memref_slice %arg10[%add3A_19, %dma_wait3A_196] : memref<10112x64xf32, #tpu.memory_space<vmem_shared>> -> memref<128x64xf32, #tpu.memory_space<vmem_shared>>
      %dma_wait3A_198 = arith.constant 0 : i32
      %dma_wait3A_199 = arith.constant 0 : i32
      %dma_wait3A_200 = tpu.memref_slice %arg8[%run_scoped3A_20, %dma_wait3A_198, %dma_wait3A_199] : memref<4x128x64xf32, #tpu.memory_space<vmem>> -> memref<1x128x64xf32, #tpu.memory_space<vmem>>
      %dma_wait3A_201 = tpu.memref_squeeze %dma_wait3A_200 : memref<1x128x64xf32, #tpu.memory_space<vmem>> -> memref<128x64xf32, #tpu.memory_space<vmem>>
      tpu.wait_dma2 semaphore(%run_scoped3A_177 : memref<!tpu.dma_semaphore, #tpu.memory_space<semaphore_mem>>) src(%dma_wait3A_201 : memref<128x64xf32, #tpu.memory_space<vmem>>) dst(%dma_wait3A_197 : memref<128x64xf32, #tpu.memory_space<vmem_shared>>)
      tpu.yield
    }) : () -> ()
    %add3A_21 = arith.constant 512 : i32
    %add3A_22 = arith.addi %mul3A_9, %add3A_21 : i32
    %run_scoped3A_23 = arith.constant 0 : i32
    "tpu.region"() ({
      %run_scoped3A_177 = tpu.sem_alloc : memref<!tpu.dma_semaphore, #tpu.memory_space<semaphore_mem>>
      %dma_start3A_178 = arith.constant 0 : i32
      %dma_start3A_179 = arith.constant 0 : i32
      %dma_start3A_180 = tpu.memref_slice %arg8[%run_scoped3A_23, %dma_start3A_178, %dma_start3A_179] : memref<4x128x64xf32, #tpu.memory_space<vmem>> -> memref<1x120x64xf32, #tpu.memory_space<vmem>>
      %dma_start3A_181 = tpu.memref_squeeze %dma_start3A_180 : memref<1x120x64xf32, #tpu.memory_space<vmem>> -> memref<120x64xf32, #tpu.memory_space<vmem>>
      %dma_start3A_182 = arith.constant 0 : i32
      %dma_start3A_183 = tpu.memref_slice %arg10[%add3A_22, %dma_start3A_182] : memref<10112x64xf32, #tpu.memory_space<vmem_shared>> -> memref<120x64xf32, #tpu.memory_space<vmem_shared>>
      %dma_start3A_184 = arith.constant 0 : i32
      %dma_start3A_185 = tpu.memref_slice %arg10[%add3A_22, %dma_start3A_184] : memref<10112x64xf32, #tpu.memory_space<vmem_shared>> -> memref<120x64xf32, #tpu.memory_space<vmem_shared>>
      %dma_start3A_186 = arith.constant 0 : i32
      %dma_start3A_187 = arith.constant 0 : i32
      %dma_start3A_188 = tpu.memref_slice %arg8[%run_scoped3A_23, %dma_start3A_186, %dma_start3A_187] : memref<4x128x64xf32, #tpu.memory_space<vmem>> -> memref<1x120x64xf32, #tpu.memory_space<vmem>>
      %dma_start3A_189 = tpu.memref_squeeze %dma_start3A_188 : memref<1x120x64xf32, #tpu.memory_space<vmem>> -> memref<120x64xf32, #tpu.memory_space<vmem>>
      tpu.enqueue_dma source(%dma_start3A_189 : memref<120x64xf32, #tpu.memory_space<vmem>>) target(%dma_start3A_185 : memref<120x64xf32, #tpu.memory_space<vmem_shared>>) target_semaphore(%run_scoped3A_177 : memref<!tpu.dma_semaphore, #tpu.memory_space<semaphore_mem>>)
      %dma_wait3A_190 = arith.constant 0 : i32
      %dma_wait3A_191 = arith.constant 0 : i32
      %dma_wait3A_192 = tpu.memref_slice %arg8[%run_scoped3A_23, %dma_wait3A_190, %dma_wait3A_191] : memref<4x128x64xf32, #tpu.memory_space<vmem>> -> memref<1x120x64xf32, #tpu.memory_space<vmem>>
      %dma_wait3A_193 = tpu.memref_squeeze %dma_wait3A_192 : memref<1x120x64xf32, #tpu.memory_space<vmem>> -> memref<120x64xf32, #tpu.memory_space<vmem>>
      %dma_wait3A_194 = arith.constant 0 : i32
      %dma_wait3A_195 = tpu.memref_slice %arg10[%add3A_22, %dma_wait3A_194] : memref<10112x64xf32, #tpu.memory_space<vmem_shared>> -> memref<120x64xf32, #tpu.memory_space<vmem_shared>>
      %dma_wait3A_196 = arith.constant 0 : i32
      %dma_wait3A_197 = tpu.memref_slice %arg10[%add3A_22, %dma_wait3A_196] : memref<10112x64xf32, #tpu.memory_space<vmem_shared>> -> memref<120x64xf32, #tpu.memory_space<vmem_shared>>
      %dma_wait3A_198 = arith.constant 0 : i32
      %dma_wait3A_199 = arith.constant 0 : i32
      %dma_wait3A_200 = tpu.memref_slice %arg8[%run_scoped3A_23, %dma_wait3A_198, %dma_wait3A_199] : memref<4x128x64xf32, #tpu.memory_space<vmem>> -> memref<1x120x64xf32, #tpu.memory_space<vmem>>
      %dma_wait3A_201 = tpu.memref_squeeze %dma_wait3A_200 : memref<1x120x64xf32, #tpu.memory_space<vmem>> -> memref<120x64xf32, #tpu.memory_space<vmem>>
      tpu.wait_dma2 semaphore(%run_scoped3A_177 : memref<!tpu.dma_semaphore, #tpu.memory_space<semaphore_mem>>) src(%dma_wait3A_201 : memref<120x64xf32, #tpu.memory_space<vmem>>) dst(%dma_wait3A_197 : memref<120x64xf32, #tpu.memory_space<vmem_shared>>)
      tpu.yield
    }) : () -> ()
    %barrier3A = arith.constant 0 : index
    tpu.barrier barrier_id(%barrier3A)
    %broadcast_in_dim3A = arith.constant 1.000000e+00 : f32
    %broadcast_in_dim3A_24 = vector.broadcast %broadcast_in_dim3A : f32 to vector<16xf32>
    %rem3A = arith.constant 0 : i32
    %rem3A_25 = arith.constant 156 : i32
    %rem3A_26 = arith.remsi %rem3A, %rem3A_25 : i32
    %mul3A_27 = arith.constant 128 : i32
    %mul3A_28 = arith.muli %rem3A_26, %mul3A_27 : i32
    %rem3A_29 = arith.constant 0 : i32
    %rem3A_30 = arith.constant 4 : i32
    %rem3A_31 = arith.remsi %rem3A_29, %rem3A_30 : i32
    %dma_start3A = arith.constant 0 : i32
    %dma_start3A_32 = arith.constant 0 : i32
    %dma_start3A_33 = tpu.memref_slice %arg8[%rem3A_31, %dma_start3A, %dma_start3A_32] : memref<4x128x64xf32, #tpu.memory_space<vmem>> -> memref<1x128x64xf32, #tpu.memory_space<vmem>>
    %dma_start3A_34 = tpu.memref_squeeze %dma_start3A_33 : memref<1x128x64xf32, #tpu.memory_space<vmem>> -> memref<128x64xf32, #tpu.memory_space<vmem>>
    %dma_start3A_35 = tpu.memref_slice %arg6[%mul3A_28] : memref<20000xi32, #tpu.memory_space<vmem>> -> memref<128xi32, #tpu.memory_space<vmem>>
    %dma_start3A_36 = arith.constant 0 : i32
    %dma_start3A_37 = arith.constant 0 : i32
    %dma_start3A_38 = tpu.memref_slice %arg2[%arg0, %dma_start3A_36, %dma_start3A_37] : memref<2x10000x64xf32, #tpu.memory_space<hbm>> -> memref<1x10000x64xf32, #tpu.memory_space<hbm>>
    %dma_start3A_39 = tpu.memref_squeeze %dma_start3A_38 : memref<1x10000x64xf32, #tpu.memory_space<hbm>> -> memref<10000x64xf32, #tpu.memory_space<hbm>>
    %dma_start3A_40 = arith.constant 0 : i32
    %dma_start3A_41 = arith.constant 0 : i32
    %dma_start3A_42 = tpu.memref_slice %dma_start3A_39[%dma_start3A_40, %dma_start3A_41] : memref<10000x64xf32, #tpu.memory_space<hbm>> -> memref<10000x64xf32, #tpu.memory_space<hbm>>
    tpu.enqueue_indirect_dma source(%dma_start3A_42 : memref<10000x64xf32, #tpu.memory_space<hbm>>) target(%dma_start3A_34 : memref<128x64xf32, #tpu.memory_space<vmem>>) offsets(%dma_start3A_35 : memref<128xi32, #tpu.memory_space<vmem>>) semaphore(%arg11 : memref<!tpu.dma_semaphore, #tpu.memory_space<semaphore_mem>>)
    %rem3A_43 = arith.constant 1 : i32
    %rem3A_44 = arith.constant 156 : i32
    %rem3A_45 = arith.remsi %rem3A_43, %rem3A_44 : i32
    %mul3A_46 = arith.constant 128 : i32
    %mul3A_47 = arith.muli %rem3A_45, %mul3A_46 : i32
    %rem3A_48 = arith.constant 1 : i32
    %rem3A_49 = arith.constant 4 : i32
    %rem3A_50 = arith.remsi %rem3A_48, %rem3A_49 : i32
    %dma_start3A_51 = arith.constant 0 : i32
    %dma_start3A_52 = arith.constant 0 : i32
    %dma_start3A_53 = tpu.memref_slice %arg8[%rem3A_50, %dma_start3A_51, %dma_start3A_52] : memref<4x128x64xf32, #tpu.memory_space<vmem>> -> memref<1x128x64xf32, #tpu.memory_space<vmem>>
    %dma_start3A_54 = tpu.memref_squeeze %dma_start3A_53 : memref<1x128x64xf32, #tpu.memory_space<vmem>> -> memref<128x64xf32, #tpu.memory_space<vmem>>
    %dma_start3A_55 = tpu.memref_slice %arg6[%mul3A_47] : memref<20000xi32, #tpu.memory_space<vmem>> -> memref<128xi32, #tpu.memory_space<vmem>>
    %dma_start3A_56 = arith.constant 0 : i32
    %dma_start3A_57 = arith.constant 0 : i32
    %dma_start3A_58 = tpu.memref_slice %arg2[%arg0, %dma_start3A_56, %dma_start3A_57] : memref<2x10000x64xf32, #tpu.memory_space<hbm>> -> memref<1x10000x64xf32, #tpu.memory_space<hbm>>
    %dma_start3A_59 = tpu.memref_squeeze %dma_start3A_58 : memref<1x10000x64xf32, #tpu.memory_space<hbm>> -> memref<10000x64xf32, #tpu.memory_space<hbm>>
    %dma_start3A_60 = arith.constant 0 : i32
    %dma_start3A_61 = arith.constant 0 : i32
    %dma_start3A_62 = tpu.memref_slice %dma_start3A_59[%dma_start3A_60, %dma_start3A_61] : memref<10000x64xf32, #tpu.memory_space<hbm>> -> memref<10000x64xf32, #tpu.memory_space<hbm>>
    tpu.enqueue_indirect_dma source(%dma_start3A_62 : memref<10000x64xf32, #tpu.memory_space<hbm>>) target(%dma_start3A_54 : memref<128x64xf32, #tpu.memory_space<vmem>>) offsets(%dma_start3A_55 : memref<128xi32, #tpu.memory_space<vmem>>) semaphore(%arg11 : memref<!tpu.dma_semaphore, #tpu.memory_space<semaphore_mem>>)
    %rem3A_63 = arith.constant 2 : i32
    %rem3A_64 = arith.constant 156 : i32
    %rem3A_65 = arith.remsi %rem3A_63, %rem3A_64 : i32
    %mul3A_66 = arith.constant 128 : i32
    %mul3A_67 = arith.muli %rem3A_65, %mul3A_66 : i32
    %rem3A_68 = arith.constant 2 : i32
    %rem3A_69 = arith.constant 4 : i32
    %rem3A_70 = arith.remsi %rem3A_68, %rem3A_69 : i32
    %dma_start3A_71 = arith.constant 0 : i32
    %dma_start3A_72 = arith.constant 0 : i32
    %dma_start3A_73 = tpu.memref_slice %arg8[%rem3A_70, %dma_start3A_71, %dma_start3A_72] : memref<4x128x64xf32, #tpu.memory_space<vmem>> -> memref<1x128x64xf32, #tpu.memory_space<vmem>>
    %dma_start3A_74 = tpu.memref_squeeze %dma_start3A_73 : memref<1x128x64xf32, #tpu.memory_space<vmem>> -> memref<128x64xf32, #tpu.memory_space<vmem>>
    %dma_start3A_75 = tpu.memref_slice %arg6[%mul3A_67] : memref<20000xi32, #tpu.memory_space<vmem>> -> memref<128xi32, #tpu.memory_space<vmem>>
    %dma_start3A_76 = arith.constant 0 : i32
    %dma_start3A_77 = arith.constant 0 : i32
    %dma_start3A_78 = tpu.memref_slice %arg2[%arg0, %dma_start3A_76, %dma_start3A_77] : memref<2x10000x64xf32, #tpu.memory_space<hbm>> -> memref<1x10000x64xf32, #tpu.memory_space<hbm>>
    %dma_start3A_79 = tpu.memref_squeeze %dma_start3A_78 : memref<1x10000x64xf32, #tpu.memory_space<hbm>> -> memref<10000x64xf32, #tpu.memory_space<hbm>>
    %dma_start3A_80 = arith.constant 0 : i32
    %dma_start3A_81 = arith.constant 0 : i32
    %dma_start3A_82 = tpu.memref_slice %dma_start3A_79[%dma_start3A_80, %dma_start3A_81] : memref<10000x64xf32, #tpu.memory_space<hbm>> -> memref<10000x64xf32, #tpu.memory_space<hbm>>
    tpu.enqueue_indirect_dma source(%dma_start3A_82 : memref<10000x64xf32, #tpu.memory_space<hbm>>) target(%dma_start3A_74 : memref<128x64xf32, #tpu.memory_space<vmem>>) offsets(%dma_start3A_75 : memref<128xi32, #tpu.memory_space<vmem>>) semaphore(%arg11 : memref<!tpu.dma_semaphore, #tpu.memory_space<semaphore_mem>>)
    %scan3A_83 = arith.constant 0 : i32
    %scan3A_84 = arith.constant 0 : i32
    %scan3A_85 = arith.constant 632 : i32
    %scan3A_86 = arith.addi %scan3A_84, %scan3A_85 : i32
    %scan3A_87 = arith.constant 1 : i32
    %scan3A_88 = scf.for %scan3A_177 = %scan3A_84 to %scan3A_86 step %scan3A_87 iter_args(%scan3A_178 = %scan3A_83) -> (i32)  : i32 {
      %broadcast_in_dim3A_179 = arith.constant 0.000000e+00 : f32
      %broadcast_in_dim3A_180 = vector.broadcast %broadcast_in_dim3A_179 : f32 to vector<16xf32>
      %mul3A_181 = arith.constant 16 : i32
      %mul3A_182 = arith.muli %scan3A_177, %mul3A_181 : i32
      %swap3A = arith.index_cast %mul3A_182 : i32 to index
      %swap3A_183 = tpu.vector_load %arg9[%swap3A] {strides = array<i32>} : memref<10112xf32, #tpu.memory_space<vmem>>, vector<16xf32>,
      tpu.vector_store %arg9[%swap3A], %broadcast_in_dim3A_180 {strides = array<i32>} : memref<10112xf32, #tpu.memory_space<vmem>>, vector<16xf32>,
      %scan3A_184 = arith.constant 0 : i32
      scf.yield %scan3A_184 : i32
    }
    %scan3A_89 = arith.constant 632 : i32
    %scan3A_90 = arith.constant 0 : i32
    %scan3A_91 = arith.constant 0 : i32
    %scan3A_92 = arith.constant 156 : i32
    %scan3A_93 = arith.addi %scan3A_91, %scan3A_92 : i32
    %scan3A_94 = arith.constant 1 : i32
    %scan3A_95 = scf.for %scan3A_177 = %scan3A_91 to %scan3A_93 step %scan3A_94 iter_args(%scan3A_178 = %scan3A_90) -> (i32)  : i32 {
      %rem3A_179 = arith.constant 156 : i32
      %rem3A_180 = arith.remsi %scan3A_177, %rem3A_179 : i32
      %mul3A_181 = arith.constant 128 : i32
      %mul3A_182 = arith.muli %rem3A_180, %mul3A_181 : i32
      %rem3A_183 = arith.constant 4 : i32
      %rem3A_184 = arith.remsi %scan3A_177, %rem3A_183 : i32
      %dma_wait3A_185 = arith.constant 0 : i32
      %dma_wait3A_186 = arith.constant 0 : i32
      %dma_wait3A_187 = tpu.memref_slice %arg8[%rem3A_184, %dma_wait3A_185, %dma_wait3A_186] : memref<4x128x64xf32, #tpu.memory_space<vmem>> -> memref<1x128x64xf32, #tpu.memory_space<vmem>>
      %dma_wait3A_188 = tpu.memref_squeeze %dma_wait3A_187 : memref<1x128x64xf32, #tpu.memory_space<vmem>> -> memref<128x64xf32, #tpu.memory_space<vmem>>
      %dma_wait3A_189 = tpu.memref_slice %arg6[%mul3A_182] : memref<20000xi32, #tpu.memory_space<vmem>> -> memref<128xi32, #tpu.memory_space<vmem>>
      %dma_wait3A_190 = arith.constant 0 : i32
      %dma_wait3A_191 = arith.constant 0 : i32
      %dma_wait3A_192 = tpu.memref_slice %arg2[%arg0, %dma_wait3A_190, %dma_wait3A_191] : memref<2x10000x64xf32, #tpu.memory_space<hbm>> -> memref<1x10000x64xf32, #tpu.memory_space<hbm>>
      %dma_wait3A_193 = tpu.memref_squeeze %dma_wait3A_192 : memref<1x10000x64xf32, #tpu.memory_space<hbm>> -> memref<10000x64xf32, #tpu.memory_space<hbm>>
      %dma_wait3A_194 = arith.constant 0 : i32
      %dma_wait3A_195 = arith.constant 0 : i32
      %dma_wait3A_196 = tpu.memref_slice %dma_wait3A_193[%dma_wait3A_194, %dma_wait3A_195] : memref<10000x64xf32, #tpu.memory_space<hbm>> -> memref<10000x64xf32, #tpu.memory_space<hbm>>
      tpu.wait_indirect_dma semaphore(%arg11 : memref<!tpu.dma_semaphore, #tpu.memory_space<semaphore_mem>>) src(%dma_wait3A_196 : memref<10000x64xf32, #tpu.memory_space<hbm>>) dst(%dma_wait3A_188 : memref<128x64xf32, #tpu.memory_space<vmem>>)
      %ge3A = arith.constant 1 : i32
      %ge3A_197 = arith.cmpi sge, %scan3A_177, %ge3A : i32
      %convert_element_type3A_198 = arith.extui %ge3A_197 : i1 to i32
      %cond3A_199 = arith.constant 0 : i32
      %cond3A_200 = arith.cmpi ne, %convert_element_type3A_198, %cond3A_199 : i32
      scf.if %cond3A_200 {
        %sub3A = arith.constant 1 : i32
        %sub3A_229 = arith.subi %scan3A_177, %sub3A : i32
        %rem3A_230 = arith.constant 156 : i32
        %rem3A_231 = arith.remsi %sub3A_229, %rem3A_230 : i32
        %rem3A_232 = arith.constant 4 : i32
        %rem3A_233 = arith.remsi %sub3A_229, %rem3A_232 : i32
        %mul3A_234 = arith.constant 128 : i32
        %mul3A_235 = arith.muli %rem3A_231, %mul3A_234 : i32
        %dma_wait3A_236 = arith.constant 0 : i32
        %dma_wait3A_237 = arith.constant 0 : i32
        %dma_wait3A_238 = tpu.memref_slice %arg8[%rem3A_233, %dma_wait3A_236, %dma_wait3A_237] : memref<4x128x64xf32, #tpu.memory_space<vmem>> -> memref<1x128x64xf32, #tpu.memory_space<vmem>>
        %dma_wait3A_239 = tpu.memref_squeeze %dma_wait3A_238 : memref<1x128x64xf32, #tpu.memory_space<vmem>> -> memref<128x64xf32, #tpu.memory_space<vmem>>
        %dma_wait3A_240 = tpu.memref_slice %arg7[%mul3A_235] : memref<20000xi32, #tpu.memory_space<vmem>> -> memref<128xi32, #tpu.memory_space<vmem>>
        %dma_wait3A_241 = arith.constant 0 : i32
        %dma_wait3A_242 = arith.constant 0 : i32
        %dma_wait3A_243 = tpu.memref_slice %arg10[%dma_wait3A_241, %dma_wait3A_242] : memref<10112x64xf32, #tpu.memory_space<vmem_shared>> -> memref<10112x64xf32, #tpu.memory_space<vmem_shared>>
        tpu.wait_indirect_dma semaphore(%arg12 : memref<!tpu.dma_semaphore, #tpu.memory_space<semaphore_mem>>) src(%dma_wait3A_239 : memref<128x64xf32, #tpu.memory_space<vmem>>) dst(%dma_wait3A_243 : memref<10112x64xf32, #tpu.memory_space<vmem_shared>>)
      } else {
      }
      %add3A_201 = arith.constant 3 : i32
      %add3A_202 = arith.addi %scan3A_177, %add3A_201 : i32
      %lt3A = arith.constant 156 : i32
      %lt3A_203 = arith.cmpi slt, %add3A_202, %lt3A : i32
      %convert_element_type3A_204 = arith.extui %lt3A_203 : i1 to i32
      %cond3A_205 = arith.constant 0 : i32
      %cond3A_206 = arith.cmpi ne, %convert_element_type3A_204, %cond3A_205 : i32
      scf.if %cond3A_206 {
        %add3A_229 = arith.constant 3 : i32
        %add3A_230 = arith.addi %scan3A_177, %add3A_229 : i32
        %rem3A_231 = arith.constant 156 : i32
        %rem3A_232 = arith.remsi %add3A_230, %rem3A_231 : i32
        %mul3A_233 = arith.constant 128 : i32
        %mul3A_234 = arith.muli %rem3A_232, %mul3A_233 : i32
        %rem3A_235 = arith.constant 4 : i32
        %rem3A_236 = arith.remsi %add3A_230, %rem3A_235 : i32
        %dma_start3A_237 = arith.constant 0 : i32
        %dma_start3A_238 = arith.constant 0 : i32
        %dma_start3A_239 = tpu.memref_slice %arg8[%rem3A_236, %dma_start3A_237, %dma_start3A_238] : memref<4x128x64xf32, #tpu.memory_space<vmem>> -> memref<1x128x64xf32, #tpu.memory_space<vmem>>
        %dma_start3A_240 = tpu.memref_squeeze %dma_start3A_239 : memref<1x128x64xf32, #tpu.memory_space<vmem>> -> memref<128x64xf32, #tpu.memory_space<vmem>>
        %dma_start3A_241 = tpu.memref_slice %arg6[%mul3A_234] : memref<20000xi32, #tpu.memory_space<vmem>> -> memref<128xi32, #tpu.memory_space<vmem>>
        %dma_start3A_242 = arith.constant 0 : i32
        %dma_start3A_243 = arith.constant 0 : i32
        %dma_start3A_244 = tpu.memref_slice %arg2[%arg0, %dma_start3A_242, %dma_start3A_243] : memref<2x10000x64xf32, #tpu.memory_space<hbm>> -> memref<1x10000x64xf32, #tpu.memory_space<hbm>>
        %dma_start3A_245 = tpu.memref_squeeze %dma_start3A_244 : memref<1x10000x64xf32, #tpu.memory_space<hbm>> -> memref<10000x64xf32, #tpu.memory_space<hbm>>
        %dma_start3A_246 = arith.constant 0 : i32
        %dma_start3A_247 = arith.constant 0 : i32
        %dma_start3A_248 = tpu.memref_slice %dma_start3A_245[%dma_start3A_246, %dma_start3A_247] : memref<10000x64xf32, #tpu.memory_space<hbm>> -> memref<10000x64xf32, #tpu.memory_space<hbm>>
        tpu.enqueue_indirect_dma source(%dma_start3A_248 : memref<10000x64xf32, #tpu.memory_space<hbm>>) target(%dma_start3A_240 : memref<128x64xf32, #tpu.memory_space<vmem>>) offsets(%dma_start3A_241 : memref<128xi32, #tpu.memory_space<vmem>>) semaphore(%arg11 : memref<!tpu.dma_semaphore, #tpu.memory_space<semaphore_mem>>)
      } else {
      }
      %rem3A_207 = arith.constant 156 : i32
      %rem3A_208 = arith.remsi %scan3A_177, %rem3A_207 : i32
      %rem3A_209 = arith.constant 4 : i32
      %rem3A_210 = arith.remsi %scan3A_177, %rem3A_209 : i32
      %mul3A_211 = arith.constant 128 : i32
      %mul3A_212 = arith.muli %rem3A_208, %mul3A_211 : i32
      %dma_start3A_213 = arith.constant 0 : i32
      %dma_start3A_214 = arith.constant 0 : i32
      %dma_start3A_215 = tpu.memref_slice %arg8[%rem3A_210, %dma_start3A_213, %dma_start3A_214] : memref<4x128x64xf32, #tpu.memory_space<vmem>> -> memref<1x128x64xf32, #tpu.memory_space<vmem>>
      %dma_start3A_216 = tpu.memref_squeeze %dma_start3A_215 : memref<1x128x64xf32, #tpu.memory_space<vmem>> -> memref<128x64xf32, #tpu.memory_space<vmem>>
      %dma_start3A_217 = tpu.memref_slice %arg7[%mul3A_212] : memref<20000xi32, #tpu.memory_space<vmem>> -> memref<128xi32, #tpu.memory_space<vmem>>
      %dma_start3A_218 = arith.constant 0 : i32
      %dma_start3A_219 = arith.constant 0 : i32
      %dma_start3A_220 = tpu.memref_slice %arg10[%dma_start3A_218, %dma_start3A_219] : memref<10112x64xf32, #tpu.memory_space<vmem_shared>> -> memref<10112x64xf32, #tpu.memory_space<vmem_shared>>
      tpu.enqueue_indirect_dma source(%dma_start3A_216 : memref<128x64xf32, #tpu.memory_space<vmem>>) target(%dma_start3A_220 : memref<10112x64xf32, #tpu.memory_space<vmem_shared>>) offsets(%dma_start3A_217 : memref<128xi32, #tpu.memory_space<vmem>>) semaphore(%arg12 : memref<!tpu.dma_semaphore, #tpu.memory_space<semaphore_mem>>) {add = true}
      %scan3A_221 = arith.constant 0 : i32
      %scan3A_222 = arith.constant 0 : i32
      %scan3A_223 = arith.constant 8 : i32
      %scan3A_224 = arith.addi %scan3A_222, %scan3A_223 : i32
      %scan3A_225 = arith.constant 1 : i32
      %scan3A_226 = scf.for %scan3A_229 = %scan3A_222 to %scan3A_224 step %scan3A_225 iter_args(%scan3A_230 = %scan3A_221) -> (i32)  : i32 {
        %mul3A_231 = arith.constant 128 : i32
        %mul3A_232 = arith.muli %scan3A_177, %mul3A_231 : i32
        %mul3A_233 = arith.constant 16 : i32
        %mul3A_234 = arith.muli %scan3A_229, %mul3A_233 : i32
        %add3A_235 = arith.addi %mul3A_232, %mul3A_234 : i32
        %get3A = arith.index_cast %add3A_235 : i32 to index
        %get3A_236 = tpu.vector_load %arg7[%get3A] {strides = array<i32>} : memref<20000xi32, #tpu.memory_space<vmem>>, vector<16xi32>,
        tpu.vector_store_idx %arg9[%get3A_236], %broadcast_in_dim3A_24 {add = true} : memref<10112xf32, #tpu.memory_space<vmem>>[vector<16xi32>], vector<16xf32>,
        %scan3A_237 = arith.constant 0 : i32
        scf.yield %scan3A_237 : i32
      }
      %scan3A_227 = arith.constant 8 : i32
      %scan3A_228 = arith.constant 0 : i32
      scf.yield %scan3A_228 : i32
    }
    %scan3A_96 = arith.constant 156 : i32
    %rem3A_97 = arith.constant 155 : i32
    %rem3A_98 = arith.constant 156 : i32
    %rem3A_99 = arith.remsi %rem3A_97, %rem3A_98 : i32
    %rem3A_100 = arith.constant 155 : i32
    %rem3A_101 = arith.constant 4 : i32
    %rem3A_102 = arith.remsi %rem3A_100, %rem3A_101 : i32
    %mul3A_103 = arith.constant 128 : i32
    %mul3A_104 = arith.muli %rem3A_99, %mul3A_103 : i32
    %dma_wait3A = arith.constant 0 : i32
    %dma_wait3A_105 = arith.constant 0 : i32
    %dma_wait3A_106 = tpu.memref_slice %arg8[%rem3A_102, %dma_wait3A, %dma_wait3A_105] : memref<4x128x64xf32, #tpu.memory_space<vmem>> -> memref<1x128x64xf32, #tpu.memory_space<vmem>>
    %dma_wait3A_107 = tpu.memref_squeeze %dma_wait3A_106 : memref<1x128x64xf32, #tpu.memory_space<vmem>> -> memref<128x64xf32, #tpu.memory_space<vmem>>
    %dma_wait3A_108 = tpu.memref_slice %arg7[%mul3A_104] : memref<20000xi32, #tpu.memory_space<vmem>> -> memref<128xi32, #tpu.memory_space<vmem>>
    %dma_wait3A_109 = arith.constant 0 : i32
    %dma_wait3A_110 = arith.constant 0 : i32
    %dma_wait3A_111 = tpu.memref_slice %arg10[%dma_wait3A_109, %dma_wait3A_110] : memref<10112x64xf32, #tpu.memory_space<vmem_shared>> -> memref<10112x64xf32, #tpu.memory_space<vmem_shared>>
    tpu.wait_indirect_dma semaphore(%arg12 : memref<!tpu.dma_semaphore, #tpu.memory_space<semaphore_mem>>) src(%dma_wait3A_107 : memref<128x64xf32, #tpu.memory_space<vmem>>) dst(%dma_wait3A_111 : memref<10112x64xf32, #tpu.memory_space<vmem_shared>>)
    %dma_start3A_112 = arith.constant 0 : i32
    %dma_start3A_113 = arith.constant 0 : i32
    %dma_start3A_114 = arith.constant 0 : i32
    %dma_start3A_115 = tpu.memref_slice %arg8[%dma_start3A_112, %dma_start3A_113, %dma_start3A_114] : memref<4x128x64xf32, #tpu.memory_space<vmem>> -> memref<1x32x64xf32, #tpu.memory_space<vmem>>
    %dma_start3A_116 = tpu.memref_squeeze %dma_start3A_115 : memref<1x32x64xf32, #tpu.memory_space<vmem>> -> memref<32x64xf32, #tpu.memory_space<vmem>>
    %dma_start3A_117 = arith.constant 19968 : i32
    %dma_start3A_118 = tpu.memref_slice %arg6[%dma_start3A_117] : memref<20000xi32, #tpu.memory_space<vmem>> -> memref<32xi32, #tpu.memory_space<vmem>>
    %dma_start3A_119 = arith.constant 0 : i32
    %dma_start3A_120 = arith.constant 0 : i32
    %dma_start3A_121 = tpu.memref_slice %arg2[%arg0, %dma_start3A_119, %dma_start3A_120] : memref<2x10000x64xf32, #tpu.memory_space<hbm>> -> memref<1x10000x64xf32, #tpu.memory_space<hbm>>
    %dma_start3A_122 = tpu.memref_squeeze %dma_start3A_121 : memref<1x10000x64xf32, #tpu.memory_space<hbm>> -> memref<10000x64xf32, #tpu.memory_space<hbm>>
    %dma_start3A_123 = arith.constant 0 : i32
    %dma_start3A_124 = arith.constant 0 : i32
    %dma_start3A_125 = tpu.memref_slice %dma_start3A_122[%dma_start3A_123, %dma_start3A_124] : memref<10000x64xf32, #tpu.memory_space<hbm>> -> memref<10000x64xf32, #tpu.memory_space<hbm>>
    tpu.enqueue_indirect_dma source(%dma_start3A_125 : memref<10000x64xf32, #tpu.memory_space<hbm>>) target(%dma_start3A_116 : memref<32x64xf32, #tpu.memory_space<vmem>>) offsets(%dma_start3A_118 : memref<32xi32, #tpu.memory_space<vmem>>) semaphore(%arg11 : memref<!tpu.dma_semaphore, #tpu.memory_space<semaphore_mem>>)
    %dma_wait3A_126 = arith.constant 0 : i32
    %dma_wait3A_127 = arith.constant 0 : i32
    %dma_wait3A_128 = arith.constant 0 : i32
    %dma_wait3A_129 = tpu.memref_slice %arg8[%dma_wait3A_126, %dma_wait3A_127, %dma_wait3A_128] : memref<4x128x64xf32, #tpu.memory_space<vmem>> -> memref<1x32x64xf32, #tpu.memory_space<vmem>>
    %dma_wait3A_130 = tpu.memref_squeeze %dma_wait3A_129 : memref<1x32x64xf32, #tpu.memory_space<vmem>> -> memref<32x64xf32, #tpu.memory_space<vmem>>
    %dma_wait3A_131 = arith.constant 19968 : i32
    %dma_wait3A_132 = tpu.memref_slice %arg6[%dma_wait3A_131] : memref<20000xi32, #tpu.memory_space<vmem>> -> memref<32xi32, #tpu.memory_space<vmem>>
    %dma_wait3A_133 = arith.constant 0 : i32
    %dma_wait3A_134 = arith.constant 0 : i32
    %dma_wait3A_135 = tpu.memref_slice %arg2[%arg0, %dma_wait3A_133, %dma_wait3A_134] : memref<2x10000x64xf32, #tpu.memory_space<hbm>> -> memref<1x10000x64xf32, #tpu.memory_space<hbm>>
    %dma_wait3A_136 = tpu.memref_squeeze %dma_wait3A_135 : memref<1x10000x64xf32, #tpu.memory_space<hbm>> -> memref<10000x64xf32, #tpu.memory_space<hbm>>
    %dma_wait3A_137 = arith.constant 0 : i32
    %dma_wait3A_138 = arith.constant 0 : i32
    %dma_wait3A_139 = tpu.memref_slice %dma_wait3A_136[%dma_wait3A_137, %dma_wait3A_138] : memref<10000x64xf32, #tpu.memory_space<hbm>> -> memref<10000x64xf32, #tpu.memory_space<hbm>>
    tpu.wait_indirect_dma semaphore(%arg11 : memref<!tpu.dma_semaphore, #tpu.memory_space<semaphore_mem>>) src(%dma_wait3A_139 : memref<10000x64xf32, #tpu.memory_space<hbm>>) dst(%dma_wait3A_130 : memref<32x64xf32, #tpu.memory_space<vmem>>)
    %dma_start3A_140 = arith.constant 0 : i32
    %dma_start3A_141 = arith.constant 0 : i32
    %dma_start3A_142 = arith.constant 0 : i32
    %dma_start3A_143 = tpu.memref_slice %arg8[%dma_start3A_140, %dma_start3A_141, %dma_start3A_142] : memref<4x128x64xf32, #tpu.memory_space<vmem>> -> memref<1x32x64xf32, #tpu.memory_space<vmem>>
    %dma_start3A_144 = tpu.memref_squeeze %dma_start3A_143 : memref<1x32x64xf32, #tpu.memory_space<vmem>> -> memref<32x64xf32, #tpu.memory_space<vmem>>
    %dma_start3A_145 = arith.constant 19968 : i32
    %dma_start3A_146 = tpu.memref_slice %arg7[%dma_start3A_145] : memref<20000xi32, #tpu.memory_space<vmem>> -> memref<32xi32, #tpu.memory_space<vmem>>
    %dma_start3A_147 = arith.constant 0 : i32
    %dma_start3A_148 = arith.constant 0 : i32
    %dma_start3A_149 = tpu.memref_slice %arg10[%dma_start3A_147, %dma_start3A_148] : memref<10112x64xf32, #tpu.memory_space<vmem_shared>> -> memref<10112x64xf32, #tpu.memory_space<vmem_shared>>
    tpu.enqueue_indirect_dma source(%dma_start3A_144 : memref<32x64xf32, #tpu.memory_space<vmem>>) target(%dma_start3A_149 : memref<10112x64xf32, #tpu.memory_space<vmem_shared>>) offsets(%dma_start3A_146 : memref<32xi32, #tpu.memory_space<vmem>>) semaphore(%arg12 : memref<!tpu.dma_semaphore, #tpu.memory_space<semaphore_mem>>) {add = true}
    %dma_wait3A_150 = arith.constant 0 : i32
    %dma_wait3A_151 = arith.constant 0 : i32
    %dma_wait3A_152 = arith.constant 0 : i32
    %dma_wait3A_153 = tpu.memref_slice %arg8[%dma_wait3A_150, %dma_wait3A_151, %dma_wait3A_152] : memref<4x128x64xf32, #tpu.memory_space<vmem>> -> memref<1x32x64xf32, #tpu.memory_space<vmem>>
    %dma_wait3A_154 = tpu.memref_squeeze %dma_wait3A_153 : memref<1x32x64xf32, #tpu.memory_space<vmem>> -> memref<32x64xf32, #tpu.memory_space<vmem>>
    %dma_wait3A_155 = arith.constant 19968 : i32
    %dma_wait3A_156 = tpu.memref_slice %arg7[%dma_wait3A_155] : memref<20000xi32, #tpu.memory_space<vmem>> -> memref<32xi32, #tpu.memory_space<vmem>>
    %dma_wait3A_157 = arith.constant 0 : i32
    %dma_wait3A_158 = arith.constant 0 : i32
    %dma_wait3A_159 = tpu.memref_slice %arg10[%dma_wait3A_157, %dma_wait3A_158] : memref<10112x64xf32, #tpu.memory_space<vmem_shared>> -> memref<10112x64xf32, #tpu.memory_space<vmem_shared>>
    tpu.wait_indirect_dma semaphore(%arg12 : memref<!tpu.dma_semaphore, #tpu.memory_space<semaphore_mem>>) src(%dma_wait3A_154 : memref<32x64xf32, #tpu.memory_space<vmem>>) dst(%dma_wait3A_159 : memref<10112x64xf32, #tpu.memory_space<vmem_shared>>)
    %scan3A_160 = arith.constant 0 : i32
    %scan3A_161 = arith.constant 0 : i32
    %scan3A_162 = arith.constant 2 : i32
    %scan3A_163 = arith.addi %scan3A_161, %scan3A_162 : i32
    %scan3A_164 = arith.constant 1 : i32
    %scan3A_165 = scf.for %scan3A_177 = %scan3A_161 to %scan3A_163 step %scan3A_164 iter_args(%scan3A_178 = %scan3A_160) -> (i32)  : i32 {
      %mul3A_179 = arith.constant 16 : i32
      %mul3A_180 = arith.muli %scan3A_177, %mul3A_179 : i32
      %add3A_181 = arith.constant 19968 : i32
      %add3A_182 = arith.addi %add3A_181, %mul3A_180 : i32
      %get3A = arith.index_cast %add3A_182 : i32 to index
      %get3A_183 = tpu.vector_load %arg7[%get3A] {strides = array<i32>} : memref<20000xi32, #tpu.memory_space<vmem>>, vector<16xi32>,
      tpu.vector_store_idx %arg9[%get3A_183], %broadcast_in_dim3A_24 {add = true} : memref<10112xf32, #tpu.memory_space<vmem>>[vector<16xi32>], vector<16xf32>,
      %scan3A_184 = arith.constant 0 : i32
      scf.yield %scan3A_184 : i32
    }
    %scan3A_166 = arith.constant 2 : i32
    %barrier3A_167 = arith.constant 0 : index
    tpu.barrier barrier_id(%barrier3A_167)
    %mul3A_168 = arith.constant 624 : i32
    %mul3A_169 = arith.muli %arg1, %mul3A_168 : i32
    "tpu.region"() ({
      %run_scoped3A_177 = tpu.sem_alloc : memref<!tpu.dma_semaphore, #tpu.memory_space<semaphore_mem>>
      %dma_start3A_178 = arith.constant 0 : i32
      %dma_start3A_179 = tpu.memref_slice %arg4[%arg0, %mul3A_169, %dma_start3A_178] : memref<2x10000x64xf32, #tpu.memory_space<hbm>> -> memref<1x624x64xf32, #tpu.memory_space<hbm>>
      %dma_start3A_180 = tpu.memref_squeeze %dma_start3A_179 : memref<1x624x64xf32, #tpu.memory_space<hbm>> -> memref<624x64xf32, #tpu.memory_space<hbm>>
      %dma_start3A_181 = arith.constant 0 : i32
      %dma_start3A_182 = tpu.memref_slice %arg10[%mul3A_169, %dma_start3A_181] : memref<10112x64xf32, #tpu.memory_space<vmem_shared>> -> memref<624x64xf32, #tpu.memory_space<vmem_shared>>
      tpu.enqueue_dma source(%dma_start3A_182 : memref<624x64xf32, #tpu.memory_space<vmem_shared>>) target(%dma_start3A_180 : memref<624x64xf32, #tpu.memory_space<hbm>>) target_semaphore(%run_scoped3A_177 : memref<!tpu.dma_semaphore, #tpu.memory_space<semaphore_mem>>)
      %dma_wait3A_183 = arith.constant 0 : i32
      %dma_wait3A_184 = tpu.memref_slice %arg4[%arg0, %mul3A_169, %dma_wait3A_183] : memref<2x10000x64xf32, #tpu.memory_space<hbm>> -> memref<1x624x64xf32, #tpu.memory_space<hbm>>
      %dma_wait3A_185 = tpu.memref_squeeze %dma_wait3A_184 : memref<1x624x64xf32, #tpu.memory_space<hbm>> -> memref<624x64xf32, #tpu.memory_space<hbm>>
      %dma_wait3A_186 = arith.constant 0 : i32
      %dma_wait3A_187 = tpu.memref_slice %arg10[%mul3A_169, %dma_wait3A_186] : memref<10112x64xf32, #tpu.memory_space<vmem_shared>> -> memref<624x64xf32, #tpu.memory_space<vmem_shared>>
      tpu.wait_dma2 semaphore(%run_scoped3A_177 : memref<!tpu.dma_semaphore, #tpu.memory_space<semaphore_mem>>) src(%dma_wait3A_187 : memref<624x64xf32, #tpu.memory_space<vmem_shared>>) dst(%dma_wait3A_185 : memref<624x64xf32, #tpu.memory_space<hbm>>)
      tpu.yield
    }) : () -> ()
    %eq3A = arith.constant 15 : i32
    %eq3A_170 = arith.cmpi eq, %arg1, %eq3A : i32
    %convert_element_type3A = arith.extui %eq3A_170 : i1 to i32
    %cond3A = arith.constant 0 : i32
    %cond3A_171 = arith.cmpi ne, %convert_element_type3A, %cond3A : i32
    scf.if %cond3A_171 {
      "tpu.region"() ({
        %run_scoped3A_177 = tpu.sem_alloc : memref<!tpu.dma_semaphore, #tpu.memory_space<semaphore_mem>>
        %dma_start3A_178 = arith.constant 9984 : i32
        %dma_start3A_179 = arith.constant 0 : i32
        %dma_start3A_180 = tpu.memref_slice %arg4[%arg0, %dma_start3A_178, %dma_start3A_179] : memref<2x10000x64xf32, #tpu.memory_space<hbm>> -> memref<1x16x64xf32, #tpu.memory_space<hbm>>
        %dma_start3A_181 = tpu.memref_squeeze %dma_start3A_180 : memref<1x16x64xf32, #tpu.memory_space<hbm>> -> memref<16x64xf32, #tpu.memory_space<hbm>>
        %dma_start3A_182 = arith.constant 9984 : i32
        %dma_start3A_183 = arith.constant 0 : i32
        %dma_start3A_184 = tpu.memref_slice %arg10[%dma_start3A_182, %dma_start3A_183] : memref<10112x64xf32, #tpu.memory_space<vmem_shared>> -> memref<16x64xf32, #tpu.memory_space<vmem_shared>>
        tpu.enqueue_dma source(%dma_start3A_184 : memref<16x64xf32, #tpu.memory_space<vmem_shared>>) target(%dma_start3A_181 : memref<16x64xf32, #tpu.memory_space<hbm>>) target_semaphore(%run_scoped3A_177 : memref<!tpu.dma_semaphore, #tpu.memory_space<semaphore_mem>>)
        %dma_wait3A_185 = arith.constant 9984 : i32
        %dma_wait3A_186 = arith.constant 0 : i32
        %dma_wait3A_187 = tpu.memref_slice %arg4[%arg0, %dma_wait3A_185, %dma_wait3A_186] : memref<2x10000x64xf32, #tpu.memory_space<hbm>> -> memref<1x16x64xf32, #tpu.memory_space<hbm>>
        %dma_wait3A_188 = tpu.memref_squeeze %dma_wait3A_187 : memref<1x16x64xf32, #tpu.memory_space<hbm>> -> memref<16x64xf32, #tpu.memory_space<hbm>>
        %dma_wait3A_189 = arith.constant 9984 : i32
        %dma_wait3A_190 = arith.constant 0 : i32
        %dma_wait3A_191 = tpu.memref_slice %arg10[%dma_wait3A_189, %dma_wait3A_190] : memref<10112x64xf32, #tpu.memory_space<vmem_shared>> -> memref<16x64xf32, #tpu.memory_space<vmem_shared>>
        tpu.wait_dma2 semaphore(%run_scoped3A_177 : memref<!tpu.dma_semaphore, #tpu.memory_space<semaphore_mem>>) src(%dma_wait3A_191 : memref<16x64xf32, #tpu.memory_space<vmem_shared>>) dst(%dma_wait3A_188 : memref<16x64xf32, #tpu.memory_space<hbm>>)
        tpu.yield
      }) : () -> ()
    } else {
    }
    %eq3A_172 = arith.constant 0 : i32
    %eq3A_173 = arith.cmpi eq, %arg0, %eq3A_172 : i32
    %convert_element_type3A_174 = arith.extui %eq3A_173 : i1 to i32
    %cond3A_175 = arith.constant 0 : i32
    %cond3A_176 = arith.cmpi ne, %convert_element_type3A_174, %cond3A_175 : i32
    scf.if %cond3A_176 {
      %run_scoped3A_177 = arith.constant 0 : i32
      "tpu.region"() ({
        %run_scoped3A_182 = tpu.sem_alloc : memref<!tpu.dma_semaphore, #tpu.memory_space<semaphore_mem>>
        %dma_start3A_183 = arith.constant 0 : i32
        %dma_start3A_184 = tpu.memref_slice %arg9[%dma_start3A_183] : memref<10112xf32, #tpu.memory_space<vmem>> -> memref<2000xf32, #tpu.memory_space<vmem>>
        %dma_start3A_185 = arith.constant 0 : i32
        %dma_start3A_186 = tpu.memref_slice %arg5[%run_scoped3A_177, %arg1, %dma_start3A_185] : memref<5x16x2000xf32, #tpu.memory_space<hbm>> -> memref<1x1x2000xf32, #tpu.memory_space<hbm>>
        %dma_start3A_187 = tpu.memref_squeeze %dma_start3A_186 : memref<1x1x2000xf32, #tpu.memory_space<hbm>> -> memref<2000xf32, #tpu.memory_space<hbm>>
        %dma_start3A_188 = arith.constant 0 : i32
        %dma_start3A_189 = tpu.memref_slice %arg5[%run_scoped3A_177, %arg1, %dma_start3A_188] : memref<5x16x2000xf32, #tpu.memory_space<hbm>> -> memref<1x1x2000xf32, #tpu.memory_space<hbm>>
        %dma_start3A_190 = tpu.memref_squeeze %dma_start3A_189 : memref<1x1x2000xf32, #tpu.memory_space<hbm>> -> memref<2000xf32, #tpu.memory_space<hbm>>
        %dma_start3A_191 = arith.constant 0 : i32
        %dma_start3A_192 = tpu.memref_slice %arg9[%dma_start3A_191] : memref<10112xf32, #tpu.memory_space<vmem>> -> memref<2000xf32, #tpu.memory_space<vmem>>
        tpu.enqueue_dma source(%dma_start3A_192 : memref<2000xf32, #tpu.memory_space<vmem>>) target(%dma_start3A_190 : memref<2000xf32, #tpu.memory_space<hbm>>) target_semaphore(%run_scoped3A_182 : memref<!tpu.dma_semaphore, #tpu.memory_space<semaphore_mem>>)
        %dma_wait3A_193 = arith.constant 0 : i32
        %dma_wait3A_194 = tpu.memref_slice %arg9[%dma_wait3A_193] : memref<10112xf32, #tpu.memory_space<vmem>> -> memref<2000xf32, #tpu.memory_space<vmem>>
        %dma_wait3A_195 = arith.constant 0 : i32
        %dma_wait3A_196 = tpu.memref_slice %arg5[%run_scoped3A_177, %arg1, %dma_wait3A_195] : memref<5x16x2000xf32, #tpu.memory_space<hbm>> -> memref<1x1x2000xf32, #tpu.memory_space<hbm>>
        %dma_wait3A_197 = tpu.memref_squeeze %dma_wait3A_196 : memref<1x1x2000xf32, #tpu.memory_space<hbm>> -> memref<2000xf32, #tpu.memory_space<hbm>>
        %dma_wait3A_198 = arith.constant 0 : i32
        %dma_wait3A_199 = tpu.memref_slice %arg5[%run_scoped3A_177, %arg1, %dma_wait3A_198] : memref<5x16x2000xf32, #tpu.memory_space<hbm>> -> memref<1x1x2000xf32, #tpu.memory_space<hbm>>
        %dma_wait3A_200 = tpu.memref_squeeze %dma_wait3A_199 : memref<1x1x2000xf32, #tpu.memory_space<hbm>> -> memref<2000xf32, #tpu.memory_space<hbm>>
        %dma_wait3A_201 = arith.constant 0 : i32
        %dma_wait3A_202 = tpu.memref_slice %arg9[%dma_wait3A_201] : memref<10112xf32, #tpu.memory_space<vmem>> -> memref<2000xf32, #tpu.memory_space<vmem>>
        tpu.wait_dma2 semaphore(%run_scoped3A_182 : memref<!tpu.dma_semaphore, #tpu.memory_space<semaphore_mem>>) src(%dma_wait3A_202 : memref<2000xf32, #tpu.memory_space<vmem>>) dst(%dma_wait3A_200 : memref<2000xf32, #tpu.memory_space<hbm>>)
        tpu.yield
      }) : () -> ()
      %run_scoped3A_178 = arith.constant 1 : i32
      "tpu.region"() ({
        %run_scoped3A_182 = tpu.sem_alloc : memref<!tpu.dma_semaphore, #tpu.memory_space<semaphore_mem>>
        %dma_start3A_183 = arith.constant 2000 : i32
        %dma_start3A_184 = tpu.memref_slice %arg9[%dma_start3A_183] : memref<10112xf32, #tpu.memory_space<vmem>> -> memref<2000xf32, #tpu.memory_space<vmem>>
        %dma_start3A_185 = arith.constant 0 : i32
        %dma_start3A_186 = tpu.memref_slice %arg5[%run_scoped3A_178, %arg1, %dma_start3A_185] : memref<5x16x2000xf32, #tpu.memory_space<hbm>> -> memref<1x1x2000xf32, #tpu.memory_space<hbm>>
        %dma_start3A_187 = tpu.memref_squeeze %dma_start3A_186 : memref<1x1x2000xf32, #tpu.memory_space<hbm>> -> memref<2000xf32, #tpu.memory_space<hbm>>
        %dma_start3A_188 = arith.constant 0 : i32
        %dma_start3A_189 = tpu.memref_slice %arg5[%run_scoped3A_178, %arg1, %dma_start3A_188] : memref<5x16x2000xf32, #tpu.memory_space<hbm>> -> memref<1x1x2000xf32, #tpu.memory_space<hbm>>
        %dma_start3A_190 = tpu.memref_squeeze %dma_start3A_189 : memref<1x1x2000xf32, #tpu.memory_space<hbm>> -> memref<2000xf32, #tpu.memory_space<hbm>>
        %dma_start3A_191 = arith.constant 2000 : i32
        %dma_start3A_192 = tpu.memref_slice %arg9[%dma_start3A_191] : memref<10112xf32, #tpu.memory_space<vmem>> -> memref<2000xf32, #tpu.memory_space<vmem>>
        tpu.enqueue_dma source(%dma_start3A_192 : memref<2000xf32, #tpu.memory_space<vmem>>) target(%dma_start3A_190 : memref<2000xf32, #tpu.memory_space<hbm>>) target_semaphore(%run_scoped3A_182 : memref<!tpu.dma_semaphore, #tpu.memory_space<semaphore_mem>>)
        %dma_wait3A_193 = arith.constant 2000 : i32
        %dma_wait3A_194 = tpu.memref_slice %arg9[%dma_wait3A_193] : memref<10112xf32, #tpu.memory_space<vmem>> -> memref<2000xf32, #tpu.memory_space<vmem>>
        %dma_wait3A_195 = arith.constant 0 : i32
        %dma_wait3A_196 = tpu.memref_slice %arg5[%run_scoped3A_178, %arg1, %dma_wait3A_195] : memref<5x16x2000xf32, #tpu.memory_space<hbm>> -> memref<1x1x2000xf32, #tpu.memory_space<hbm>>
        %dma_wait3A_197 = tpu.memref_squeeze %dma_wait3A_196 : memref<1x1x2000xf32, #tpu.memory_space<hbm>> -> memref<2000xf32, #tpu.memory_space<hbm>>
        %dma_wait3A_198 = arith.constant 0 : i32
        %dma_wait3A_199 = tpu.memref_slice %arg5[%run_scoped3A_178, %arg1, %dma_wait3A_198] : memref<5x16x2000xf32, #tpu.memory_space<hbm>> -> memref<1x1x2000xf32, #tpu.memory_space<hbm>>
        %dma_wait3A_200 = tpu.memref_squeeze %dma_wait3A_199 : memref<1x1x2000xf32, #tpu.memory_space<hbm>> -> memref<2000xf32, #tpu.memory_space<hbm>>
        %dma_wait3A_201 = arith.constant 2000 : i32
        %dma_wait3A_202 = tpu.memref_slice %arg9[%dma_wait3A_201] : memref<10112xf32, #tpu.memory_space<vmem>> -> memref<2000xf32, #tpu.memory_space<vmem>>
        tpu.wait_dma2 semaphore(%run_scoped3A_182 : memref<!tpu.dma_semaphore, #tpu.memory_space<semaphore_mem>>) src(%dma_wait3A_202 : memref<2000xf32, #tpu.memory_space<vmem>>) dst(%dma_wait3A_200 : memref<2000xf32, #tpu.memory_space<hbm>>)
        tpu.yield
      }) : () -> ()
      %run_scoped3A_179 = arith.constant 2 : i32
      "tpu.region"() ({
        %run_scoped3A_182 = tpu.sem_alloc : memref<!tpu.dma_semaphore, #tpu.memory_space<semaphore_mem>>
        %dma_start3A_183 = arith.constant 4000 : i32
        %dma_start3A_184 = tpu.memref_slice %arg9[%dma_start3A_183] : memref<10112xf32, #tpu.memory_space<vmem>> -> memref<2000xf32, #tpu.memory_space<vmem>>
        %dma_start3A_185 = arith.constant 0 : i32
        %dma_start3A_186 = tpu.memref_slice %arg5[%run_scoped3A_179, %arg1, %dma_start3A_185] : memref<5x16x2000xf32, #tpu.memory_space<hbm>> -> memref<1x1x2000xf32, #tpu.memory_space<hbm>>
        %dma_start3A_187 = tpu.memref_squeeze %dma_start3A_186 : memref<1x1x2000xf32, #tpu.memory_space<hbm>> -> memref<2000xf32, #tpu.memory_space<hbm>>
        %dma_start3A_188 = arith.constant 0 : i32
        %dma_start3A_189 = tpu.memref_slice %arg5[%run_scoped3A_179, %arg1, %dma_start3A_188] : memref<5x16x2000xf32, #tpu.memory_space<hbm>> -> memref<1x1x2000xf32, #tpu.memory_space<hbm>>
        %dma_start3A_190 = tpu.memref_squeeze %dma_start3A_189 : memref<1x1x2000xf32, #tpu.memory_space<hbm>> -> memref<2000xf32, #tpu.memory_space<hbm>>
        %dma_start3A_191 = arith.constant 4000 : i32
        %dma_start3A_192 = tpu.memref_slice %arg9[%dma_start3A_191] : memref<10112xf32, #tpu.memory_space<vmem>> -> memref<2000xf32, #tpu.memory_space<vmem>>
        tpu.enqueue_dma source(%dma_start3A_192 : memref<2000xf32, #tpu.memory_space<vmem>>) target(%dma_start3A_190 : memref<2000xf32, #tpu.memory_space<hbm>>) target_semaphore(%run_scoped3A_182 : memref<!tpu.dma_semaphore, #tpu.memory_space<semaphore_mem>>)
        %dma_wait3A_193 = arith.constant 4000 : i32
        %dma_wait3A_194 = tpu.memref_slice %arg9[%dma_wait3A_193] : memref<10112xf32, #tpu.memory_space<vmem>> -> memref<2000xf32, #tpu.memory_space<vmem>>
        %dma_wait3A_195 = arith.constant 0 : i32
        %dma_wait3A_196 = tpu.memref_slice %arg5[%run_scoped3A_179, %arg1, %dma_wait3A_195] : memref<5x16x2000xf32, #tpu.memory_space<hbm>> -> memref<1x1x2000xf32, #tpu.memory_space<hbm>>
        %dma_wait3A_197 = tpu.memref_squeeze %dma_wait3A_196 : memref<1x1x2000xf32, #tpu.memory_space<hbm>> -> memref<2000xf32, #tpu.memory_space<hbm>>
        %dma_wait3A_198 = arith.constant 0 : i32
        %dma_wait3A_199 = tpu.memref_slice %arg5[%run_scoped3A_179, %arg1, %dma_wait3A_198] : memref<5x16x2000xf32, #tpu.memory_space<hbm>> -> memref<1x1x2000xf32, #tpu.memory_space<hbm>>
        %dma_wait3A_200 = tpu.memref_squeeze %dma_wait3A_199 : memref<1x1x2000xf32, #tpu.memory_space<hbm>> -> memref<2000xf32, #tpu.memory_space<hbm>>
        %dma_wait3A_201 = arith.constant 4000 : i32
        %dma_wait3A_202 = tpu.memref_slice %arg9[%dma_wait3A_201] : memref<10112xf32, #tpu.memory_space<vmem>> -> memref<2000xf32, #tpu.memory_space<vmem>>
        tpu.wait_dma2 semaphore(%run_scoped3A_182 : memref<!tpu.dma_semaphore, #tpu.memory_space<semaphore_mem>>) src(%dma_wait3A_202 : memref<2000xf32, #tpu.memory_space<vmem>>) dst(%dma_wait3A_200 : memref<2000xf32, #tpu.memory_space<hbm>>)
        tpu.yield
      }) : () -> ()
      %run_scoped3A_180 = arith.constant 3 : i32
      "tpu.region"() ({
        %run_scoped3A_182 = tpu.sem_alloc : memref<!tpu.dma_semaphore, #tpu.memory_space<semaphore_mem>>
        %dma_start3A_183 = arith.constant 6000 : i32
        %dma_start3A_184 = tpu.memref_slice %arg9[%dma_start3A_183] : memref<10112xf32, #tpu.memory_space<vmem>> -> memref<2000xf32, #tpu.memory_space<vmem>>
        %dma_start3A_185 = arith.constant 0 : i32
        %dma_start3A_186 = tpu.memref_slice %arg5[%run_scoped3A_180, %arg1, %dma_start3A_185] : memref<5x16x2000xf32, #tpu.memory_space<hbm>> -> memref<1x1x2000xf32, #tpu.memory_space<hbm>>
        %dma_start3A_187 = tpu.memref_squeeze %dma_start3A_186 : memref<1x1x2000xf32, #tpu.memory_space<hbm>> -> memref<2000xf32, #tpu.memory_space<hbm>>
        %dma_start3A_188 = arith.constant 0 : i32
        %dma_start3A_189 = tpu.memref_slice %arg5[%run_scoped3A_180, %arg1, %dma_start3A_188] : memref<5x16x2000xf32, #tpu.memory_space<hbm>> -> memref<1x1x2000xf32, #tpu.memory_space<hbm>>
        %dma_start3A_190 = tpu.memref_squeeze %dma_start3A_189 : memref<1x1x2000xf32, #tpu.memory_space<hbm>> -> memref<2000xf32, #tpu.memory_space<hbm>>
        %dma_start3A_191 = arith.constant 6000 : i32
        %dma_start3A_192 = tpu.memref_slice %arg9[%dma_start3A_191] : memref<10112xf32, #tpu.memory_space<vmem>> -> memref<2000xf32, #tpu.memory_space<vmem>>
        tpu.enqueue_dma source(%dma_start3A_192 : memref<2000xf32, #tpu.memory_space<vmem>>) target(%dma_start3A_190 : memref<2000xf32, #tpu.memory_space<hbm>>) target_semaphore(%run_scoped3A_182 : memref<!tpu.dma_semaphore, #tpu.memory_space<semaphore_mem>>)
        %dma_wait3A_193 = arith.constant 6000 : i32
        %dma_wait3A_194 = tpu.memref_slice %arg9[%dma_wait3A_193] : memref<10112xf32, #tpu.memory_space<vmem>> -> memref<2000xf32, #tpu.memory_space<vmem>>
        %dma_wait3A_195 = arith.constant 0 : i32
        %dma_wait3A_196 = tpu.memref_slice %arg5[%run_scoped3A_180, %arg1, %dma_wait3A_195] : memref<5x16x2000xf32, #tpu.memory_space<hbm>> -> memref<1x1x2000xf32, #tpu.memory_space<hbm>>
        %dma_wait3A_197 = tpu.memref_squeeze %dma_wait3A_196 : memref<1x1x2000xf32, #tpu.memory_space<hbm>> -> memref<2000xf32, #tpu.memory_space<hbm>>
        %dma_wait3A_198 = arith.constant 0 : i32
        %dma_wait3A_199 = tpu.memref_slice %arg5[%run_scoped3A_180, %arg1, %dma_wait3A_198] : memref<5x16x2000xf32, #tpu.memory_space<hbm>> -> memref<1x1x2000xf32, #tpu.memory_space<hbm>>
        %dma_wait3A_200 = tpu.memref_squeeze %dma_wait3A_199 : memref<1x1x2000xf32, #tpu.memory_space<hbm>> -> memref<2000xf32, #tpu.memory_space<hbm>>
        %dma_wait3A_201 = arith.constant 6000 : i32
        %dma_wait3A_202 = tpu.memref_slice %arg9[%dma_wait3A_201] : memref<10112xf32, #tpu.memory_space<vmem>> -> memref<2000xf32, #tpu.memory_space<vmem>>
        tpu.wait_dma2 semaphore(%run_scoped3A_182 : memref<!tpu.dma_semaphore, #tpu.memory_space<semaphore_mem>>) src(%dma_wait3A_202 : memref<2000xf32, #tpu.memory_space<vmem>>) dst(%dma_wait3A_200 : memref<2000xf32, #tpu.memory_space<hbm>>)
        tpu.yield
      }) : () -> ()
      %run_scoped3A_181 = arith.constant 4 : i32
      "tpu.region"() ({
        %run_scoped3A_182 = tpu.sem_alloc : memref<!tpu.dma_semaphore, #tpu.memory_space<semaphore_mem>>
        %dma_start3A_183 = arith.constant 8000 : i32
        %dma_start3A_184 = tpu.memref_slice %arg9[%dma_start3A_183] : memref<10112xf32, #tpu.memory_space<vmem>> -> memref<2000xf32, #tpu.memory_space<vmem>>
        %dma_start3A_185 = arith.constant 0 : i32
        %dma_start3A_186 = tpu.memref_slice %arg5[%run_scoped3A_181, %arg1, %dma_start3A_185] : memref<5x16x2000xf32, #tpu.memory_space<hbm>> -> memref<1x1x2000xf32, #tpu.memory_space<hbm>>
        %dma_start3A_187 = tpu.memref_squeeze %dma_start3A_186 : memref<1x1x2000xf32, #tpu.memory_space<hbm>> -> memref<2000xf32, #tpu.memory_space<hbm>>
        %dma_start3A_188 = arith.constant 0 : i32
        %dma_start3A_189 = tpu.memref_slice %arg5[%run_scoped3A_181, %arg1, %dma_start3A_188] : memref<5x16x2000xf32, #tpu.memory_space<hbm>> -> memref<1x1x2000xf32, #tpu.memory_space<hbm>>
        %dma_start3A_190 = tpu.memref_squeeze %dma_start3A_189 : memref<1x1x2000xf32, #tpu.memory_space<hbm>> -> memref<2000xf32, #tpu.memory_space<hbm>>
        %dma_start3A_191 = arith.constant 8000 : i32
        %dma_start3A_192 = tpu.memref_slice %arg9[%dma_start3A_191] : memref<10112xf32, #tpu.memory_space<vmem>> -> memref<2000xf32, #tpu.memory_space<vmem>>
        tpu.enqueue_dma source(%dma_start3A_192 : memref<2000xf32, #tpu.memory_space<vmem>>) target(%dma_start3A_190 : memref<2000xf32, #tpu.memory_space<hbm>>) target_semaphore(%run_scoped3A_182 : memref<!tpu.dma_semaphore, #tpu.memory_space<semaphore_mem>>)
        %dma_wait3A_193 = arith.constant 8000 : i32
        %dma_wait3A_194 = tpu.memref_slice %arg9[%dma_wait3A_193] : memref<10112xf32, #tpu.memory_space<vmem>> -> memref<2000xf32, #tpu.memory_space<vmem>>
        %dma_wait3A_195 = arith.constant 0 : i32
        %dma_wait3A_196 = tpu.memref_slice %arg5[%run_scoped3A_181, %arg1, %dma_wait3A_195] : memref<5x16x2000xf32, #tpu.memory_space<hbm>> -> memref<1x1x2000xf32, #tpu.memory_space<hbm>>
        %dma_wait3A_197 = tpu.memref_squeeze %dma_wait3A_196 : memref<1x1x2000xf32, #tpu.memory_space<hbm>> -> memref<2000xf32, #tpu.memory_space<hbm>>
        %dma_wait3A_198 = arith.constant 0 : i32
        %dma_wait3A_199 = tpu.memref_slice %arg5[%run_scoped3A_181, %arg1, %dma_wait3A_198] : memref<5x16x2000xf32, #tpu.memory_space<hbm>> -> memref<1x1x2000xf32, #tpu.memory_space<hbm>>
        %dma_wait3A_200 = tpu.memref_squeeze %dma_wait3A_199 : memref<1x1x2000xf32, #tpu.memory_space<hbm>> -> memref<2000xf32, #tpu.memory_space<hbm>>
        %dma_wait3A_201 = arith.constant 8000 : i32
        %dma_wait3A_202 = tpu.memref_slice %arg9[%dma_wait3A_201] : memref<10112xf32, #tpu.memory_space<vmem>> -> memref<2000xf32, #tpu.memory_space<vmem>>
        tpu.wait_dma2 semaphore(%run_scoped3A_182 : memref<!tpu.dma_semaphore, #tpu.memory_space<semaphore_mem>>) src(%dma_wait3A_202 : memref<2000xf32, #tpu.memory_space<vmem>>) dst(%dma_wait3A_200 : memref<2000xf32, #tpu.memory_space<hbm>>)
        tpu.yield
      }) : () -> ()
    } else {
    }
    return
  }
}

module attributes {stable_mosaic.version = 14 : i64} {
  func.func @body(%arg0: i32, %arg1: memref<2000x16xf32, #tpu.memory_space<vmem>>, %arg2: memref<16x128xf32, #tpu.memory_space<vmem>>, %arg3: memref<1x128xf32, #tpu.memory_space<vmem>>, %arg4: memref<2000x128xf32, #tpu.memory_space<vmem>>, %arg5: memref<2x2000x64xf32, #tpu.memory_space<vmem>>) attributes {dimension_semantics = [#tpu.dimension_semantics<arbitrary>], iteration_bounds = array<i64: 5>, scalar_prefetch = 0 : i64, scratch_operands = 0 : i64, tpu.core_type = #tpu.core_type<tc>, window_params = [{transform_indices = @transform_0, window_bounds = array<i64: 2000, 16>}, {pipeline_mode = #tpu.pipeline_mode<synchronous>, transform_indices = @transform_1, window_bounds = array<i64: 16, 128>}, {pipeline_mode = #tpu.pipeline_mode<synchronous>, transform_indices = @transform_2, window_bounds = array<i64: 1, 128>}, {transform_indices = @transform_3, window_bounds = array<i64: 2000, 128>}, {transform_indices = @transform_4, window_bounds = array<i64: 2, 2000, 64>}]} {
    %get3A = arith.constant 0 : index
    %get3A_0 = arith.constant 0 : index
    %get3A_1 = vector.load %arg1[%get3A, %get3A_0] : memref<2000x16xf32, #tpu.memory_space<vmem>>, vector<2000x16xf32>
    %get3A_2 = arith.constant 0 : index
    %get3A_3 = arith.constant 0 : index
    %get3A_4 = vector.load %arg2[%get3A_2, %get3A_3] : memref<16x128xf32, #tpu.memory_space<vmem>>, vector<16x128xf32>
    %dot_general3A = arith.constant dense<0.000000e+00> : vector<2000x128xf32>
    %dot_general3A_5 = tpu.matmul %get3A_1, %get3A_4, %dot_general3A {dimension_numbers = #tpu.dot_dimension_numbers<[1], [0], [0], [1], [0, 0, 1, 1], [], []>, transpose_lhs_hint = false} : vector<2000x16xf32>, vector<16x128xf32>, vector<2000x128xf32> -> vector<2000x128xf32>
    %get3A_6 = arith.constant 0 : index
    %get3A_7 = arith.constant 0 : index
    %get3A_8 = vector.load %arg3[%get3A_6, %get3A_7] : memref<1x128xf32, #tpu.memory_space<vmem>>, vector<1x128xf32>
    %add3A = vector.broadcast %get3A_8 : vector<1x128xf32> to vector<2000x128xf32>
    %add3A_9 = arith.addf %dot_general3A_5, %add3A : vector<2000x128xf32>
    %max3A = arith.constant 0.000000e+00 : f32
    %max3A_10 = vector.broadcast %max3A : f32 to vector<2000x128xf32>
    %max3A_11 = arith.maximumf %add3A_9, %max3A_10 : vector<2000x128xf32>
    %swap3A = arith.constant 0 : index
    %swap3A_12 = arith.constant 0 : index
    %swap3A_13 = vector.load %arg4[%swap3A, %swap3A_12] : memref<2000x128xf32, #tpu.memory_space<vmem>>, vector<2000x128xf32>
    tpu.vector_store %arg4[%swap3A, %swap3A_12], %max3A_11 {strides = array<i32>} : memref<2000x128xf32, #tpu.memory_space<vmem>>, vector<2000x128xf32>,
    %slice3A = vector.extract_strided_slice %max3A_11 {offsets = [0, 0], sizes = [2000, 64], strides = [1, 1]} : vector<2000x128xf32> to vector<2000x64xf32>
    %swap3A_14 = arith.constant 0 : index
    %swap3A_15 = arith.constant 0 : index
    %swap3A_16 = arith.constant 0 : index
    %swap3A_17 = vector.load %arg5[%swap3A_14, %swap3A_15, %swap3A_16] : memref<2x2000x64xf32, #tpu.memory_space<vmem>>, vector<1x2000x64xf32>
    %swap3A_18 = vector.shape_cast %swap3A_17 : vector<1x2000x64xf32> to vector<2000x64xf32>
    %swap3A_19 = vector.shape_cast %slice3A : vector<2000x64xf32> to vector<1x2000x64xf32>
    tpu.vector_store %arg5[%swap3A_14, %swap3A_15, %swap3A_16], %swap3A_19 {strides = array<i32>} : memref<2x2000x64xf32, #tpu.memory_space<vmem>>, vector<1x2000x64xf32>,
    %slice3A_20 = vector.extract_strided_slice %max3A_11 {offsets = [0, 64], sizes = [2000, 64], strides = [1, 1]} : vector<2000x128xf32> to vector<2000x64xf32>
    %swap3A_21 = arith.constant 1 : index
    %swap3A_22 = arith.constant 0 : index
    %swap3A_23 = arith.constant 0 : index
    %swap3A_24 = vector.load %arg5[%swap3A_21, %swap3A_22, %swap3A_23] : memref<2x2000x64xf32, #tpu.memory_space<vmem>>, vector<1x2000x64xf32>
    %swap3A_25 = vector.shape_cast %swap3A_24 : vector<1x2000x64xf32> to vector<2000x64xf32>
    %swap3A_26 = vector.shape_cast %slice3A_20 : vector<2000x64xf32> to vector<1x2000x64xf32>
    tpu.vector_store %arg5[%swap3A_21, %swap3A_22, %swap3A_23], %swap3A_26 {strides = array<i32>} : memref<2x2000x64xf32, #tpu.memory_space<vmem>>, vector<1x2000x64xf32>,
    return
  }
  func.func @transform_0(%arg0: i32) -> (i32, i32) {
    %c0_i32 = arith.constant 0 : i32
    %c0_i32_0 = arith.constant 0 : i32
    return %arg0, %c0_i32 : i32, i32
  }
  func.func @transform_1(%arg0: i32) -> (i32, i32) {
    %c0_i32 = arith.constant 0 : i32
    %c0_i32_0 = arith.constant 0 : i32
    %c0_i32_1 = arith.constant 0 : i32
    return %c0_i32, %c0_i32_0 : i32, i32
  }
  func.func @transform_2(%arg0: i32) -> (i32, i32) {
    %c0_i32 = arith.constant 0 : i32
    %c0_i32_0 = arith.constant 0 : i32
    %c0_i32_1 = arith.constant 0 : i32
    return %c0_i32, %c0_i32_0 : i32, i32
  }
  func.func @transform_3(%arg0: i32) -> (i32, i32) {
    %c0_i32 = arith.constant 0 : i32
    %c0_i32_0 = arith.constant 0 : i32
    return %arg0, %c0_i32 : i32, i32
  }
  func.func @transform_4(%arg0: i32) -> (i32, i32, i32) {
    %c0_i32 = arith.constant 0 : i32
    %c0_i32_0 = arith.constant 0 : i32
    %c0_i32_1 = arith.constant 0 : i32
    return %c0_i32, %arg0, %c0_i32_0 : i32, i32, i32
  }
}

module attributes {stable_mosaic.version = 14 : i64} {
  func.func @body(%arg0: i32, %arg1: memref<2000x128xf32, #tpu.memory_space<vmem>>, %arg2: memref<2x2000x64xf32, #tpu.memory_space<vmem>>, %arg3: memref<1x16x2000xf32, #tpu.memory_space<vmem>>, %arg4: memref<128x128xf32, #tpu.memory_space<vmem>>, %arg5: memref<128x128xf32, #tpu.memory_space<vmem>>, %arg6: memref<1x128xf32, #tpu.memory_space<vmem>>, %arg7: memref<1x128xf32, #tpu.memory_space<vmem>>, %arg8: memref<2000x128xf32, #tpu.memory_space<vmem>>, %arg9: memref<2x2000x64xf32, #tpu.memory_space<vmem>>) attributes {dimension_semantics = [#tpu.dimension_semantics<arbitrary>], iteration_bounds = array<i64: 5>, scalar_prefetch = 0 : i64, scratch_operands = 0 : i64, tpu.core_type = #tpu.core_type<tc>, window_params = [{transform_indices = @transform_0, window_bounds = array<i64: 2000, 128>}, {transform_indices = @transform_1, window_bounds = array<i64: 2, 2000, 64>}, {transform_indices = @transform_2, window_bounds = array<i64: 1, 16, 2000>}, {pipeline_mode = #tpu.pipeline_mode<synchronous>, transform_indices = @transform_3, window_bounds = array<i64: 128, 128>}, {pipeline_mode = #tpu.pipeline_mode<synchronous>, transform_indices = @transform_4, window_bounds = array<i64: 128, 128>}, {pipeline_mode = #tpu.pipeline_mode<synchronous>, transform_indices = @transform_5, window_bounds = array<i64: 1, 128>}, {pipeline_mode = #tpu.pipeline_mode<synchronous>, transform_indices = @transform_6, window_bounds = array<i64: 1, 128>}, {transform_indices = @transform_7, window_bounds = array<i64: 2000, 128>}, {transform_indices = @transform_8, window_bounds = array<i64: 2, 2000, 64>}]} {
    %get3A = arith.constant 0 : index
    %get3A_0 = arith.constant 0 : index
    %get3A_1 = vector.load %arg1[%get3A, %get3A_0] : memref<2000x128xf32, #tpu.memory_space<vmem>>, vector<2000x128xf32>
    %get3A_2 = arith.constant 0 : index
    %get3A_3 = arith.constant 0 : index
    %get3A_4 = arith.constant 0 : index
    %get3A_5 = vector.load %arg2[%get3A_2, %get3A_3, %get3A_4] : memref<2x2000x64xf32, #tpu.memory_space<vmem>>, vector<1x2000x64xf32>
    %get3A_6 = vector.shape_cast %get3A_5 : vector<1x2000x64xf32> to vector<2000x64xf32>
    %get3A_7 = arith.constant 1 : index
    %get3A_8 = arith.constant 0 : index
    %get3A_9 = arith.constant 0 : index
    %get3A_10 = vector.load %arg2[%get3A_7, %get3A_8, %get3A_9] : memref<2x2000x64xf32, #tpu.memory_space<vmem>>, vector<1x2000x64xf32>
    %get3A_11 = vector.shape_cast %get3A_10 : vector<1x2000x64xf32> to vector<2000x64xf32>
    %concatenate3A = tpu.concatenate %get3A_6, %get3A_11 in 1 : vector<2000x64xf32>, vector<2000x64xf32> -> vector<2000x128xf32>
    %get3A_12 = arith.constant 0 : index
    %get3A_13 = arith.constant 0 : index
    %get3A_14 = arith.constant 0 : index
    %get3A_15 = vector.load %arg3[%get3A_12, %get3A_13, %get3A_14] : memref<1x16x2000xf32, #tpu.memory_space<vmem>>, vector<1x16x2000xf32>
    %get3A_16 = vector.shape_cast %get3A_15 : vector<1x16x2000xf32> to vector<16x2000xf32>
    %reduce_sum3A = arith.constant dense<0.000000e+00> : vector<2000xf32>
    %reduce_sum3A_17 = vector.multi_reduction <add>, %get3A_16, %reduce_sum3A [0] : vector<16x2000xf32> to vector<2000xf32>
    %jit3A = arith.constant 1.000000e+00 : f32
    %max3A = vector.broadcast %jit3A : f32 to vector<2000xf32>
    %max3A_18 = arith.maximumf %max3A, %reduce_sum3A_17 : vector<2000xf32>
    %broadcast_in_dim3A = vector.shape_cast %max3A_18 : vector<2000xf32> to vector<2000x1xf32>
    %div3A = vector.broadcast %broadcast_in_dim3A : vector<2000x1xf32> to vector<2000x128xf32>
    %div3A_19 = arith.divf %concatenate3A, %div3A : vector<2000x128xf32>
    %get3A_20 = arith.constant 0 : index
    %get3A_21 = arith.constant 0 : index
    %get3A_22 = vector.load %arg4[%get3A_20, %get3A_21] : memref<128x128xf32, #tpu.memory_space<vmem>>, vector<128x128xf32>
    %dot_general3A = arith.constant dense<0.000000e+00> : vector<2000x128xf32>
    %dot_general3A_23 = tpu.matmul %get3A_1, %get3A_22, %dot_general3A {dimension_numbers = #tpu.dot_dimension_numbers<[1], [0], [0], [1], [0, 0, 1, 1], [], []>, transpose_lhs_hint = false} : vector<2000x128xf32>, vector<128x128xf32>, vector<2000x128xf32> -> vector<2000x128xf32>
    %get3A_24 = arith.constant 0 : index
    %get3A_25 = arith.constant 0 : index
    %get3A_26 = vector.load %arg5[%get3A_24, %get3A_25] : memref<128x128xf32, #tpu.memory_space<vmem>>, vector<128x128xf32>
    %dot_general3A_27 = arith.constant dense<0.000000e+00> : vector<2000x128xf32>
    %dot_general3A_28 = tpu.matmul %div3A_19, %get3A_26, %dot_general3A_27 {dimension_numbers = #tpu.dot_dimension_numbers<[1], [0], [0], [1], [0, 0, 1, 1], [], []>, transpose_lhs_hint = false} : vector<2000x128xf32>, vector<128x128xf32>, vector<2000x128xf32> -> vector<2000x128xf32>
    %add3A = arith.addf %dot_general3A_23, %dot_general3A_28 : vector<2000x128xf32>
    %get3A_29 = arith.constant 0 : index
    %get3A_30 = arith.constant 0 : index
    %get3A_31 = vector.load %arg6[%get3A_29, %get3A_30] : memref<1x128xf32, #tpu.memory_space<vmem>>, vector<1x128xf32>
    %add3A_32 = vector.broadcast %get3A_31 : vector<1x128xf32> to vector<2000x128xf32>
    %add3A_33 = arith.addf %add3A, %add3A_32 : vector<2000x128xf32>
    %get3A_34 = arith.constant 0 : index
    %get3A_35 = arith.constant 0 : index
    %get3A_36 = vector.load %arg7[%get3A_34, %get3A_35] : memref<1x128xf32, #tpu.memory_space<vmem>>, vector<1x128xf32>
    %add3A_37 = vector.broadcast %get3A_36 : vector<1x128xf32> to vector<2000x128xf32>
    %add3A_38 = arith.addf %add3A_33, %add3A_37 : vector<2000x128xf32>
    %max3A_39 = arith.constant 0.000000e+00 : f32
    %max3A_40 = vector.broadcast %max3A_39 : f32 to vector<2000x128xf32>
    %max3A_41 = arith.maximumf %add3A_38, %max3A_40 : vector<2000x128xf32>
    %swap3A = arith.constant 0 : index
    %swap3A_42 = arith.constant 0 : index
    %swap3A_43 = vector.load %arg8[%swap3A, %swap3A_42] : memref<2000x128xf32, #tpu.memory_space<vmem>>, vector<2000x128xf32>
    tpu.vector_store %arg8[%swap3A, %swap3A_42], %max3A_41 {strides = array<i32>} : memref<2000x128xf32, #tpu.memory_space<vmem>>, vector<2000x128xf32>,
    %slice3A = vector.extract_strided_slice %max3A_41 {offsets = [0, 0], sizes = [2000, 64], strides = [1, 1]} : vector<2000x128xf32> to vector<2000x64xf32>
    %swap3A_44 = arith.constant 0 : index
    %swap3A_45 = arith.constant 0 : index
    %swap3A_46 = arith.constant 0 : index
    %swap3A_47 = vector.load %arg9[%swap3A_44, %swap3A_45, %swap3A_46] : memref<2x2000x64xf32, #tpu.memory_space<vmem>>, vector<1x2000x64xf32>
    %swap3A_48 = vector.shape_cast %swap3A_47 : vector<1x2000x64xf32> to vector<2000x64xf32>
    %swap3A_49 = vector.shape_cast %slice3A : vector<2000x64xf32> to vector<1x2000x64xf32>
    tpu.vector_store %arg9[%swap3A_44, %swap3A_45, %swap3A_46], %swap3A_49 {strides = array<i32>} : memref<2x2000x64xf32, #tpu.memory_space<vmem>>, vector<1x2000x64xf32>,
    %slice3A_50 = vector.extract_strided_slice %max3A_41 {offsets = [0, 64], sizes = [2000, 64], strides = [1, 1]} : vector<2000x128xf32> to vector<2000x64xf32>
    %swap3A_51 = arith.constant 1 : index
    %swap3A_52 = arith.constant 0 : index
    %swap3A_53 = arith.constant 0 : index
    %swap3A_54 = vector.load %arg9[%swap3A_51, %swap3A_52, %swap3A_53] : memref<2x2000x64xf32, #tpu.memory_space<vmem>>, vector<1x2000x64xf32>
    %swap3A_55 = vector.shape_cast %swap3A_54 : vector<1x2000x64xf32> to vector<2000x64xf32>
    %swap3A_56 = vector.shape_cast %slice3A_50 : vector<2000x64xf32> to vector<1x2000x64xf32>
    tpu.vector_store %arg9[%swap3A_51, %swap3A_52, %swap3A_53], %swap3A_56 {strides = array<i32>} : memref<2x2000x64xf32, #tpu.memory_space<vmem>>, vector<1x2000x64xf32>,
    return
  }
  func.func @transform_0(%arg0: i32) -> (i32, i32) {
    %c0_i32 = arith.constant 0 : i32
    %c0_i32_0 = arith.constant 0 : i32
    return %arg0, %c0_i32 : i32, i32
  }
  func.func @transform_1(%arg0: i32) -> (i32, i32, i32) {
    %c0_i32 = arith.constant 0 : i32
    %c0_i32_0 = arith.constant 0 : i32
    %c0_i32_1 = arith.constant 0 : i32
    return %c0_i32, %arg0, %c0_i32_0 : i32, i32, i32
  }
  func.func @transform_2(%arg0: i32) -> (i32, i32, i32) {
    %c0_i32 = arith.constant 0 : i32
    %c0_i32_0 = arith.constant 0 : i32
    %c0_i32_1 = arith.constant 0 : i32
    return %arg0, %c0_i32, %c0_i32_0 : i32, i32, i32
  }
  func.func @transform_3(%arg0: i32) -> (i32, i32) {
    %c0_i32 = arith.constant 0 : i32
    %c0_i32_0 = arith.constant 0 : i32
    %c0_i32_1 = arith.constant 0 : i32
    return %c0_i32, %c0_i32_0 : i32, i32
  }
  func.func @transform_4(%arg0: i32) -> (i32, i32) {
    %c0_i32 = arith.constant 0 : i32
    %c0_i32_0 = arith.constant 0 : i32
    %c0_i32_1 = arith.constant 0 : i32
    return %c0_i32, %c0_i32_0 : i32, i32
  }
  func.func @transform_5(%arg0: i32) -> (i32, i32) {
    %c0_i32 = arith.constant 0 : i32
    %c0_i32_0 = arith.constant 0 : i32
    %c0_i32_1 = arith.constant 0 : i32
    return %c0_i32, %c0_i32_0 : i32, i32
  }
  func.func @transform_6(%arg0: i32) -> (i32, i32) {
    %c0_i32 = arith.constant 0 : i32
    %c0_i32_0 = arith.constant 0 : i32
    %c0_i32_1 = arith.constant 0 : i32
    return %c0_i32, %c0_i32_0 : i32, i32
  }
  func.func @transform_7(%arg0: i32) -> (i32, i32) {
    %c0_i32 = arith.constant 0 : i32
    %c0_i32_0 = arith.constant 0 : i32
    return %arg0, %c0_i32 : i32, i32
  }
  func.func @transform_8(%arg0: i32) -> (i32, i32, i32) {
    %c0_i32 = arith.constant 0 : i32
    %c0_i32_0 = arith.constant 0 : i32
    %c0_i32_1 = arith.constant 0 : i32
    return %c0_i32, %arg0, %c0_i32_0 : i32, i32, i32
  }
}

module attributes {stable_mosaic.version = 14 : i64} {
  func.func @body(%arg0: i32, %arg1: memref<2000x128xf32, #tpu.memory_space<vmem>>, %arg2: memref<2x2000x64xf32, #tpu.memory_space<vmem>>, %arg3: memref<1x16x2000xf32, #tpu.memory_space<vmem>>, %arg4: memref<128x128xf32, #tpu.memory_space<vmem>>, %arg5: memref<128x128xf32, #tpu.memory_space<vmem>>, %arg6: memref<1x128xf32, #tpu.memory_space<vmem>>, %arg7: memref<1x128xf32, #tpu.memory_space<vmem>>, %arg8: memref<2000x128xf32, #tpu.memory_space<vmem>>) attributes {dimension_semantics = [#tpu.dimension_semantics<arbitrary>], iteration_bounds = array<i64: 5>, scalar_prefetch = 0 : i64, scratch_operands = 0 : i64, tpu.core_type = #tpu.core_type<tc>, window_params = [{transform_indices = @transform_0, window_bounds = array<i64: 2000, 128>}, {transform_indices = @transform_1, window_bounds = array<i64: 2, 2000, 64>}, {transform_indices = @transform_2, window_bounds = array<i64: 1, 16, 2000>}, {pipeline_mode = #tpu.pipeline_mode<synchronous>, transform_indices = @transform_3, window_bounds = array<i64: 128, 128>}, {pipeline_mode = #tpu.pipeline_mode<synchronous>, transform_indices = @transform_4, window_bounds = array<i64: 128, 128>}, {pipeline_mode = #tpu.pipeline_mode<synchronous>, transform_indices = @transform_5, window_bounds = array<i64: 1, 128>}, {pipeline_mode = #tpu.pipeline_mode<synchronous>, transform_indices = @transform_6, window_bounds = array<i64: 1, 128>}, {transform_indices = @transform_7, window_bounds = array<i64: 2000, 128>}]} {
    %get3A = arith.constant 0 : index
    %get3A_0 = arith.constant 0 : index
    %get3A_1 = vector.load %arg1[%get3A, %get3A_0] : memref<2000x128xf32, #tpu.memory_space<vmem>>, vector<2000x128xf32>
    %get3A_2 = arith.constant 0 : index
    %get3A_3 = arith.constant 0 : index
    %get3A_4 = arith.constant 0 : index
    %get3A_5 = vector.load %arg2[%get3A_2, %get3A_3, %get3A_4] : memref<2x2000x64xf32, #tpu.memory_space<vmem>>, vector<1x2000x64xf32>
    %get3A_6 = vector.shape_cast %get3A_5 : vector<1x2000x64xf32> to vector<2000x64xf32>
    %get3A_7 = arith.constant 1 : index
    %get3A_8 = arith.constant 0 : index
    %get3A_9 = arith.constant 0 : index
    %get3A_10 = vector.load %arg2[%get3A_7, %get3A_8, %get3A_9] : memref<2x2000x64xf32, #tpu.memory_space<vmem>>, vector<1x2000x64xf32>
    %get3A_11 = vector.shape_cast %get3A_10 : vector<1x2000x64xf32> to vector<2000x64xf32>
    %concatenate3A = tpu.concatenate %get3A_6, %get3A_11 in 1 : vector<2000x64xf32>, vector<2000x64xf32> -> vector<2000x128xf32>
    %get3A_12 = arith.constant 0 : index
    %get3A_13 = arith.constant 0 : index
    %get3A_14 = arith.constant 0 : index
    %get3A_15 = vector.load %arg3[%get3A_12, %get3A_13, %get3A_14] : memref<1x16x2000xf32, #tpu.memory_space<vmem>>, vector<1x16x2000xf32>
    %get3A_16 = vector.shape_cast %get3A_15 : vector<1x16x2000xf32> to vector<16x2000xf32>
    %reduce_sum3A = arith.constant dense<0.000000e+00> : vector<2000xf32>
    %reduce_sum3A_17 = vector.multi_reduction <add>, %get3A_16, %reduce_sum3A [0] : vector<16x2000xf32> to vector<2000xf32>
    %jit3A = arith.constant 1.000000e+00 : f32
    %max3A = vector.broadcast %jit3A : f32 to vector<2000xf32>
    %max3A_18 = arith.maximumf %max3A, %reduce_sum3A_17 : vector<2000xf32>
    %broadcast_in_dim3A = vector.shape_cast %max3A_18 : vector<2000xf32> to vector<2000x1xf32>
    %div3A = vector.broadcast %broadcast_in_dim3A : vector<2000x1xf32> to vector<2000x128xf32>
    %div3A_19 = arith.divf %concatenate3A, %div3A : vector<2000x128xf32>
    %get3A_20 = arith.constant 0 : index
    %get3A_21 = arith.constant 0 : index
    %get3A_22 = vector.load %arg4[%get3A_20, %get3A_21] : memref<128x128xf32, #tpu.memory_space<vmem>>, vector<128x128xf32>
    %dot_general3A = arith.constant dense<0.000000e+00> : vector<2000x128xf32>
    %dot_general3A_23 = tpu.matmul %get3A_1, %get3A_22, %dot_general3A {dimension_numbers = #tpu.dot_dimension_numbers<[1], [0], [0], [1], [0, 0, 1, 1], [], []>, transpose_lhs_hint = false} : vector<2000x128xf32>, vector<128x128xf32>, vector<2000x128xf32> -> vector<2000x128xf32>
    %get3A_24 = arith.constant 0 : index
    %get3A_25 = arith.constant 0 : index
    %get3A_26 = vector.load %arg5[%get3A_24, %get3A_25] : memref<128x128xf32, #tpu.memory_space<vmem>>, vector<128x128xf32>
    %dot_general3A_27 = arith.constant dense<0.000000e+00> : vector<2000x128xf32>
    %dot_general3A_28 = tpu.matmul %div3A_19, %get3A_26, %dot_general3A_27 {dimension_numbers = #tpu.dot_dimension_numbers<[1], [0], [0], [1], [0, 0, 1, 1], [], []>, transpose_lhs_hint = false} : vector<2000x128xf32>, vector<128x128xf32>, vector<2000x128xf32> -> vector<2000x128xf32>
    %add3A = arith.addf %dot_general3A_23, %dot_general3A_28 : vector<2000x128xf32>
    %get3A_29 = arith.constant 0 : index
    %get3A_30 = arith.constant 0 : index
    %get3A_31 = vector.load %arg6[%get3A_29, %get3A_30] : memref<1x128xf32, #tpu.memory_space<vmem>>, vector<1x128xf32>
    %add3A_32 = vector.broadcast %get3A_31 : vector<1x128xf32> to vector<2000x128xf32>
    %add3A_33 = arith.addf %add3A, %add3A_32 : vector<2000x128xf32>
    %get3A_34 = arith.constant 0 : index
    %get3A_35 = arith.constant 0 : index
    %get3A_36 = vector.load %arg7[%get3A_34, %get3A_35] : memref<1x128xf32, #tpu.memory_space<vmem>>, vector<1x128xf32>
    %add3A_37 = vector.broadcast %get3A_36 : vector<1x128xf32> to vector<2000x128xf32>
    %add3A_38 = arith.addf %add3A_33, %add3A_37 : vector<2000x128xf32>
    %swap3A = arith.constant 0 : index
    %swap3A_39 = arith.constant 0 : index
    %swap3A_40 = vector.load %arg8[%swap3A, %swap3A_39] : memref<2000x128xf32, #tpu.memory_space<vmem>>, vector<2000x128xf32>
    tpu.vector_store %arg8[%swap3A, %swap3A_39], %add3A_38 {strides = array<i32>} : memref<2000x128xf32, #tpu.memory_space<vmem>>, vector<2000x128xf32>,
    return
  }
  func.func @transform_0(%arg0: i32) -> (i32, i32) {
    %c0_i32 = arith.constant 0 : i32
    %c0_i32_0 = arith.constant 0 : i32
    return %arg0, %c0_i32 : i32, i32
  }
  func.func @transform_1(%arg0: i32) -> (i32, i32, i32) {
    %c0_i32 = arith.constant 0 : i32
    %c0_i32_0 = arith.constant 0 : i32
    %c0_i32_1 = arith.constant 0 : i32
    return %c0_i32, %arg0, %c0_i32_0 : i32, i32, i32
  }
  func.func @transform_2(%arg0: i32) -> (i32, i32, i32) {
    %c0_i32 = arith.constant 0 : i32
    %c0_i32_0 = arith.constant 0 : i32
    %c0_i32_1 = arith.constant 0 : i32
    return %arg0, %c0_i32, %c0_i32_0 : i32, i32, i32
  }
  func.func @transform_3(%arg0: i32) -> (i32, i32) {
    %c0_i32 = arith.constant 0 : i32
    %c0_i32_0 = arith.constant 0 : i32
    %c0_i32_1 = arith.constant 0 : i32
    return %c0_i32, %c0_i32_0 : i32, i32
  }
  func.func @transform_4(%arg0: i32) -> (i32, i32) {
    %c0_i32 = arith.constant 0 : i32
    %c0_i32_0 = arith.constant 0 : i32
    %c0_i32_1 = arith.constant 0 : i32
    return %c0_i32, %c0_i32_0 : i32, i32
  }
  func.func @transform_5(%arg0: i32) -> (i32, i32) {
    %c0_i32 = arith.constant 0 : i32
    %c0_i32_0 = arith.constant 0 : i32
    %c0_i32_1 = arith.constant 0 : i32
    return %c0_i32, %c0_i32_0 : i32, i32
  }
  func.func @transform_6(%arg0: i32) -> (i32, i32) {
    %c0_i32 = arith.constant 0 : i32
    %c0_i32_0 = arith.constant 0 : i32
    %c0_i32_1 = arith.constant 0 : i32
    return %c0_i32, %c0_i32_0 : i32, i32
  }
  func.func @transform_7(%arg0: i32) -> (i32, i32) {
    %c0_i32 = arith.constant 0 : i32
    %c0_i32_0 = arith.constant 0 : i32
    return %arg0, %c0_i32 : i32, i32
  }
}

</mosaic_0001>

<sc_bundles>
// kernel: kernel.10.cloned.1.call-start
scs
__scs_entry_jumppad:
0x0: {  	(pc) =	sbr.rel $0x88, $3  }
0x1: {  	(tag) =	ssettag $0x0;
	lr =	simm.s32 $0x1  }
0x2: {  	[smem:$0x3F98] =	sst lr;
	_ =	strace $0xD0000000  }
0x3: {  	_ = 	snop  }
0x4: {  	_ = 	snop  }
0x5: {  	_ = 	snop  }
0x6: {  	_ = 	snop  }
0x7: {  	_ = 	snop  }
__scs_overlays_trampoline_lowered:
0x8: {  	[smem:$0x3FA7] =	sst s0  }
0x9: {  	[smem:$0x3FA8] =	sst s1  }
0xa: {  	[smem:$0x3FA9] =	sst s2  }
0xb: {  	[smem:$0x3FAA] =	sst s3  }
0xc: {  	[smem:$0x3FAB] =	sst s4  }
0xd: {  	[smem:$0x3FAC] =	sst s5  }
0xe: {  	[smem:$0x3FAD] =	sst s6  }
0xf: {  	[smem:$0x3FAE] =	sst s7  }
0x10: {  	[smem:$0x3FAF] =	sst s8  }
0x11: {  	[smem:$0x3FB0] =	sst s9;
	s0 =	simm.s32 @!p0 $0x0  }
0x12: {  	s1 =	sld [smem:$0x3F96];
	s0 =	simm.s32 @p0 $0x1  }
0x13: {  	[smem:$0x3FB1] =	sst s0;
	s0 =	simm.s32 @!p1 $0x0  }
0x14: {  	s2 =	sld [smem:$0x3F95];
	s0 =	simm.s32 @p1 $0x1  }
0x15: {  	[smem:$0x3FB2] =	sst s0;
	s0 =	simm.s32 @!p2 $0x0  }
0x16: {  	s3 =	sld [smem:$0x3FDB];
	s0 =	simm.s32 @p2 $0x1  }
0x17: {  	s4 =	simm.s32 $0x1BF5;
	[smem:$0x3FB4] =	sst s0  }
0x18: {  	s0 =	sld [smem:$0x3F97];
	_ =	swait.ge [sflag:s4], $0x0  }
0x19: {  	s7 =	sld [smem:$0x3F98]  }
0x1a: {  	s8 =	sadd.s32 $0xFFFFE003, lr  }
0x1b: {  	s9 =	sadd.s32 $0xFFFFFEF7, lr;
	s5 =	simm.s32 $0xFFFFFFFF;
	p2 =	slt.u32 s8, $0xFFFFF086  }
0x1c: {  	p1 =	slt.u32 s9, $0xF7A;
	s5 =	simm.s32 @!p2 $0x0  }
0x1d: {  	s5 =	simm.s32 @p1 $0x1;
	p0 =	seq.s32 s7, s2  }
0x1e: {  	s7 =	smul.u32 @!p0 $0xF7A, s2;
	p2 =	seq.s32 @!p0 s5, $0x0  }
0x1f: {  	s9 =	smul.u32 $0xF7A, s1;
	s8 =	simm.s32 @!p0 $0x1BF5;
	p2 =	por !p2, p0  }
0x20: {  	[sflag:s8] =	ssyncset.s32 @!p0 $0xFFFFF086;
	s6 =	sadd.s32 @!p0 s3, s7;
	s7 =	simm.s32 @!p0 $0x108  }
0x21: {  	s3 =	sadd.s32 s3, s9;
	s6 =	sadd.s32 @!p0 $0x88, s6;
	s7 =	simm.s32 @p2 $0x1082  }
0x22: {  	[simem:s7], [sflag:s8] =	dma.local @!p0 [hbm:s6], $0xF7A  }
0x23: {  	s9 =	sor.u32 $0xD0000000, s2;
	s6 =	simm.s32 $0x108;
	_ =	swait.ge @!p0 [sflag:s8], $0x0  }
0x24: {  	s3 =	sadd.s32 $0x88, s3;
	s6 =	simm.s32 @!p1 $0x1082;
	[sflag:s4] =	ssyncset.s32 $0xFFFFF086  }
0x25: {  	[simem:s6], [sflag:s4] =	dma.local [hbm:s3], $0xF7A  }
0x26: {  	[smem:$0x3F98] =	sst s1;
	(tag) =	ssettag s2;
	_ =	strace s9  }
0x27: {  	s1 =	sld [smem:$0x3FA8]  }
0x28: {  	s2 =	sld [smem:$0x3FA9]  }
0x29: {  	s4 =	sld [smem:$0x3FAB]  }
0x2a: {  	p0 =	seq.s32 s5, $0x0;
	s5 =	sld [smem:$0x3FAC]  }
0x2b: {  	s6 =	sld [smem:$0x3FAD]  }
0x2c: {  	s7 =	sld [smem:$0x3FAE]  }
0x2d: {  	s3 =	simm.s32 $0x108;
	s8 =	sld [smem:$0x3FAF]  }
0x2e: {  	s3 =	simm.s32 @!p0 $0x1082;
	s9 =	sld [smem:$0x3FB0]  }
0x2f: {  	lr =	sadd.s32 s0, s3;
	s0 =	sld [smem:$0x3FA7]  }
0x30: {  	s3 =	sld [smem:$0x3FAA]  }
0x31: {  	[smem:$0x3FB3] =	sst s10  }
0x32: {  	s10 =	sld [smem:$0x3FB1];
	_ =	sdelay $0x3  }
0x33: {  	p0 =	seq.s32 s10, $0x1;
	s10 =	sld [smem:$0x3FB3];
	_ =	sdelay $0x3  }
0x34: {  	[smem:$0x3FB3] =	sst s10  }
0x35: {  	s10 =	sld [smem:$0x3FB2];
	_ =	sdelay $0x3  }
0x36: {  	p1 =	seq.s32 s10, $0x1;
	s10 =	sld [smem:$0x3FB3];
	_ =	sdelay $0x3  }
0x37: {  	[smem:$0x3FB3] =	sst s10  }
0x38: {  	s10 =	sld [smem:$0x3FB4]  }
0x39: {  	_ = 	snop;
	(pc) =	sbr.ind lr, $3  }
0x3a: {  	_ = 	snop  }
0x3b: {  	_ = 	snop  }
0x3c: {  	p2 =	seq.s32 s10, $0x1;
	s10 =	sld [smem:$0x3FB3]  }
0x3d: {  	_ =	shalt  }
0x3e: {  	_ =	shalt  }
0x3f: {  	_ =	shalt  }
0x40: {  	_ =	shalt  }
0x41: {  	_ =	shalt  }
0x42: {  	_ =	shalt  }
0x43: {  	_ =	shalt  }
0x44: {  	_ =	shalt  }
0x45: {  	_ =	shalt  }
0x46: {  	_ =	shalt  }
0x47: {  	_ =	shalt  }
0x48: {  	_ =	shalt  }
0x49: {  	_ =	shalt  }
0x4a: {  	_ =	shalt  }
0x4b: {  	_ =	shalt  }
0x4c: {  	_ =	shalt  }
0x4d: {  	_ =	shalt  }
0x4e: {  	_ =	shalt  }
0x4f: {  	_ =	shalt  }
0x50: {  	_ =	shalt  }
0x51: {  	_ =	shalt  }
0x52: {  	_ =	shalt  }
0x53: {  	_ =	shalt  }
0x54: {  	_ =	shalt  }
0x55: {  	_ =	shalt  }
0x56: {  	_ =	shalt  }
0x57: {  	_ =	shalt  }
0x58: {  	_ =	shalt  }
0x59: {  	_ =	shalt  }
0x5a: {  	_ =	shalt  }
0x5b: {  	_ =	shalt  }
0x5c: {  	_ =	shalt  }
0x5d: {  	_ =	shalt  }
0x5e: {  	_ =	shalt  }
0x5f: {  	_ =	shalt  }
0x60: {  	_ =	shalt  }
0x61: {  	_ =	shalt  }
0x62: {  	_ =	shalt  }
0x63: {  	_ =	shalt  }
0x64: {  	_ =	shalt  }
0x65: {  	_ =	shalt  }
0x66: {  	_ =	shalt  }
0x67: {  	_ =	shalt  }
0x68: {  	_ =	shalt  }
0x69: {  	_ =	shalt  }
0x6a: {  	_ =	shalt  }
0x6b: {  	_ =	shalt  }
0x6c: {  	_ =	shalt  }
0x6d: {  	_ =	shalt  }
0x6e: {  	_ =	shalt  }
0x6f: {  	_ =	shalt  }
0x70: {  	_ =	shalt  }
0x71: {  	_ =	shalt  }
0x72: {  	_ =	shalt  }
0x73: {  	_ =	shalt  }
0x74: {  	_ =	shalt  }
0x75: {  	_ =	shalt  }
0x76: {  	_ =	shalt  }
0x77: {  	_ =	shalt  }
0x78: {  	_ =	shalt  }
0x79: {  	_ =	shalt  }
0x7a: {  	_ =	shalt  }
0x7b: {  	_ =	shalt  }
0x7c: {  	_ =	shalt  }
0x7d: {  	_ =	shalt  }
0x7e: {  	_ =	shalt  }
0x7f: {  	_ =	shalt  }
0x80: {  	_ =	shalt  }
0x81: {  	_ =	shalt  }
0x82: {  	_ =	shalt  }
0x83: {  	_ =	shalt  }
0x84: {  	_ =	shalt  }
0x85: {  	_ =	shalt  }
0x86: {  	_ =	shalt  }
0x87: {  	_ =	shalt  }
.Lfunc_end0:
.L_simem_size_0:
called_computation.1_lowered:
.L_overlay_start_0:
0x88: {  	s2 =	sld [smem:$0x3FD9]  }
0x89: {  	s3 =	sld [smem:$0x3FFE];
	_ =	sdelay $0x1  }
0x8a: {  	s1 =	srdreg.scid  }
0x8b: {  	s0 =	sand.u32 $0x1, s1  }
0x8c: {  	s17 =	sshll.u32 s0, $0xA;
	s2 =	sadd.s32 s3, s2  }
0x8d: {  	s2 =	sadd.s32 s2, s17  }
0x8e: {  	[smem:$0x3FBF] =	sst s2  }
0x8f: {  	_ = 	snop  }
0x90: {  	s2 =	sld [smem:$0x3FD0];
	(tm) =	ssettm $0x1  }
0x91: {  	s18 =	sld [smem:$0x3FFB];
	_ =	sdelay $0x3  }
0x92: {  	_ =	strace s18  }
0x93: {  	s3 =	sld [smem:$0x3FFC];
	_ =	sdelay $0x3  }
0x94: {  	_ =	strace s3  }
0x95: {  	s3 =	sld [smem:$0x3FFD];
	_ =	sdelay $0x3  }
0x96: {  	_ =	strace s3  }
0x97: {  	_ =	strace $0x8FFFFFFF  }
0x98: {  	s19 =	sld [smem:$0x3FDB];
	_ =	sdelay $0x1  }
0x99: {  	s4 =	simm.s32 $_scs_section_size  }
0x9a: {  	s5 =	simm.s32 $_size__tile_overlayer_lowered;
	s6 =	simm.s32 $_tile_overlayer_lowered  }
0x9b: {  	s22 =	simm.s32 $0x1BFF;
	s21 =	sshll.u32 s6, $0x1;
	s3 =	sadd.s32 s4, s19  }
0x9c: {  	s7 =	simm.s32 $0x0;
	s20 =	sshll.u32 s5, $0x1;
	s5 =	sadd.s32 s21, s3  }
0x9d: {  	[timem:s7], [sflag:s22] =	dma.local [hbm:s5], s20  }
0x9e: {  	_ =	swait.ge [sflag:s22], s20  }
0x9f: {  	s4 =	ssub.s32 $0x0, s20;
	[sflag:s22] =	ssyncset.done $0x0  }
0xa0: {  	[sflag:s22] =	ssyncadd.s32 s4;
	_ =	sdelay $0x1  }
0xa1: {  	s23 =	simm.s32 $0x1B8B  }
0xa2: {  	_ =	swait.ge [sflag:s23], $0x1  }
0xa3: {  	[sflag:s23] =	ssyncset.done $0x0  }
0xa4: {  	s25 =	simm.s32 $0x1B8E;
	s24 =	sld [smem:$0x3FFE];
	[sflag:s23] =	ssyncadd.s32 $0xFFFFFFFF  }
0xa5: {  	s26 =	simm.s32 $execute0_lowered;
	[smem:$0x3FD2] =	sst s25  }
0xa6: {  	s5 =	sshll.u32 s26, $0x1;
	_ =	strace $0x80000049;
	[dreg:$0x1] =	wrdreg $0xFFFFFFFF  }
0xa7: {  	s28 =	simm.s32 $_size_execute0_lowered;
	s3 =	sadd.s32 s3, s5;
	[dreg:$0x0] =	wrdreg $0x0  }
0xa8: {  	s5 =	sshll.u32 s28, $0x1;
	[dreg:$0x2] =	wrdreg s3  }
0xa9: {  	[dreg:$0x3] =	wrdreg s5  }
0xaa: {  	[dreg:$0x4] =	wrdreg $0xC0  }
0xab: {  	_ =	task [dreg:s7], $0x5FFFF  }
0xac: {  	[dreg:$0x1] =	wrdreg $0xFFFFFFFF  }
0xad: {  	[dreg:$0x0] =	wrdreg $0x60  }
0xae: {  	[dreg:$0x2] =	wrdreg s2  }
0xaf: {  	[dreg:$0x3] =	wrdreg s24  }
0xb0: {  	[dreg:$0x4] =	wrdreg $0x143C00  }
0xb1: {  	[dreg:$0x5] =	wrdreg $0x9  }
0xb2: {  	_ =	task.clear_ibuf [dreg:s7], $0x6FFFF;
	_ =	strace $0x90000049  }
0xb3: {  	s29 =	simm.s32 $0x9;
	_ =	strace $0x8000004B  }
0xb4: {  	_ =	swait.ge [sflag:s29], $0x1  }
0xb5: {  	[sflag:s29] =	ssyncadd.s32 $0xFFFFFFFF  }
0xb6: {  	_ =	strace $0x9000004B  }
0xb7: {  	_ =	sfence  }
0xb8: {  	s30 =	sld [smem:$0x0];
	_ =	sdelay $0x2  }
0xb9: {  	s31 =	sshll.u32 s1, $0xD;
	s1 =	sshrl.u32 s1, $0x2  }
0xba: {  	s3 =	sand.u32 $0x4000, s31;
	s1 =	sadd.s32 s1, s30  }
0xbb: {  	s0 =	sor.u32 s3, s0;
	s1 =	sshll.u32 s1, $0x11  }
0xbc: {  	s0 =	sor.u32 s1, s0  }
0xbd: {  	s0 =	sadd.s32 $0x8F2B, s0  }
0xbe: {  	[sflag:s0] =	ssyncadd.remote.s32 $0x1  }
0xbf: {  	_ =	sfence.sel $0xFFFF  }
0xc0: {  	[dreg:$0x0] =	wrdreg $0xFFFFFFFF;
	(pc) =	sbr.abs _section_cstart, $3  }
0xc1: {  	[dreg:$0x1] =	wrdreg $0xFFFFFFFF  }
0xc2: {  	_ =	task.clear_ibuf [dreg:s7], $0x2FFFF;
	_ =	strace $0x9FFFFFFF  }
0xc3: {  	(tm) =	ssettm $0x7FFFFFFF  }
tec
execute0_lowered:
.L_overlay_start_1:
0x0: {  	(tag) =	ssettag $0x1  }
0x1: {  	s0 =	rddreg [dreg:$0x0]  }
0x2: {  	s1 =	rddreg [dreg:$0x1]  }
0x3: {  	s2 =	rddreg [dreg:$0x2];
	s24 =	stileid.u32;
	s3 =	simm.s32 $0x0  }
0x4: {  	s5 =	srdreg.scid;
	s28 =	simm.s32 $0x20;
	s4 =	smul.u32 $0x4E20, s24  }
0x5: {  	s31 =	simm.s32 $0x0;
	[smem:$0x7FF] =	sst s3;
	s6 =	smul.u32 $0x7D0, s24  }
0x6: {  	s23 =	sand.u32 $0x1, s5;
	s8 =	smul.u32 $0x27800, s24;
	s12 =	sadd.s32 $0x2800, s1  }
0x7: {  	s22 =	smul.u32 $0x9C00, s24;
	p0 =	sne.s32 s24, $0xF;
	_ =	strace $0x8000004A  }
0x8: {  	s5 =	ssub.s32 $0x2, s23;
	s11 =	smul.u32 $0x9C400, s23;
	p1 =	sne.s32 s23, $0x0  }
0x9: {  	s23 =	simm.s32 $0x80;
	s4 =	sshrl.u32 s4, $0x3;
	s6 =	sshrl.u32 s6, $0x3  }
0xa: {  	s7 =	sshrl.u32 s5, $0x1;
	s21 =	sshrl.u32 s8, $0x2;
	s30 =	sadd.s32 s22, s2  }
0xb: {  	s4 =	sadd.s32 s4, s1;
	s1 =	sadd.s32 s6, s1;
	s19 =	ssub.s32 s5, s7  }
0xc: {  	s6 =	sadd.s32 s21, s2;
	s13 =	sshrl.u32 s11, $0x3;
	s14 =	sadd.s32 s22, s11  }
0xd: {  	s21 =	simm.s32 $0x4E20;
	s22 =	simm.s32 $0x9C40;
	s24 =	sshrl.u32 s30, $0x3  }
0xe: {  	s20 =	sadd.s32 $0x42400, s4;
	s4 =	sadd.s32 $0x4C040, s4;
	s25 =	sadd.s32 $0x2000, s6  }
0xf: {  	s26 =	sadd.s32 $0x4000, s6;
	s9 =	sadd.s32 $0x6000, s6;
	s10 =	sadd.s32 $0x8000, s6  }
0x10: {  	s11 =	sadd.s32 s0, s13;
	s29 =	sshrl.u32 s14, $0x3;
	s13 =	sadd.s32 s12, s13  }
0x11: {  	s14 =	sadd.s32 $0x29A00, s1;
	s15 =	sadd.s32 $0x2A9A0, s1;
	[dreg:$0x4] =	wrdreg s20  }
0x12: {  	s16 =	sadd.s32 $0x2B940, s1;
	s17 =	sadd.s32 $0x2C8E0, s1;
	[dreg:$0x5] =	wrdreg s4  }
0x13: {  	s18 =	sadd.s32 $0x2D880, s1;
	s19 =	smax.u32 s19, $0x1;
	[dreg:$0x6] =	wrdreg s25  }
0x14: {  	s0 =	simm.s32 $0x11C40;
	s1 =	simm.s32 $0x1;
	[dreg:$0x7] =	wrdreg s26  }
0x15: {  	s12 =	sadd.s32 s12, s29;
	s13 =	sadd.s32 $0x13800, s13;
	s4 =	sadd.s32 $0x9C000, s2  }
0x16: {  	v0 =	vimm.f32 $0.0e+00;
	v1 =	vimm.f32 $1.000000000e+00;
	s20 =	simm.s32 $0x3;
	s26 =	simm.s32 $0x2;
	s25 =	sshrl.u32 @!p0 s4, $0x3  }
.LBB2_1:
0x17: {  	s4 =	rddreg [dreg:$0x4]  }
0x18: {  	[tilespmem:s3], [sflag:$0x3] =	stream.linear.gather [hbm4b:s4+s3], $0x4E20, $0x38;
	[tilespmem:$0x1E1C0] =	vst v63  }
0x19: {  	_ =	swait.ge [sflag:s20], $0x4E20  }
0x1a: {  	[sflag:s20] =	ssyncset.done $0x0  }
0x1b: {  	s7 =	rddreg [dreg:$0x5];
	[sflag:s20] =	ssyncadd.s32 $0xFFFFB1E0  }
0x1c: {  	[tilespmem:s21], [sflag:$0x3] =	stream.linear.gather [hbm4b:s7+s3], $0x4E20, $0x38;
	[tilespmem:$0x1E1C0] =	vst v63  }
0x1d: {  	s8 =	sand.u32 $0x7F00, s3;
	s29 =	sand.u32 $0x30, s3;
	_ =	swait.ge [sflag:s20], $0x4E20  }
0x1e: {  	s30 =	sshrl.u32 s8, $0x2;
	s4 =	simm.s32 $0x40;
	[sflag:s20] =	ssyncset.done $0x0  }
0x1f: {  	s30 =	sor.u32 s29, s30;
	s29 =	simm.s32 $0x0;
	[sflag:s20] =	ssyncadd.s32 $0xFFFFB1E0  }
.LBB2_2:
0x20: {  	p2 =	sne.s32 s4, $0x7FC0  }
0x21: {  	[tilespmem:s30+$0x9C40] =	vst v0;
	s29 =	sadd.s32 $0x10, s29;
	s30 =	smov.u32 s4;
	s4 =	sadd.s32 $0x40, s4  }
.Ltmp0:
0x22: {  	(pc) =	sbr.rel @p2 .LBB2_2-.Ltmp0, $4  }
0x23: {  	_ = 	snop  }
0x24: {  	s30 =	sand.u32 $0x7F00, s30  }
0x25: {  	s5 =	sand.u32 $0x30, s29;
	s30 =	sshrl.u32 s30, $0x2  }
0x26: {  	s30 =	sor.u32 s5, s30  }
0x27: {  	[tilespmem:s30+$0x9C40] =	vst v0  }
0x28: {  	[spmem:s6] =	stream.linear.scatter [tilespmem:s22], [sflag:$0x3], $0x2000, $0x38;
	[tilespmem:$0x1E1C0] =	vst v63  }
0x29: {  	_ =	swait.ge [sflag:s20], $0x2000  }
0x2a: {  	[sflag:s20] =	ssyncset.done $0x0  }
0x2b: {  	s4 =	rddreg [dreg:$0x6];
	[sflag:s20] =	ssyncadd.s32 $0xFFFFE000  }
0x2c: {  	[spmem:s4] =	stream.linear.scatter [tilespmem:s22], [sflag:$0x3], $0x2000, $0x38;
	[tilespmem:$0x1E1C0] =	vst v63  }
0x2d: {  	_ =	swait.ge [sflag:s20], $0x2000  }
0x2e: {  	[sflag:s20] =	ssyncset.done $0x0  }
0x2f: {  	s5 =	rddreg [dreg:$0x7];
	[sflag:s20] =	ssyncadd.s32 $0xFFFFE000  }
0x30: {  	[spmem:s5] =	stream.linear.scatter [tilespmem:s22], [sflag:$0x3], $0x2000, $0x38;
	[tilespmem:$0x1E1C0] =	vst v63  }
0x31: {  	_ =	swait.ge [sflag:s20], $0x2000  }
0x32: {  	[sflag:s20] =	ssyncset.done $0x0  }
0x33: {  	[sflag:s20] =	ssyncadd.s32 $0xFFFFE000  }
0x34: {  	[spmem:s9] =	stream.linear.scatter [tilespmem:s22], [sflag:$0x3], $0x2000, $0x38;
	[tilespmem:$0x1E1C0] =	vst v63  }
0x35: {  	_ =	swait.ge [sflag:s20], $0x2000  }
0x36: {  	[sflag:s20] =	ssyncset.done $0x0  }
0x37: {  	[sflag:s20] =	ssyncadd.s32 $0xFFFFE000  }
0x38: {  	[spmem:s10] =	stream.linear.scatter [tilespmem:s22], [sflag:$0x3], $0x1E00, $0x38;
	[tilespmem:$0x1E1C0] =	vst v63  }
0x39: {  	_ =	swait.ge [sflag:s20], $0x1E00  }
0x3a: {  	[sflag:s20] =	ssyncset.done $0x0  }
0x3b: {  	[sflag:s20] =	ssyncadd.s32 $0xFFFFE200  }
0x3c: {  	s7 =	simm.s32 $0x0;
	[bflag:$0x0] =	sbarrier.arrive $0xFFFF  }
0x3d: {  	[tilespmem:s22], [sflag:$0x1] =	stream.indirect.gather [hbm4b:s11+s23], $0x40, s7, s23, $0xb8;
	[tilespmem:$0x1E1C0] =	vst v63  }
0x3e: {  	s8 =	simm.s32 $0xBC40;
	s30 =	simm.s32 $0x100  }
0x3f: {  	[tilespmem:s8], [sflag:$0x1] =	stream.indirect.gather [hbm4b:s11+s23], $0x40, s23, s23, $0xb8;
	[tilespmem:$0x1E1C0] =	vst v63  }
0x40: {  	s29 =	simm.s32 $0x0;
	s4 =	simm.s32 $0x40;
	s5 =	simm.s32 $0xDC40  }
0x41: {  	[tilespmem:s5], [sflag:$0x1] =	stream.indirect.gather [hbm4b:s11+s23], $0x40, s30, s23, $0xb8;
	[tilespmem:$0x1E1C0] =	vst v63  }
.LBB2_4:
0x42: {  	p2 =	sne.s32 s4, $0x9DC0;
	[tilespmem:s29+$0x11C40] =	vst v0;
	s5 =	smov.u32 s4;
	s4 =	sadd.s32 $0x40, s4  }
.Ltmp1:
0x43: {  	(pc) =	sbr.rel @p2 .LBB2_4-.Ltmp1, $2  }
0x44: {  	_ =	sdelay $0x2  }
0x45: {  	s29 =	sshra.s32 s5, $0x2  }
0x46: {  	[tilespmem:s29+$0x11C40] =	vst v0;
	s29 =	simm.s32 $0x1  }
0x47: {  	_ =	swait.ge [sflag:s29], $0x2000  }
0x48: {  	[sflag:s29] =	ssyncset.done $0x0  }
0x49: {  	s4 =	simm.s32 $0x180;
	s5 =	simm.s32 $0xFC40;
	[sflag:s29] =	ssyncadd.s32 $0xFFFFE000  }
0x4a: {  	[tilespmem:s5], [sflag:$0x1] =	stream.indirect.gather [hbm4b:s11+s23], $0x40, s4, s23, $0xb8;
	[tilespmem:$0x1E1C0] =	vst v63  }
0x4b: {  	_ = 	snop  }
0x4c: {  	[spmem:s2] =	stream.indirect.scatter.add.f32 [tilespmem:s22], [sflag:$0x2], $0x40, s21, s23, $0xb8;
	[tilespmem:$0x1E1C0] =	vst v63  }
0x4d: {  	v2 =	vld [tilespmem:$0x4E20];
	_ =	sdelay $0x7  }
0x4e: {  	[tilespmem:v2+s0+$0x0] =	vst.idx.add.f32.msk $0xffff, v1  }
0x4f: {  	v2 =	vld [tilespmem:$0x4E30];
	_ =	sdelay $0x7  }
0x50: {  	[tilespmem:v2+s0+$0x0] =	vst.idx.add.f32.msk $0xffff, v1  }
0x51: {  	v2 =	vld [tilespmem:$0x4E40];
	_ =	sdelay $0x7  }
0x52: {  	[tilespmem:v2+s0+$0x0] =	vst.idx.add.f32.msk $0xffff, v1  }
0x53: {  	v2 =	vld [tilespmem:$0x4E50];
	_ =	sdelay $0x7  }
0x54: {  	[tilespmem:v2+s0+$0x0] =	vst.idx.add.f32.msk $0xffff, v1  }
0x55: {  	v2 =	vld [tilespmem:$0x4E60];
	_ =	sdelay $0x7  }
0x56: {  	[tilespmem:v2+s0+$0x0] =	vst.idx.add.f32.msk $0xffff, v1  }
0x57: {  	v2 =	vld [tilespmem:$0x4E70];
	_ =	sdelay $0x7  }
0x58: {  	[tilespmem:v2+s0+$0x0] =	vst.idx.add.f32.msk $0xffff, v1  }
0x59: {  	v2 =	vld [tilespmem:$0x4E80];
	_ =	sdelay $0x7  }
0x5a: {  	[tilespmem:v2+s0+$0x0] =	vst.idx.add.f32.msk $0xffff, v1  }
0x5b: {  	v2 =	vld [tilespmem:$0x4E90];
	_ =	sdelay $0x7  }
0x5c: {  	s30 =	simm.s32 $0x0;
	s4 =	simm.s32 $0x20000;
	[tilespmem:v2+s0+$0x0] =	vst.idx.add.f32.msk $0xffff, v1  }
.LBB2_6:
0x5d: {  	_ =	swait.ge [sflag:s1], $0x2000  }
0x5e: {  	[sflag:s1] =	ssyncset.done $0x0  }
0x5f: {  	p2 =	sgt.u32 s29, $0x98;
	[sflag:s1] =	ssyncadd.s32 $0xFFFFE000  }
0x60: {  	s5 =	sand.u32 @!p2 $0x18000, s4;
	s7 =	sshra.s32 @!p2 s30, $0x2;
	_ =	swait.ge [sflag:s26], $0x2000  }
0x61: {  	s8 =	simm.s32 @!p2 $0x80;
	s5 =	sshrl.u32 @!p2 s5, $0x2;
	[sflag:s26] =	ssyncset.done $0x0  }
0x62: {  	s7 =	sadd.s32 @!p2 $0x200, s7;
	s5 =	sor.u32 @!p2 $0x9C40, s5;
	[sflag:s26] =	ssyncadd.s32 $0xFFFFE000  }
0x63: {  	[tilespmem:s5], [sflag:$0x1] =	stream.indirect.gather @!p2 [hbm4b:s11+s8], $0x40, s7, s8, $0xb8;
	[tilespmem:$0x1E1C0] =	vst v63  }
0x64: {  	s8 =	sadd.s32 $0xFFFE8000, s4  }
0x65: {  	s5 =	sand.u32 $0x18000, s8  }
0x66: {  	s7 =	sshra.s32 s30, $0x2;
	s5 =	sshrl.u32 s5, $0x2  }
0x67: {  	s8 =	sadd.s32 $0x4EA0, s7;
	s5 =	sor.u32 $0x9C40, s5  }
0x68: {  	[spmem:s2] =	stream.indirect.scatter.add.f32 [tilespmem:s5], [sflag:$0x2], $0x40, s8, s23, $0xb8;
	[tilespmem:$0x1E1C0] =	vst v63  }
0x69: {  	v2 =	vld [tilespmem:s7+$0x4EA0];
	_ =	sdelay $0x7  }
0x6a: {  	[tilespmem:v2+s0+$0x0] =	vst.idx.add.f32.msk $0xffff, v1  }
0x6b: {  	v2 =	vld [tilespmem:s7+$0x4EB0];
	_ =	sdelay $0x7  }
0x6c: {  	[tilespmem:v2+s0+$0x0] =	vst.idx.add.f32.msk $0xffff, v1  }
0x6d: {  	v2 =	vld [tilespmem:s7+$0x4EC0];
	_ =	sdelay $0x7  }
0x6e: {  	[tilespmem:v2+s0+$0x0] =	vst.idx.add.f32.msk $0xffff, v1  }
0x6f: {  	v2 =	vld [tilespmem:s7+$0x4ED0];
	_ =	sdelay $0x7  }
0x70: {  	[tilespmem:v2+s0+$0x0] =	vst.idx.add.f32.msk $0xffff, v1  }
0x71: {  	v2 =	vld [tilespmem:s7+$0x4EE0];
	_ =	sdelay $0x7  }
0x72: {  	[tilespmem:v2+s0+$0x0] =	vst.idx.add.f32.msk $0xffff, v1  }
0x73: {  	v2 =	vld [tilespmem:s7+$0x4EF0];
	_ =	sdelay $0x7  }
0x74: {  	[tilespmem:v2+s0+$0x0] =	vst.idx.add.f32.msk $0xffff, v1  }
0x75: {  	v2 =	vld [tilespmem:s7+$0x4F00];
	_ =	sdelay $0x7  }
0x76: {  	[tilespmem:v2+s0+$0x0] =	vst.idx.add.f32.msk $0xffff, v1  }
0x77: {  	v2 =	vld [tilespmem:s7+$0x4F10];
	_ =	sdelay $0x1  }
0x78: {  	s30 =	sadd.s32 $0x200, s30  }
0x79: {  	p2 =	sne.s32 s30, $0x13600  }
.Ltmp2:
0x7a: {  	_ = 	snop;
	(pc) =	sbr.rel @p2 .LBB2_6-.Ltmp2, $2  }
0x7b: {  	_ =	sdelay $0x2  }
0x7c: {  	s29 =	sadd.s32 $0x1, s29;
	s4 =	sadd.s32 $0x8000, s4;
	[tilespmem:v2+s0+$0x0] =	vst.idx.add.f32.msk $0xffff, v1  }
0x7d: {  	_ =	swait.ge [sflag:s26], $0x2000  }
0x7e: {  	[sflag:s26] =	ssyncset.done $0x0  }
0x7f: {  	s4 =	simm.s32 $0x4E00;
	[sflag:s26] =	ssyncadd.s32 $0xFFFFE000  }
0x80: {  	[tilespmem:s22], [sflag:$0x1] =	stream.indirect.gather [hbm4b:s11+s28], $0x40, s4, s28, $0xb8;
	[tilespmem:$0x1E1C0] =	vst v63  }
0x81: {  	_ =	swait.ge [sflag:s1], $0x800  }
0x82: {  	[sflag:s1] =	ssyncset.done $0x0  }
0x83: {  	s29 =	simm.s32 $0x9C20;
	[sflag:s1] =	ssyncadd.s32 $0xFFFFF800  }
0x84: {  	[spmem:s2] =	stream.indirect.scatter.add.f32 [tilespmem:s22], [sflag:$0x2], $0x40, s29, s28, $0xb8;
	[tilespmem:$0x1E1C0] =	vst v63  }
0x85: {  	_ =	swait.ge [sflag:s26], $0x800  }
0x86: {  	[sflag:s26] =	ssyncset.done $0x0  }
0x87: {  	[sflag:s26] =	ssyncadd.s32 $0xFFFFF800  }
0x88: {  	v2 =	vld [tilespmem:$0x9C20];
	_ =	sdelay $0x7  }
0x89: {  	[tilespmem:v2+s0+$0x0] =	vst.idx.add.f32.msk $0xffff, v1  }
0x8a: {  	v2 =	vld [tilespmem:$0x9C30];
	_ =	sdelay $0x6  }
0x8b: {  	s30 =	stileid.u32  }
0x8c: {  	s4 =	sshll.u32 s30, $0x6;
	[tilespmem:v2+s0+$0x0] =	vst.idx.add.f32.msk $0xffff, v1  }
0x8d: {  	s4 =	sor.u32 $0x1C03, s4;
	[bflag:$0x0] =	sbarrier.arrive $0xFFFF  }
0x8e: {  	[hbm:s12], [sflag:s4] =	dma.local [spmem:s24], $0x1380  }
0x8f: {  	_ =	swait.ge [sflag:s20], $0x1380  }
0x90: {  	[sflag:s20] =	ssyncset.done $0x0  }
0x91: {  	[sflag:s20] =	ssyncadd.s32 $0xFFFFEC80  }
0x92: {  	[hbm:s13], [sflag:s4] =	dma.local @!p0 [spmem:s25], $0x80  }
0x93: {  	s4 =	simm.s32 @!p0 $0x3  }
0x94: {  	_ =	swait.ge @!p0 [sflag:s4], $0x80  }
0x95: {  	[sflag:s4] =	ssyncset.done @!p0 $0x0  }
0x96: {  	s5 =	simm.s32 @!p1 $0x11C40;
	[sflag:s4] =	ssyncadd.s32 @!p0 $0xFFFFFF80;
	s4 =	simm.s32 @!p1 $0x0  }
0x97: {  	[hbm4b:s14+s4] =	stream.linear.scatter @!p1 [tilespmem:s5], [sflag:$0x3], $0x7D0, $0x38;
	[tilespmem:$0x1E1C0] =	vst v63  }
0x98: {  	s5 =	simm.s32 @!p1 $0x3  }
0x99: {  	_ =	swait.ge @!p1 [sflag:s5], $0x7D0  }
0x9a: {  	[sflag:s5] =	ssyncset.done @!p1 $0x0  }
0x9b: {  	s7 =	simm.s32 @!p1 $0x12410;
	[sflag:s5] =	ssyncadd.s32 @!p1 $0xFFFFF830  }
0x9c: {  	[hbm4b:s15+s4] =	stream.linear.scatter @!p1 [tilespmem:s7], [sflag:$0x3], $0x7D0, $0x38;
	[tilespmem:$0x1E1C0] =	vst v63  }
0x9d: {  	_ =	swait.ge @!p1 [sflag:s5], $0x7D0  }
0x9e: {  	[sflag:s5] =	ssyncset.done @!p1 $0x0  }
0x9f: {  	s7 =	simm.s32 @!p1 $0x12BE0;
	[sflag:s5] =	ssyncadd.s32 @!p1 $0xFFFFF830  }
0xa0: {  	[hbm4b:s16+s4] =	stream.linear.scatter @!p1 [tilespmem:s7], [sflag:$0x3], $0x7D0, $0x38;
	[tilespmem:$0x1E1C0] =	vst v63  }
0xa1: {  	_ =	swait.ge @!p1 [sflag:s5], $0x7D0  }
0xa2: {  	[sflag:s5] =	ssyncset.done @!p1 $0x0  }
0xa3: {  	s7 =	simm.s32 @!p1 $0x133B0;
	[sflag:s5] =	ssyncadd.s32 @!p1 $0xFFFFF830  }
0xa4: {  	[hbm4b:s17+s4] =	stream.linear.scatter @!p1 [tilespmem:s7], [sflag:$0x3], $0x7D0, $0x38;
	[tilespmem:$0x1E1C0] =	vst v63  }
0xa5: {  	s31 =	sadd.s32 $0x1, s31;
	_ =	swait.ge @!p1 [sflag:s5], $0x7D0  }
0xa6: {  	p2 =	sne.s32 s31, s19;
	[sflag:s5] =	ssyncset.done @!p1 $0x0  }
.Ltmp3:
0xa7: {  	s7 =	simm.s32 @!p1 $0x13B80;
	[sflag:s5] =	ssyncadd.s32 @!p1 $0xFFFFF830;
	(pc) =	sbr.rel @p2 .LBB2_1-.Ltmp3, $4  }
0xa8: {  	[hbm4b:s18+s4] =	stream.linear.scatter @!p1 [tilespmem:s7], [sflag:$0x3], $0x7D0, $0x38;
	[tilespmem:$0x1E1C0] =	vst v63  }
0xa9: {  	_ =	swait.ge @!p1 [sflag:s5], $0x7D0  }
0xaa: {  	[sflag:s5] =	ssyncset.done @!p1 $0x0  }
0xab: {  	[sflag:s5] =	ssyncadd.s32 @!p1 $0xFFFFF830  }
0xac: {  	_ =	sfence.sel $0x180000  }
0xad: {  	[bflag:$0x0] =	sbarrier.arrive $0xFFFF  }
0xae: {  	_ =	strace $0x9000004A  }
0xaf: {  	s0 =	stileid.u32;
	[bflag:$0x2] =	sbarrier.arrive $0xFFFF  }
0xb0: {  	p0 =	sne.s32 s0, $0x0;
	s0 =	rddreg [dreg:$0x3]  }
0xb1: {  	s0 =	sadd.s32 @!p0 $0x100000, s0  }
0xb2: {  	[sflag:s0] =	ssyncadd.tile.s32 @!p0 $0x1;
	_ =	shalt  }
.Lfunc_end2:
_tile_overlayer_lowered:
.L_overlay_start_2:
0xb3: {  	(tag) =	ssettag $0x2  }
0xb4: {  	s0 =	rddreg [dreg:$0x0];
	s2 =	stileid.u32  }
0xb5: {  	s1 =	rddreg [dreg:$0x1];
	p0 =	sne.s32 s2, $0x0  }
0xb6: {  	s3 =	rddreg [dreg:$0x2];
	[bflag:$0x3] =	sbarrier.arrive $0xFFFF;
	s2 =	simm.s32 @!p0 $0x1C03  }
0xb7: {  	[timem:s3], [sflag:s2] =	dma.local @!p0 [hbm:s0], s1  }
0xb8: {  	s0 =	simm.s32 @!p0 $0x3  }
0xb9: {  	_ =	swait.ge @!p0 [sflag:s0], s1  }
0xba: {  	s1 =	ssub.s32 @!p0 $0x0, s1;
	[sflag:s0] =	ssyncset.done @!p0 $0x0  }
0xbb: {  	[sflag:s0] =	ssyncadd.s32 @!p0 s1  }
0xbc: {  	[bflag:$0x3] =	sbarrier.arrive $0xFFFF  }
0xbd: {  	_ =	shalt  }

// kernel: kernel.7.cloned.1.call-start
scs
__scs_entry_jumppad:
0x0: {  	(pc) =	sbr.rel $0x88, $3  }
0x1: {  	(tag) =	ssettag $0x0;
	lr =	simm.s32 $0x1  }
0x2: {  	[smem:$0x3F98] =	sst lr;
	_ =	strace $0xD0000000  }
0x3: {  	_ = 	snop  }
0x4: {  	_ = 	snop  }
0x5: {  	_ = 	snop  }
0x6: {  	_ = 	snop  }
0x7: {  	_ = 	snop  }
__scs_overlays_trampoline_lowered:
0x8: {  	[smem:$0x3FA7] =	sst s0  }
0x9: {  	[smem:$0x3FA8] =	sst s1  }
0xa: {  	[smem:$0x3FA9] =	sst s2  }
0xb: {  	[smem:$0x3FAA] =	sst s3  }
0xc: {  	[smem:$0x3FAB] =	sst s4  }
0xd: {  	[smem:$0x3FAC] =	sst s5  }
0xe: {  	[smem:$0x3FAD] =	sst s6  }
0xf: {  	[smem:$0x3FAE] =	sst s7  }
0x10: {  	[smem:$0x3FAF] =	sst s8  }
0x11: {  	[smem:$0x3FB0] =	sst s9;
	s0 =	simm.s32 @!p0 $0x0  }
0x12: {  	s1 =	sld [smem:$0x3F96];
	s0 =	simm.s32 @p0 $0x1  }
0x13: {  	[smem:$0x3FB1] =	sst s0;
	s0 =	simm.s32 @!p1 $0x0  }
0x14: {  	s2 =	sld [smem:$0x3F95];
	s0 =	simm.s32 @p1 $0x1  }
0x15: {  	[smem:$0x3FB2] =	sst s0;
	s0 =	simm.s32 @!p2 $0x0  }
0x16: {  	s3 =	sld [smem:$0x3FDB];
	s0 =	simm.s32 @p2 $0x1  }
0x17: {  	s4 =	simm.s32 $0x1BF5;
	[smem:$0x3FB4] =	sst s0  }
0x18: {  	s0 =	sld [smem:$0x3F97];
	_ =	swait.ge [sflag:s4], $0x0  }
0x19: {  	s7 =	sld [smem:$0x3F98]  }
0x1a: {  	s8 =	sadd.s32 $0xFFFFE003, lr  }
0x1b: {  	s9 =	sadd.s32 $0xFFFFFEF7, lr;
	s5 =	simm.s32 $0xFFFFFFFF;
	p2 =	slt.u32 s8, $0xFFFFF086  }
0x1c: {  	p1 =	slt.u32 s9, $0xF7A;
	s5 =	simm.s32 @!p2 $0x0  }
0x1d: {  	s5 =	simm.s32 @p1 $0x1;
	p0 =	seq.s32 s7, s2  }
0x1e: {  	s7 =	smul.u32 @!p0 $0xF7A, s2;
	p2 =	seq.s32 @!p0 s5, $0x0  }
0x1f: {  	s9 =	smul.u32 $0xF7A, s1;
	s8 =	simm.s32 @!p0 $0x1BF5;
	p2 =	por !p2, p0  }
0x20: {  	[sflag:s8] =	ssyncset.s32 @!p0 $0xFFFFF086;
	s6 =	sadd.s32 @!p0 s3, s7;
	s7 =	simm.s32 @!p0 $0x108  }
0x21: {  	s3 =	sadd.s32 s3, s9;
	s6 =	sadd.s32 @!p0 $0x88, s6;
	s7 =	simm.s32 @p2 $0x1082  }
0x22: {  	[simem:s7], [sflag:s8] =	dma.local @!p0 [hbm:s6], $0xF7A  }
0x23: {  	s9 =	sor.u32 $0xD0000000, s2;
	s6 =	simm.s32 $0x108;
	_ =	swait.ge @!p0 [sflag:s8], $0x0  }
0x24: {  	s3 =	sadd.s32 $0x88, s3;
	s6 =	simm.s32 @!p1 $0x1082;
	[sflag:s4] =	ssyncset.s32 $0xFFFFF086  }
0x25: {  	[simem:s6], [sflag:s4] =	dma.local [hbm:s3], $0xF7A  }
0x26: {  	[smem:$0x3F98] =	sst s1;
	(tag) =	ssettag s2;
	_ =	strace s9  }
0x27: {  	s1 =	sld [smem:$0x3FA8]  }
0x28: {  	s2 =	sld [smem:$0x3FA9]  }
0x29: {  	s4 =	sld [smem:$0x3FAB]  }
0x2a: {  	p0 =	seq.s32 s5, $0x0;
	s5 =	sld [smem:$0x3FAC]  }
0x2b: {  	s6 =	sld [smem:$0x3FAD]  }
0x2c: {  	s7 =	sld [smem:$0x3FAE]  }
0x2d: {  	s3 =	simm.s32 $0x108;
	s8 =	sld [smem:$0x3FAF]  }
0x2e: {  	s3 =	simm.s32 @!p0 $0x1082;
	s9 =	sld [smem:$0x3FB0]  }
0x2f: {  	lr =	sadd.s32 s0, s3;
	s0 =	sld [smem:$0x3FA7]  }
0x30: {  	s3 =	sld [smem:$0x3FAA]  }
0x31: {  	[smem:$0x3FB3] =	sst s10  }
0x32: {  	s10 =	sld [smem:$0x3FB1];
	_ =	sdelay $0x3  }
0x33: {  	p0 =	seq.s32 s10, $0x1;
	s10 =	sld [smem:$0x3FB3];
	_ =	sdelay $0x3  }
0x34: {  	[smem:$0x3FB3] =	sst s10  }
0x35: {  	s10 =	sld [smem:$0x3FB2];
	_ =	sdelay $0x3  }
0x36: {  	p1 =	seq.s32 s10, $0x1;
	s10 =	sld [smem:$0x3FB3];
	_ =	sdelay $0x3  }
0x37: {  	[smem:$0x3FB3] =	sst s10  }
0x38: {  	s10 =	sld [smem:$0x3FB4]  }
0x39: {  	_ = 	snop;
	(pc) =	sbr.ind lr, $3  }
0x3a: {  	_ = 	snop  }
0x3b: {  	_ = 	snop  }
0x3c: {  	p2 =	seq.s32 s10, $0x1;
	s10 =	sld [smem:$0x3FB3]  }
0x3d: {  	_ =	shalt  }
0x3e: {  	_ =	shalt  }
0x3f: {  	_ =	shalt  }
0x40: {  	_ =	shalt  }
0x41: {  	_ =	shalt  }
0x42: {  	_ =	shalt  }
0x43: {  	_ =	shalt  }
0x44: {  	_ =	shalt  }
0x45: {  	_ =	shalt  }
0x46: {  	_ =	shalt  }
0x47: {  	_ =	shalt  }
0x48: {  	_ =	shalt  }
0x49: {  	_ =	shalt  }
0x4a: {  	_ =	shalt  }
0x4b: {  	_ =	shalt  }
0x4c: {  	_ =	shalt  }
0x4d: {  	_ =	shalt  }
0x4e: {  	_ =	shalt  }
0x4f: {  	_ =	shalt  }
0x50: {  	_ =	shalt  }
0x51: {  	_ =	shalt  }
0x52: {  	_ =	shalt  }
0x53: {  	_ =	shalt  }
0x54: {  	_ =	shalt  }
0x55: {  	_ =	shalt  }
0x56: {  	_ =	shalt  }
0x57: {  	_ =	shalt  }
0x58: {  	_ =	shalt  }
0x59: {  	_ =	shalt  }
0x5a: {  	_ =	shalt  }
0x5b: {  	_ =	shalt  }
0x5c: {  	_ =	shalt  }
0x5d: {  	_ =	shalt  }
0x5e: {  	_ =	shalt  }
0x5f: {  	_ =	shalt  }
0x60: {  	_ =	shalt  }
0x61: {  	_ =	shalt  }
0x62: {  	_ =	shalt  }
0x63: {  	_ =	shalt  }
0x64: {  	_ =	shalt  }
0x65: {  	_ =	shalt  }
0x66: {  	_ =	shalt  }
0x67: {  	_ =	shalt  }
0x68: {  	_ =	shalt  }
0x69: {  	_ =	shalt  }
0x6a: {  	_ =	shalt  }
0x6b: {  	_ =	shalt  }
0x6c: {  	_ =	shalt  }
0x6d: {  	_ =	shalt  }
0x6e: {  	_ =	shalt  }
0x6f: {  	_ =	shalt  }
0x70: {  	_ =	shalt  }
0x71: {  	_ =	shalt  }
0x72: {  	_ =	shalt  }
0x73: {  	_ =	shalt  }
0x74: {  	_ =	shalt  }
0x75: {  	_ =	shalt  }
0x76: {  	_ =	shalt  }
0x77: {  	_ =	shalt  }
0x78: {  	_ =	shalt  }
0x79: {  	_ =	shalt  }
0x7a: {  	_ =	shalt  }
0x7b: {  	_ =	shalt  }
0x7c: {  	_ =	shalt  }
0x7d: {  	_ =	shalt  }
0x7e: {  	_ =	shalt  }
0x7f: {  	_ =	shalt  }
0x80: {  	_ =	shalt  }
0x81: {  	_ =	shalt  }
0x82: {  	_ =	shalt  }
0x83: {  	_ =	shalt  }
0x84: {  	_ =	shalt  }
0x85: {  	_ =	shalt  }
0x86: {  	_ =	shalt  }
0x87: {  	_ =	shalt  }
.Lfunc_end0:
.L_simem_size_0:
called_computation_lowered:
.L_overlay_start_0:
0x88: {  	s2 =	sld [smem:$0x3FD9]  }
0x89: {  	s3 =	sld [smem:$0x3FFE];
	_ =	sdelay $0x1  }
0x8a: {  	s1 =	srdreg.scid  }
0x8b: {  	s0 =	sand.u32 $0x1, s1  }
0x8c: {  	s17 =	sshll.u32 s0, $0xA;
	s2 =	sadd.s32 s3, s2  }
0x8d: {  	s2 =	sadd.s32 s2, s17  }
0x8e: {  	[smem:$0x3FBF] =	sst s2  }
0x8f: {  	_ = 	snop  }
0x90: {  	s2 =	sld [smem:$0x3FD0];
	(tm) =	ssettm $0x1  }
0x91: {  	s18 =	sld [smem:$0x3FFB];
	_ =	sdelay $0x3  }
0x92: {  	_ =	strace s18  }
0x93: {  	s3 =	sld [smem:$0x3FFC];
	_ =	sdelay $0x3  }
0x94: {  	_ =	strace s3  }
0x95: {  	s3 =	sld [smem:$0x3FFD];
	_ =	sdelay $0x3  }
0x96: {  	_ =	strace s3  }
0x97: {  	_ =	strace $0x8FFFFFFF  }
0x98: {  	s19 =	sld [smem:$0x3FDB];
	_ =	sdelay $0x1  }
0x99: {  	s4 =	simm.s32 $_scs_section_size  }
0x9a: {  	s5 =	simm.s32 $_size__tile_overlayer_lowered;
	s6 =	simm.s32 $_tile_overlayer_lowered  }
0x9b: {  	s22 =	simm.s32 $0x1BFF;
	s21 =	sshll.u32 s6, $0x1;
	s3 =	sadd.s32 s4, s19  }
0x9c: {  	s7 =	simm.s32 $0x0;
	s20 =	sshll.u32 s5, $0x1;
	s5 =	sadd.s32 s21, s3  }
0x9d: {  	[timem:s7], [sflag:s22] =	dma.local [hbm:s5], s20  }
0x9e: {  	_ =	swait.ge [sflag:s22], s20  }
0x9f: {  	s4 =	ssub.s32 $0x0, s20;
	[sflag:s22] =	ssyncset.done $0x0  }
0xa0: {  	[sflag:s22] =	ssyncadd.s32 s4;
	_ =	sdelay $0x1  }
0xa1: {  	s23 =	simm.s32 $0x1B8B  }
0xa2: {  	_ =	swait.ge [sflag:s23], $0x1  }
0xa3: {  	[sflag:s23] =	ssyncset.done $0x0  }
0xa4: {  	s25 =	simm.s32 $0x1B8E;
	s24 =	sld [smem:$0x3FFE];
	[sflag:s23] =	ssyncadd.s32 $0xFFFFFFFF  }
0xa5: {  	s26 =	simm.s32 $execute0_lowered;
	[smem:$0x3FD2] =	sst s25  }
0xa6: {  	s5 =	sshll.u32 s26, $0x1;
	_ =	strace $0x80000046;
	[dreg:$0x1] =	wrdreg $0xFFFFFFFF  }
0xa7: {  	s28 =	simm.s32 $_size_execute0_lowered;
	s3 =	sadd.s32 s3, s5;
	[dreg:$0x0] =	wrdreg $0x0  }
0xa8: {  	s5 =	sshll.u32 s28, $0x1;
	[dreg:$0x2] =	wrdreg s3  }
0xa9: {  	[dreg:$0x3] =	wrdreg s5  }
0xaa: {  	[dreg:$0x4] =	wrdreg $0xC0  }
0xab: {  	_ =	task [dreg:s7], $0x5FFFF  }
0xac: {  	[dreg:$0x1] =	wrdreg $0xFFFFFFFF  }
0xad: {  	[dreg:$0x0] =	wrdreg $0x60  }
0xae: {  	[dreg:$0x2] =	wrdreg s2  }
0xaf: {  	[dreg:$0x3] =	wrdreg s24  }
0xb0: {  	[dreg:$0x4] =	wrdreg $0x143C00  }
0xb1: {  	[dreg:$0x5] =	wrdreg $0x9  }
0xb2: {  	_ =	task.clear_ibuf [dreg:s7], $0x6FFFF;
	_ =	strace $0x90000046  }
0xb3: {  	s29 =	simm.s32 $0x9;
	_ =	strace $0x80000048  }
0xb4: {  	_ =	swait.ge [sflag:s29], $0x1  }
0xb5: {  	[sflag:s29] =	ssyncadd.s32 $0xFFFFFFFF  }
0xb6: {  	_ =	strace $0x90000048  }
0xb7: {  	_ =	sfence  }
0xb8: {  	s30 =	sld [smem:$0x0];
	_ =	sdelay $0x2  }
0xb9: {  	s31 =	sshll.u32 s1, $0xD;
	s1 =	sshrl.u32 s1, $0x2  }
0xba: {  	s3 =	sand.u32 $0x4000, s31;
	s1 =	sadd.s32 s1, s30  }
0xbb: {  	s0 =	sor.u32 s3, s0;
	s1 =	sshll.u32 s1, $0x11  }
0xbc: {  	s0 =	sor.u32 s1, s0  }
0xbd: {  	s0 =	sadd.s32 $0x8F2B, s0  }
0xbe: {  	[sflag:s0] =	ssyncadd.remote.s32 $0x1  }
0xbf: {  	_ =	sfence.sel $0xFFFF  }
0xc0: {  	[dreg:$0x0] =	wrdreg $0xFFFFFFFF;
	(pc) =	sbr.abs _section_cstart, $3  }
0xc1: {  	[dreg:$0x1] =	wrdreg $0xFFFFFFFF  }
0xc2: {  	_ =	task.clear_ibuf [dreg:s7], $0x2FFFF;
	_ =	strace $0x9FFFFFFF  }
0xc3: {  	(tm) =	ssettm $0x7FFFFFFF  }
tec
execute0_lowered:
.L_overlay_start_1:
0x0: {  	(tag) =	ssettag $0x1  }
0x1: {  	s0 =	rddreg [dreg:$0x0]  }
0x2: {  	s1 =	rddreg [dreg:$0x1]  }
0x3: {  	s2 =	rddreg [dreg:$0x2];
	s24 =	stileid.u32;
	s3 =	simm.s32 $0x0  }
0x4: {  	s5 =	srdreg.scid;
	s28 =	simm.s32 $0x20;
	s4 =	smul.u32 $0x4E20, s24  }
0x5: {  	s31 =	simm.s32 $0x0;
	[smem:$0x7FF] =	sst s3;
	s6 =	smul.u32 $0x7D0, s24  }
0x6: {  	s23 =	sand.u32 $0x1, s5;
	s8 =	smul.u32 $0x27800, s24;
	s12 =	sadd.s32 $0x16200, s1  }
0x7: {  	s22 =	smul.u32 $0x9C00, s24;
	p0 =	sne.s32 s24, $0xF;
	_ =	strace $0x80000047  }
0x8: {  	s5 =	ssub.s32 $0x2, s23;
	s11 =	smul.u32 $0x9C400, s23;
	p1 =	sne.s32 s23, $0x0  }
0x9: {  	s23 =	simm.s32 $0x80;
	s4 =	sshrl.u32 s4, $0x3;
	s6 =	sshrl.u32 s6, $0x3  }
0xa: {  	s7 =	sshrl.u32 s5, $0x1;
	s21 =	sshrl.u32 s8, $0x2;
	s30 =	sadd.s32 s22, s2  }
0xb: {  	s4 =	sadd.s32 s4, s1;
	s1 =	sadd.s32 s6, s1;
	s19 =	ssub.s32 s5, s7  }
0xc: {  	s6 =	sadd.s32 s21, s2;
	s13 =	sshrl.u32 s11, $0x3;
	s14 =	sadd.s32 s22, s11  }
0xd: {  	s21 =	simm.s32 $0x4E20;
	s22 =	simm.s32 $0x9C40;
	s24 =	sshrl.u32 s30, $0x3  }
0xe: {  	s20 =	sadd.s32 $0x2800, s4;
	s4 =	sadd.s32 $0xC440, s4;
	s25 =	sadd.s32 $0x2000, s6  }
0xf: {  	s26 =	sadd.s32 $0x4000, s6;
	s9 =	sadd.s32 $0x6000, s6;
	s10 =	sadd.s32 $0x8000, s6  }
0x10: {  	s11 =	sadd.s32 s0, s13;
	s29 =	sshrl.u32 s14, $0x3;
	s13 =	sadd.s32 s12, s13  }
0x11: {  	s14 =	sadd.s32 $0x3D400, s1;
	s15 =	sadd.s32 $0x3E3A0, s1;
	[dreg:$0x4] =	wrdreg s20  }
0x12: {  	s16 =	sadd.s32 $0x3F340, s1;
	s17 =	sadd.s32 $0x402E0, s1;
	[dreg:$0x5] =	wrdreg s4  }
0x13: {  	s18 =	sadd.s32 $0x41280, s1;
	s19 =	smax.u32 s19, $0x1;
	[dreg:$0x6] =	wrdreg s25  }
0x14: {  	s0 =	simm.s32 $0x11C40;
	s1 =	simm.s32 $0x1;
	[dreg:$0x7] =	wrdreg s26  }
0x15: {  	s12 =	sadd.s32 s12, s29;
	s13 =	sadd.s32 $0x13800, s13;
	s4 =	sadd.s32 $0x9C000, s2  }
0x16: {  	v0 =	vimm.f32 $0.0e+00;
	v1 =	vimm.f32 $1.000000000e+00;
	s20 =	simm.s32 $0x3;
	s26 =	simm.s32 $0x2;
	s25 =	sshrl.u32 @!p0 s4, $0x3  }
.LBB2_1:
0x17: {  	s4 =	rddreg [dreg:$0x4]  }
0x18: {  	[tilespmem:s3], [sflag:$0x3] =	stream.linear.gather [hbm4b:s4+s3], $0x4E20, $0x38;
	[tilespmem:$0x1E1C0] =	vst v63  }
0x19: {  	_ =	swait.ge [sflag:s20], $0x4E20  }
0x1a: {  	[sflag:s20] =	ssyncset.done $0x0  }
0x1b: {  	s7 =	rddreg [dreg:$0x5];
	[sflag:s20] =	ssyncadd.s32 $0xFFFFB1E0  }
0x1c: {  	[tilespmem:s21], [sflag:$0x3] =	stream.linear.gather [hbm4b:s7+s3], $0x4E20, $0x38;
	[tilespmem:$0x1E1C0] =	vst v63  }
0x1d: {  	s8 =	sand.u32 $0x7F00, s3;
	s29 =	sand.u32 $0x30, s3;
	_ =	swait.ge [sflag:s20], $0x4E20  }
0x1e: {  	s30 =	sshrl.u32 s8, $0x2;
	s4 =	simm.s32 $0x40;
	[sflag:s20] =	ssyncset.done $0x0  }
0x1f: {  	s30 =	sor.u32 s29, s30;
	s29 =	simm.s32 $0x0;
	[sflag:s20] =	ssyncadd.s32 $0xFFFFB1E0  }
.LBB2_2:
0x20: {  	p2 =	sne.s32 s4, $0x7FC0  }
0x21: {  	[tilespmem:s30+$0x9C40] =	vst v0;
	s29 =	sadd.s32 $0x10, s29;
	s30 =	smov.u32 s4;
	s4 =	sadd.s32 $0x40, s4  }
.Ltmp0:
0x22: {  	(pc) =	sbr.rel @p2 .LBB2_2-.Ltmp0, $4  }
0x23: {  	_ = 	snop  }
0x24: {  	s30 =	sand.u32 $0x7F00, s30  }
0x25: {  	s5 =	sand.u32 $0x30, s29;
	s30 =	sshrl.u32 s30, $0x2  }
0x26: {  	s30 =	sor.u32 s5, s30  }
0x27: {  	[tilespmem:s30+$0x9C40] =	vst v0  }
0x28: {  	[spmem:s6] =	stream.linear.scatter [tilespmem:s22], [sflag:$0x3], $0x2000, $0x38;
	[tilespmem:$0x1E1C0] =	vst v63  }
0x29: {  	_ =	swait.ge [sflag:s20], $0x2000  }
0x2a: {  	[sflag:s20] =	ssyncset.done $0x0  }
0x2b: {  	s4 =	rddreg [dreg:$0x6];
	[sflag:s20] =	ssyncadd.s32 $0xFFFFE000  }
0x2c: {  	[spmem:s4] =	stream.linear.scatter [tilespmem:s22], [sflag:$0x3], $0x2000, $0x38;
	[tilespmem:$0x1E1C0] =	vst v63  }
0x2d: {  	_ =	swait.ge [sflag:s20], $0x2000  }
0x2e: {  	[sflag:s20] =	ssyncset.done $0x0  }
0x2f: {  	s5 =	rddreg [dreg:$0x7];
	[sflag:s20] =	ssyncadd.s32 $0xFFFFE000  }
0x30: {  	[spmem:s5] =	stream.linear.scatter [tilespmem:s22], [sflag:$0x3], $0x2000, $0x38;
	[tilespmem:$0x1E1C0] =	vst v63  }
0x31: {  	_ =	swait.ge [sflag:s20], $0x2000  }
0x32: {  	[sflag:s20] =	ssyncset.done $0x0  }
0x33: {  	[sflag:s20] =	ssyncadd.s32 $0xFFFFE000  }
0x34: {  	[spmem:s9] =	stream.linear.scatter [tilespmem:s22], [sflag:$0x3], $0x2000, $0x38;
	[tilespmem:$0x1E1C0] =	vst v63  }
0x35: {  	_ =	swait.ge [sflag:s20], $0x2000  }
0x36: {  	[sflag:s20] =	ssyncset.done $0x0  }
0x37: {  	[sflag:s20] =	ssyncadd.s32 $0xFFFFE000  }
0x38: {  	[spmem:s10] =	stream.linear.scatter [tilespmem:s22], [sflag:$0x3], $0x1E00, $0x38;
	[tilespmem:$0x1E1C0] =	vst v63  }
0x39: {  	_ =	swait.ge [sflag:s20], $0x1E00  }
0x3a: {  	[sflag:s20] =	ssyncset.done $0x0  }
0x3b: {  	[sflag:s20] =	ssyncadd.s32 $0xFFFFE200  }
0x3c: {  	s7 =	simm.s32 $0x0;
	[bflag:$0x0] =	sbarrier.arrive $0xFFFF  }
0x3d: {  	[tilespmem:s22], [sflag:$0x1] =	stream.indirect.gather [hbm4b:s11+s23], $0x40, s7, s23, $0xb8;
	[tilespmem:$0x1E1C0] =	vst v63  }
0x3e: {  	s8 =	simm.s32 $0xBC40;
	s30 =	simm.s32 $0x100  }
0x3f: {  	[tilespmem:s8], [sflag:$0x1] =	stream.indirect.gather [hbm4b:s11+s23], $0x40, s23, s23, $0xb8;
	[tilespmem:$0x1E1C0] =	vst v63  }
0x40: {  	s29 =	simm.s32 $0x0;
	s4 =	simm.s32 $0x40;
	s5 =	simm.s32 $0xDC40  }
0x41: {  	[tilespmem:s5], [sflag:$0x1] =	stream.indirect.gather [hbm4b:s11+s23], $0x40, s30, s23, $0xb8;
	[tilespmem:$0x1E1C0] =	vst v63  }
.LBB2_4:
0x42: {  	p2 =	sne.s32 s4, $0x9DC0;
	[tilespmem:s29+$0x11C40] =	vst v0;
	s5 =	smov.u32 s4;
	s4 =	sadd.s32 $0x40, s4  }
.Ltmp1:
0x43: {  	(pc) =	sbr.rel @p2 .LBB2_4-.Ltmp1, $2  }
0x44: {  	_ =	sdelay $0x2  }
0x45: {  	s29 =	sshra.s32 s5, $0x2  }
0x46: {  	[tilespmem:s29+$0x11C40] =	vst v0;
	s29 =	simm.s32 $0x1  }
0x47: {  	_ =	swait.ge [sflag:s29], $0x2000  }
0x48: {  	[sflag:s29] =	ssyncset.done $0x0  }
0x49: {  	s4 =	simm.s32 $0x180;
	s5 =	simm.s32 $0xFC40;
	[sflag:s29] =	ssyncadd.s32 $0xFFFFE000  }
0x4a: {  	[tilespmem:s5], [sflag:$0x1] =	stream.indirect.gather [hbm4b:s11+s23], $0x40, s4, s23, $0xb8;
	[tilespmem:$0x1E1C0] =	vst v63  }
0x4b: {  	_ = 	snop  }
0x4c: {  	[spmem:s2] =	stream.indirect.scatter.add.f32 [tilespmem:s22], [sflag:$0x2], $0x40, s21, s23, $0xb8;
	[tilespmem:$0x1E1C0] =	vst v63  }
0x4d: {  	v2 =	vld [tilespmem:$0x4E20];
	_ =	sdelay $0x7  }
0x4e: {  	[tilespmem:v2+s0+$0x0] =	vst.idx.add.f32.msk $0xffff, v1  }
0x4f: {  	v2 =	vld [tilespmem:$0x4E30];
	_ =	sdelay $0x7  }
0x50: {  	[tilespmem:v2+s0+$0x0] =	vst.idx.add.f32.msk $0xffff, v1  }
0x51: {  	v2 =	vld [tilespmem:$0x4E40];
	_ =	sdelay $0x7  }
0x52: {  	[tilespmem:v2+s0+$0x0] =	vst.idx.add.f32.msk $0xffff, v1  }
0x53: {  	v2 =	vld [tilespmem:$0x4E50];
	_ =	sdelay $0x7  }
0x54: {  	[tilespmem:v2+s0+$0x0] =	vst.idx.add.f32.msk $0xffff, v1  }
0x55: {  	v2 =	vld [tilespmem:$0x4E60];
	_ =	sdelay $0x7  }
0x56: {  	[tilespmem:v2+s0+$0x0] =	vst.idx.add.f32.msk $0xffff, v1  }
0x57: {  	v2 =	vld [tilespmem:$0x4E70];
	_ =	sdelay $0x7  }
0x58: {  	[tilespmem:v2+s0+$0x0] =	vst.idx.add.f32.msk $0xffff, v1  }
0x59: {  	v2 =	vld [tilespmem:$0x4E80];
	_ =	sdelay $0x7  }
0x5a: {  	[tilespmem:v2+s0+$0x0] =	vst.idx.add.f32.msk $0xffff, v1  }
0x5b: {  	v2 =	vld [tilespmem:$0x4E90];
	_ =	sdelay $0x7  }
0x5c: {  	s30 =	simm.s32 $0x0;
	s4 =	simm.s32 $0x20000;
	[tilespmem:v2+s0+$0x0] =	vst.idx.add.f32.msk $0xffff, v1  }
.LBB2_6:
0x5d: {  	_ =	swait.ge [sflag:s1], $0x2000  }
0x5e: {  	[sflag:s1] =	ssyncset.done $0x0  }
0x5f: {  	p2 =	sgt.u32 s29, $0x98;
	[sflag:s1] =	ssyncadd.s32 $0xFFFFE000  }
0x60: {  	s5 =	sand.u32 @!p2 $0x18000, s4;
	s7 =	sshra.s32 @!p2 s30, $0x2;
	_ =	swait.ge [sflag:s26], $0x2000  }
0x61: {  	s8 =	simm.s32 @!p2 $0x80;
	s5 =	sshrl.u32 @!p2 s5, $0x2;
	[sflag:s26] =	ssyncset.done $0x0  }
0x62: {  	s7 =	sadd.s32 @!p2 $0x200, s7;
	s5 =	sor.u32 @!p2 $0x9C40, s5;
	[sflag:s26] =	ssyncadd.s32 $0xFFFFE000  }
0x63: {  	[tilespmem:s5], [sflag:$0x1] =	stream.indirect.gather @!p2 [hbm4b:s11+s8], $0x40, s7, s8, $0xb8;
	[tilespmem:$0x1E1C0] =	vst v63  }
0x64: {  	s8 =	sadd.s32 $0xFFFE8000, s4  }
0x65: {  	s5 =	sand.u32 $0x18000, s8  }
0x66: {  	s7 =	sshra.s32 s30, $0x2;
	s5 =	sshrl.u32 s5, $0x2  }
0x67: {  	s8 =	sadd.s32 $0x4EA0, s7;
	s5 =	sor.u32 $0x9C40, s5  }
0x68: {  	[spmem:s2] =	stream.indirect.scatter.add.f32 [tilespmem:s5], [sflag:$0x2], $0x40, s8, s23, $0xb8;
	[tilespmem:$0x1E1C0] =	vst v63  }
0x69: {  	v2 =	vld [tilespmem:s7+$0x4EA0];
	_ =	sdelay $0x7  }
0x6a: {  	[tilespmem:v2+s0+$0x0] =	vst.idx.add.f32.msk $0xffff, v1  }
0x6b: {  	v2 =	vld [tilespmem:s7+$0x4EB0];
	_ =	sdelay $0x7  }
0x6c: {  	[tilespmem:v2+s0+$0x0] =	vst.idx.add.f32.msk $0xffff, v1  }
0x6d: {  	v2 =	vld [tilespmem:s7+$0x4EC0];
	_ =	sdelay $0x7  }
0x6e: {  	[tilespmem:v2+s0+$0x0] =	vst.idx.add.f32.msk $0xffff, v1  }
0x6f: {  	v2 =	vld [tilespmem:s7+$0x4ED0];
	_ =	sdelay $0x7  }
0x70: {  	[tilespmem:v2+s0+$0x0] =	vst.idx.add.f32.msk $0xffff, v1  }
0x71: {  	v2 =	vld [tilespmem:s7+$0x4EE0];
	_ =	sdelay $0x7  }
0x72: {  	[tilespmem:v2+s0+$0x0] =	vst.idx.add.f32.msk $0xffff, v1  }
0x73: {  	v2 =	vld [tilespmem:s7+$0x4EF0];
	_ =	sdelay $0x7  }
0x74: {  	[tilespmem:v2+s0+$0x0] =	vst.idx.add.f32.msk $0xffff, v1  }
0x75: {  	v2 =	vld [tilespmem:s7+$0x4F00];
	_ =	sdelay $0x7  }
0x76: {  	[tilespmem:v2+s0+$0x0] =	vst.idx.add.f32.msk $0xffff, v1  }
0x77: {  	v2 =	vld [tilespmem:s7+$0x4F10];
	_ =	sdelay $0x1  }
0x78: {  	s30 =	sadd.s32 $0x200, s30  }
0x79: {  	p2 =	sne.s32 s30, $0x13600  }
.Ltmp2:
0x7a: {  	_ = 	snop;
	(pc) =	sbr.rel @p2 .LBB2_6-.Ltmp2, $2  }
0x7b: {  	_ =	sdelay $0x2  }
0x7c: {  	s29 =	sadd.s32 $0x1, s29;
	s4 =	sadd.s32 $0x8000, s4;
	[tilespmem:v2+s0+$0x0] =	vst.idx.add.f32.msk $0xffff, v1  }
0x7d: {  	_ =	swait.ge [sflag:s26], $0x2000  }
0x7e: {  	[sflag:s26] =	ssyncset.done $0x0  }
0x7f: {  	s4 =	simm.s32 $0x4E00;
	[sflag:s26] =	ssyncadd.s32 $0xFFFFE000  }
0x80: {  	[tilespmem:s22], [sflag:$0x1] =	stream.indirect.gather [hbm4b:s11+s28], $0x40, s4, s28, $0xb8;
	[tilespmem:$0x1E1C0] =	vst v63  }
0x81: {  	_ =	swait.ge [sflag:s1], $0x800  }
0x82: {  	[sflag:s1] =	ssyncset.done $0x0  }
0x83: {  	s29 =	simm.s32 $0x9C20;
	[sflag:s1] =	ssyncadd.s32 $0xFFFFF800  }
0x84: {  	[spmem:s2] =	stream.indirect.scatter.add.f32 [tilespmem:s22], [sflag:$0x2], $0x40, s29, s28, $0xb8;
	[tilespmem:$0x1E1C0] =	vst v63  }
0x85: {  	_ =	swait.ge [sflag:s26], $0x800  }
0x86: {  	[sflag:s26] =	ssyncset.done $0x0  }
0x87: {  	[sflag:s26] =	ssyncadd.s32 $0xFFFFF800  }
0x88: {  	v2 =	vld [tilespmem:$0x9C20];
	_ =	sdelay $0x7  }
0x89: {  	[tilespmem:v2+s0+$0x0] =	vst.idx.add.f32.msk $0xffff, v1  }
0x8a: {  	v2 =	vld [tilespmem:$0x9C30];
	_ =	sdelay $0x6  }
0x8b: {  	s30 =	stileid.u32  }
0x8c: {  	s4 =	sshll.u32 s30, $0x6;
	[tilespmem:v2+s0+$0x0] =	vst.idx.add.f32.msk $0xffff, v1  }
0x8d: {  	s4 =	sor.u32 $0x1C03, s4;
	[bflag:$0x0] =	sbarrier.arrive $0xFFFF  }
0x8e: {  	[hbm:s12], [sflag:s4] =	dma.local [spmem:s24], $0x1380  }
0x8f: {  	_ =	swait.ge [sflag:s20], $0x1380  }
0x90: {  	[sflag:s20] =	ssyncset.done $0x0  }
0x91: {  	[sflag:s20] =	ssyncadd.s32 $0xFFFFEC80  }
0x92: {  	[hbm:s13], [sflag:s4] =	dma.local @!p0 [spmem:s25], $0x80  }
0x93: {  	s4 =	simm.s32 @!p0 $0x3  }
0x94: {  	_ =	swait.ge @!p0 [sflag:s4], $0x80  }
0x95: {  	[sflag:s4] =	ssyncset.done @!p0 $0x0  }
0x96: {  	s5 =	simm.s32 @!p1 $0x11C40;
	[sflag:s4] =	ssyncadd.s32 @!p0 $0xFFFFFF80;
	s4 =	simm.s32 @!p1 $0x0  }
0x97: {  	[hbm4b:s14+s4] =	stream.linear.scatter @!p1 [tilespmem:s5], [sflag:$0x3], $0x7D0, $0x38;
	[tilespmem:$0x1E1C0] =	vst v63  }
0x98: {  	s5 =	simm.s32 @!p1 $0x3  }
0x99: {  	_ =	swait.ge @!p1 [sflag:s5], $0x7D0  }
0x9a: {  	[sflag:s5] =	ssyncset.done @!p1 $0x0  }
0x9b: {  	s7 =	simm.s32 @!p1 $0x12410;
	[sflag:s5] =	ssyncadd.s32 @!p1 $0xFFFFF830  }
0x9c: {  	[hbm4b:s15+s4] =	stream.linear.scatter @!p1 [tilespmem:s7], [sflag:$0x3], $0x7D0, $0x38;
	[tilespmem:$0x1E1C0] =	vst v63  }
0x9d: {  	_ =	swait.ge @!p1 [sflag:s5], $0x7D0  }
0x9e: {  	[sflag:s5] =	ssyncset.done @!p1 $0x0  }
0x9f: {  	s7 =	simm.s32 @!p1 $0x12BE0;
	[sflag:s5] =	ssyncadd.s32 @!p1 $0xFFFFF830  }
0xa0: {  	[hbm4b:s16+s4] =	stream.linear.scatter @!p1 [tilespmem:s7], [sflag:$0x3], $0x7D0, $0x38;
	[tilespmem:$0x1E1C0] =	vst v63  }
0xa1: {  	_ =	swait.ge @!p1 [sflag:s5], $0x7D0  }
0xa2: {  	[sflag:s5] =	ssyncset.done @!p1 $0x0  }
0xa3: {  	s7 =	simm.s32 @!p1 $0x133B0;
	[sflag:s5] =	ssyncadd.s32 @!p1 $0xFFFFF830  }
0xa4: {  	[hbm4b:s17+s4] =	stream.linear.scatter @!p1 [tilespmem:s7], [sflag:$0x3], $0x7D0, $0x38;
	[tilespmem:$0x1E1C0] =	vst v63  }
0xa5: {  	s31 =	sadd.s32 $0x1, s31;
	_ =	swait.ge @!p1 [sflag:s5], $0x7D0  }
0xa6: {  	p2 =	sne.s32 s31, s19;
	[sflag:s5] =	ssyncset.done @!p1 $0x0  }
.Ltmp3:
0xa7: {  	s7 =	simm.s32 @!p1 $0x13B80;
	[sflag:s5] =	ssyncadd.s32 @!p1 $0xFFFFF830;
	(pc) =	sbr.rel @p2 .LBB2_1-.Ltmp3, $4  }
0xa8: {  	[hbm4b:s18+s4] =	stream.linear.scatter @!p1 [tilespmem:s7], [sflag:$0x3], $0x7D0, $0x38;
	[tilespmem:$0x1E1C0] =	vst v63  }
0xa9: {  	_ =	swait.ge @!p1 [sflag:s5], $0x7D0  }
0xaa: {  	[sflag:s5] =	ssyncset.done @!p1 $0x0  }
0xab: {  	[sflag:s5] =	ssyncadd.s32 @!p1 $0xFFFFF830  }
0xac: {  	_ =	sfence.sel $0x180000  }
0xad: {  	[bflag:$0x0] =	sbarrier.arrive $0xFFFF  }
0xae: {  	_ =	strace $0x90000047  }
0xaf: {  	s0 =	stileid.u32;
	[bflag:$0x2] =	sbarrier.arrive $0xFFFF  }
0xb0: {  	p0 =	sne.s32 s0, $0x0;
	s0 =	rddreg [dreg:$0x3]  }
0xb1: {  	s0 =	sadd.s32 @!p0 $0x100000, s0  }
0xb2: {  	[sflag:s0] =	ssyncadd.tile.s32 @!p0 $0x1;
	_ =	shalt  }
.Lfunc_end2:
_tile_overlayer_lowered:
.L_overlay_start_2:
0xb3: {  	(tag) =	ssettag $0x2  }
0xb4: {  	s0 =	rddreg [dreg:$0x0];
	s2 =	stileid.u32  }
0xb5: {  	s1 =	rddreg [dreg:$0x1];
	p0 =	sne.s32 s2, $0x0  }
0xb6: {  	s3 =	rddreg [dreg:$0x2];
	[bflag:$0x3] =	sbarrier.arrive $0xFFFF;
	s2 =	simm.s32 @!p0 $0x1C03  }
0xb7: {  	[timem:s3], [sflag:s2] =	dma.local @!p0 [hbm:s0], s1  }
0xb8: {  	s0 =	simm.s32 @!p0 $0x3  }
0xb9: {  	_ =	swait.ge @!p0 [sflag:s0], s1  }
0xba: {  	s1 =	ssub.s32 @!p0 $0x0, s1;
	[sflag:s0] =	ssyncset.done @!p0 $0x0  }
0xbb: {  	[sflag:s0] =	ssyncadd.s32 @!p0 s1  }
0xbc: {  	[bflag:$0x3] =	sbarrier.arrive $0xFFFF  }
0xbd: {  	_ =	shalt  }

</sc_bundles>
